<compile_context>
chip_gen: v7x
topology: tpu7x:2x2x1
jax: 0.10.2.dev20260603
libtpu: 0.0.44.dev20260713+nightly
codegen_flags: <defaults>
</compile_context>

<pallas_src>
import functools

import jax
import jax.numpy as jnp
from jax import lax
from jax.experimental import pallas as pl
from jax.experimental.pallas import tpu as pltpu
from jax.experimental.pallas import tpu_sc as plsc

_B = 1024
_N = 320000
_D = 128
_NQ = 8

_NC = 2
_NS = 16
_L = 16
_NW = _NC * _NS
_SPW = _B // _NW
_NV = _D // _L
_CH = 256
_OFFS_LEN = 64

_mesh = plsc.VectorSubcoreMesh(core_axis_name="c", subcore_axis_name="s")


@functools.partial(
    pl.kernel,
    out_type=(
        jax.ShapeDtypeStruct((_B, _D), jnp.float32),
        jax.ShapeDtypeStruct((_B, _D), jnp.float32),
        jax.ShapeDtypeStruct((_B, _D), jnp.float32),
        jax.ShapeDtypeStruct((_B, _L), jnp.float32),
    ),
    mesh=_mesh,
    scratch_types=[
        pltpu.VMEM((_OFFS_LEN,), jnp.int32),
        pltpu.VMEM((2 * _CH, _D), jnp.float32),
        pltpu.VMEM((_SPW, _D), jnp.float32),
        pltpu.VMEM((_SPW, _D), jnp.float32),
        pltpu.VMEM((_SPW, _D), jnp.float32),
        pltpu.VMEM((_SPW, _L), jnp.float32),
        pltpu.SemaphoreType.DMA,
    ],
)
def _sc_stats(x_hbm, offs_hbm, sum_hbm, sq_hbm, mx_hbm, cnt_hbm,
              offs_v, xbuf, acc_sum, acc_sq, acc_mx, acc_cnt, sem):
    w = lax.axis_index("s") * _NC + lax.axis_index("c")
    seg0 = w * _SPW
    pltpu.sync_copy(offs_hbm.at[pl.ds(seg0, _OFFS_LEN)], offs_v)

    def _off(i):
        return offs_v[pl.ds(i, _L)][0]

    zeros = jnp.zeros((_L,), jnp.float32)
    ones = jnp.ones((_L,), jnp.float32)
    neginf = jnp.full((_L,), -jnp.inf, jnp.float32)

    def init_body(s, carry):
        cnt = (_off(s + 1) - _off(s)).astype(jnp.float32)
        acc_cnt[s, :] = ones * cnt
        for v in range(_NV):
            sl = pl.ds(v * _L, _L)
            acc_sum[s, sl] = zeros
            acc_sq[s, sl] = zeros
            acc_mx[s, sl] = neginf
        return carry

    lax.fori_loop(0, _SPW, init_body, 0)

    row0 = _off(0)
    row_end = _off(_SPW)
    k0 = row0 // _CH
    k1 = (row_end - 1) // _CH
    nonempty = row_end > row0

    @pl.when(nonempty)
    def _():
        src0 = pl.multiple_of(k0 * _CH, _CH)
        pltpu.async_copy(x_hbm.at[pl.ds(src0, _CH), :],
                         xbuf.at[pl.ds(0, _CH), :], sem)

    @pl.when(jnp.logical_and(nonempty, k0 + 1 <= k1))
    def _():
        src1 = pl.multiple_of((k0 + 1) * _CH, _CH)
        pltpu.async_copy(x_hbm.at[pl.ds(src1, _CH), :],
                         xbuf.at[pl.ds(_CH, _CH), :], sem)

    npieces = (k1 - k0 + 1) + _SPW + 1

    def piece_body(i, st):
        s, r, hk = st
        need = jnp.logical_and(r >= (hk + 1) * _CH, r < row_end)
        hk_new = jnp.where(need, hk + 1, hk)

        @pl.when(need)
        def _():
            pltpu.make_async_copy(x_hbm.at[pl.ds(0, _CH), :],
                                  xbuf.at[pl.ds(0, _CH), :], sem).wait()
            nk = hk_new + 1

            @pl.when(jnp.logical_and(hk_new > k0, nk <= k1))
            def _():
                src = pl.multiple_of(nk * _CH, _CH)
                dst = pl.multiple_of(lax.rem(nk - k0, 2) * _CH, _CH)
                pltpu.async_copy(x_hbm.at[pl.ds(src, _CH), :],
                                 xbuf.at[pl.ds(dst, _CH), :], sem)

        p = lax.rem(hk_new - k0, 2)
        base = (hk_new - p) * _CH
        ck_end = (hk_new + 1) * _CH

        se = _off(s + 1)
        pe = jnp.minimum(jnp.minimum(se, ck_end), row_end)
        pe = jnp.maximum(pe, r)

        rb0 = r - base

        def row2_body(i, regs):
            ra = rb0 + 2 * i
            ns, nq, nm = [], [], []
            for v in range(_NV):
                sl = pl.ds(v * _L, _L)
                xa = xbuf[ra, sl]
                xb = xbuf[ra + 1, sl]
                ns.append(regs[0][v] + (xa + xb))
                nq.append(regs[1][v] + (xa * xa + xb * xb))
                nm.append(jnp.maximum(regs[2][v], jnp.maximum(xa, xb)))
            return (tuple(ns), tuple(nq), tuple(nm))

        def row_body(r2, regs):
            idx = r2 - base
            new = []
            for v in range(_NV):
                xv = xbuf[idx, pl.ds(v * _L, _L)]
                new.append((regs[0][v] + xv,
                            regs[1][v] + xv * xv,
                            jnp.maximum(regs[2][v], xv)))
            return (tuple(t[0] for t in new),
                    tuple(t[1] for t in new),
                    tuple(t[2] for t in new))

        init = ((zeros,) * _NV, (zeros,) * _NV, (neginf,) * _NV)
        half = (pe - r) // 2
        regs = lax.fori_loop(0, half, row2_body, init)
        regs = lax.fori_loop(r + 2 * half, pe, row_body, regs)
        s_cl = jnp.minimum(s, _SPW - 1)
        for v in range(_NV):
            sl = pl.ds(v * _L, _L)
            acc_sum[s_cl, sl] = acc_sum[s_cl, sl] + regs[0][v]
            acc_sq[s_cl, sl] = acc_sq[s_cl, sl] + regs[1][v]
            acc_mx[s_cl, sl] = jnp.maximum(acc_mx[s_cl, sl], regs[2][v])
        s_next = jnp.where(pe >= se, jnp.minimum(s + 1, _SPW), s)
        return (s_next, pe, hk_new)

    lax.fori_loop(0, npieces, piece_body, (0, row0, k0 - 1))

    pltpu.sync_copy(acc_sum, sum_hbm.at[pl.ds(seg0, _SPW)])
    pltpu.sync_copy(acc_sq, sq_hbm.at[pl.ds(seg0, _SPW)])
    pltpu.sync_copy(acc_mx, mx_hbm.at[pl.ds(seg0, _SPW)])
    pltpu.sync_copy(acc_cnt, cnt_hbm.at[pl.ds(seg0, _SPW)])


def _tc_finalize(sum_ref, sq_ref, mx_ref, cnt_ref, w1a, w1b, w1c, b1r, w2r,
                 b2r, out_ref):
    cnt = jnp.maximum(cnt_ref[:, 0:1], 1.0)
    inv = 1.0 / cnt
    mean = sum_ref[:] * inv
    var = jnp.maximum(sq_ref[:] * inv - mean * mean, 0.0)
    std = jnp.sqrt(var + 1e-8)
    h = jnp.dot(mean, w1a[:], preferred_element_type=jnp.float32)
    h = h + jnp.dot(mx_ref[:], w1b[:], preferred_element_type=jnp.float32)
    h = h + jnp.dot(std, w1c[:], preferred_element_type=jnp.float32)
    h = jnp.maximum(h + b1r[:], 0.0)
    z = jnp.dot(h, w2r[:], preferred_element_type=jnp.float32) + b2r[:]
    out_ref[:] = jnp.tanh(z) * jnp.pi


def kernel(x, batch, W1, b1, W2, b2):
    batch = batch.astype(jnp.int32)
    counts = jnp.zeros((_B,), jnp.int32).at[batch].add(1)
    offs = jnp.concatenate(
        [jnp.zeros((1,), jnp.int32), jnp.cumsum(counts).astype(jnp.int32)]
    )
    pad = _B - 1 + _OFFS_LEN - (_B + 1)
    offs = jnp.concatenate([offs, jnp.full((pad,), _N, jnp.int32)])

    sums, sqs, mxs, cnts = _sc_stats(x, offs)

    z = pl.pallas_call(
        _tc_finalize,
        out_shape=jax.ShapeDtypeStruct((_B, _NQ), jnp.float32),
    )(sums, sqs, mxs, cnts,
      W1[0:_D], W1[_D:2 * _D], W1[2 * _D:3 * _D],
      b1.reshape(1, -1), W2, b2.reshape(1, -1))
    return z

# --- scband reference (transcript-rebuilt; emitter-appended) ---
"""Pipeline reference for scband-feature-stats-pooling-16020228014512 (READ-ONLY COPY).

The authoritative reference and input builder live on the scoring server;
editing this copy changes nothing except your own understanding.
"""

import jax, jax.numpy as jnp
import numpy as np

B = 1024
N = 320000
D = 128
NQ = 8


def setup_inputs(seed: int = 0) -> dict:
    key = jax.random.key(seed)
    k1, k2, k3, k4, k5, k6 = jax.random.split(key, 6)
    x = jax.random.normal(k1, (N, D), dtype=jnp.float32)
    batch = jnp.sort(jax.random.randint(k2, (N,), 0, B)).astype(jnp.int64)
    lim1 = 1.0 / np.sqrt(3 * D)
    W1 = jax.random.uniform(k3, (3 * D, 32), minval=-lim1, maxval=lim1, dtype=jnp.float32)
    b1 = jax.random.uniform(k4, (32,), minval=-lim1, maxval=lim1, dtype=jnp.float32)
    lim2 = 1.0 / np.sqrt(32)
    W2 = jax.random.uniform(k5, (32, NQ), minval=-lim2, maxval=lim2, dtype=jnp.float32)
    b2 = jax.random.uniform(k6, (NQ,), minval=-lim2, maxval=lim2, dtype=jnp.float32)
    return {"x": x, "batch": batch, "W1": W1, "b1": b1, "W2": W2, "b2": b2}


def reference(x, batch, W1, b1, W2, b2):
    counts = jax.ops.segment_sum(jnp.ones((x.shape[0],), dtype=x.dtype), batch, num_segments=B)
    counts = jnp.maximum(counts, 1.0)
    g_mean = jax.ops.segment_sum(x, batch, num_segments=B) / counts[:, None]
    g_max = jax.ops.segment_max(x, batch, num_segments=B)
    mean_exp = g_mean[batch]
    var = jax.ops.segment_sum((x - mean_exp) ** 2, batch, num_segments=B) / counts[:, None]
    g_std = jnp.sqrt(var + 1e-08)
    g = jnp.concatenate([g_mean, g_max, g_std], axis=1)
    h = jnp.maximum(g @ W1 + b1, 0.0)
    z = jnp.tanh(h @ W2 + b2) * jnp.pi
    return z

if __name__ == "__main__":
    import jax
    _d = setup_inputs()
    print(jax.jit(kernel)(*tuple(_d.values())))

</pallas_src>

<mosaic_0001>
#map = affine_map<(d0, d1) -> (0, 0)>
#map1 = affine_map<(d0, d1) -> (0)>
module attributes {stable_mosaic.version = 14 : i64} {
  func.func @_sc_stats(%arg0: i32, %arg1: i32, %arg2: memref<320000x128xf32, #tpu.memory_space<hbm>>, %arg3: memref<1087xi32, #tpu.memory_space<hbm>>, %arg4: memref<1024x128xf32, #tpu.memory_space<hbm>>, %arg5: memref<1024x128xf32, #tpu.memory_space<hbm>>, %arg6: memref<1024x128xf32, #tpu.memory_space<hbm>>, %arg7: memref<1024x16xf32, #tpu.memory_space<hbm>>, %arg8: memref<64xi32, #tpu.memory_space<vmem>>, %arg9: memref<512x128xf32, #tpu.memory_space<vmem>>, %arg10: memref<32x128xf32, #tpu.memory_space<vmem>>, %arg11: memref<32x128xf32, #tpu.memory_space<vmem>>, %arg12: memref<32x128xf32, #tpu.memory_space<vmem>>, %arg13: memref<32x16xf32, #tpu.memory_space<vmem>>, %arg14: memref<!tpu.dma_semaphore, #tpu.memory_space<semaphore_mem>>) attributes {dimension_semantics = [#tpu.dimension_semantics<core_parallel>, #tpu.dimension_semantics<subcore_parallel>], iteration_bounds = array<i64: 2, 16>, scalar_prefetch = 0 : i64, scratch_operands = 7 : i64, tpu.core_type = #tpu.core_type<sc_vector_subcore>, window_params = [{transform_indices = #map}, {transform_indices = #map1}, {transform_indices = #map}, {transform_indices = #map}, {transform_indices = #map}, {transform_indices = #map}]} {
    %mul3A = arith.constant 2 : i32
    %mul3A_0 = arith.muli %arg1, %mul3A : i32
    %add3A = arith.addi %mul3A_0, %arg0 : i32
    %mul3A_1 = arith.constant 32 : i32
    %mul3A_2 = arith.muli %add3A, %mul3A_1 : i32
    "tpu.region"() ({
      %run_scoped3A = tpu.sem_alloc : memref<!tpu.dma_semaphore, #tpu.memory_space<semaphore_mem>>
      %dma_start3A = tpu.memref_slice %arg3[%mul3A_2] : memref<1087xi32, #tpu.memory_space<hbm>> -> memref<64xi32, #tpu.memory_space<hbm>>
      %dma_start3A_89 = tpu.memref_slice %arg3[%mul3A_2] : memref<1087xi32, #tpu.memory_space<hbm>> -> memref<64xi32, #tpu.memory_space<hbm>>
      tpu.enqueue_dma source(%dma_start3A_89 : memref<64xi32, #tpu.memory_space<hbm>>) target(%arg8 : memref<64xi32, #tpu.memory_space<vmem>>) target_semaphore(%run_scoped3A : memref<!tpu.dma_semaphore, #tpu.memory_space<semaphore_mem>>)
      %dma_wait3A = tpu.memref_slice %arg3[%mul3A_2] : memref<1087xi32, #tpu.memory_space<hbm>> -> memref<64xi32, #tpu.memory_space<hbm>>
      %dma_wait3A_90 = tpu.memref_slice %arg3[%mul3A_2] : memref<1087xi32, #tpu.memory_space<hbm>> -> memref<64xi32, #tpu.memory_space<hbm>>
      tpu.wait_dma2 semaphore(%run_scoped3A : memref<!tpu.dma_semaphore, #tpu.memory_space<semaphore_mem>>) src(%dma_wait3A_90 : memref<64xi32, #tpu.memory_space<hbm>>) dst(%arg8 : memref<64xi32, #tpu.memory_space<vmem>>)
      tpu.yield
    }) : () -> ()
    %broadcast_in_dim3A = arith.constant 0.000000e+00 : f32
    %broadcast_in_dim3A_3 = vector.broadcast %broadcast_in_dim3A : f32 to vector<16xf32>
    %broadcast_in_dim3A_4 = arith.constant 1.000000e+00 : f32
    %broadcast_in_dim3A_5 = vector.broadcast %broadcast_in_dim3A_4 : f32 to vector<16xf32>
    %broadcast_in_dim3A_6 = arith.constant 0xFF800000 : f32
    %broadcast_in_dim3A_7 = vector.broadcast %broadcast_in_dim3A_6 : f32 to vector<16xf32>
    %scan3A = arith.constant 0 : i32
    %scan3A_8 = arith.constant 0 : i32
    %scan3A_9 = arith.constant 32 : i32
    %scan3A_10 = arith.addi %scan3A_8, %scan3A_9 : i32
    %scan3A_11 = arith.constant 1 : i32
    scf.for %scan3A_89 = %scan3A_8 to %scan3A_10 step %scan3A_11  : i32 {
      %add3A_90 = arith.constant 1 : i32
      %add3A_91 = arith.addi %scan3A_89, %add3A_90 : i32
      %get3A_92 = arith.index_cast %add3A_91 : i32 to index
      %get3A_93 = tpu.vector_load %arg8[%get3A_92] {strides = array<i32>} : memref<64xi32, #tpu.memory_space<vmem>>, vector<16xi32>,
      %get3A_94 = vector.shape_cast %get3A_93 : vector<16xi32> to vector<16xi32>
      %slice3A_95 = vector.extract_strided_slice %get3A_94 {offsets = [0], sizes = [1], strides = [1]} : vector<16xi32> to vector<1xi32>
      %squeeze3A_96 = vector.extract %slice3A_95[0] : i32 from vector<1xi32>
      %get3A_97 = arith.index_cast %scan3A_89 : i32 to index
      %get3A_98 = tpu.vector_load %arg8[%get3A_97] {strides = array<i32>} : memref<64xi32, #tpu.memory_space<vmem>>, vector<16xi32>,
      %get3A_99 = vector.shape_cast %get3A_98 : vector<16xi32> to vector<16xi32>
      %slice3A_100 = vector.extract_strided_slice %get3A_99 {offsets = [0], sizes = [1], strides = [1]} : vector<16xi32> to vector<1xi32>
      %squeeze3A_101 = vector.extract %slice3A_100[0] : i32 from vector<1xi32>
      %sub3A_102 = arith.subi %squeeze3A_96, %squeeze3A_101 : i32
      %convert_element_type3A_103 = arith.sitofp %sub3A_102 : i32 to f32
      %mul3A_104 = vector.broadcast %convert_element_type3A_103 : f32 to vector<16xf32>
      %mul3A_105 = arith.mulf %broadcast_in_dim3A_5, %mul3A_104 : vector<16xf32>
      %swap3A = arith.index_cast %scan3A_89 : i32 to index
      %swap3A_106 = arith.constant 0 : index
      %swap3A_107 = tpu.vector_load %arg13[%swap3A, %swap3A_106] {strides = array<i32>} : memref<32x16xf32, #tpu.memory_space<vmem>>, vector<1x16xf32>,
      %swap3A_108 = vector.shape_cast %swap3A_107 : vector<1x16xf32> to vector<16xf32>
      %swap3A_109 = vector.shape_cast %mul3A_105 : vector<16xf32> to vector<1x16xf32>
      tpu.vector_store %arg13[%swap3A, %swap3A_106], %swap3A_109 {strides = array<i32>} : memref<32x16xf32, #tpu.memory_space<vmem>>, vector<1x16xf32>,
      %swap3A_110 = arith.index_cast %scan3A_89 : i32 to index
      %swap3A_111 = arith.constant 0 : index
      %swap3A_112 = tpu.vector_load %arg10[%swap3A_110, %swap3A_111] {strides = array<i32>} : memref<32x128xf32, #tpu.memory_space<vmem>>, vector<1x16xf32>,
      %swap3A_113 = vector.shape_cast %swap3A_112 : vector<1x16xf32> to vector<16xf32>
      %swap3A_114 = vector.shape_cast %broadcast_in_dim3A_3 : vector<16xf32> to vector<1x16xf32>
      tpu.vector_store %arg10[%swap3A_110, %swap3A_111], %swap3A_114 {strides = array<i32>} : memref<32x128xf32, #tpu.memory_space<vmem>>, vector<1x16xf32>,
      %swap3A_115 = arith.index_cast %scan3A_89 : i32 to index
      %swap3A_116 = arith.constant 0 : index
      %swap3A_117 = tpu.vector_load %arg11[%swap3A_115, %swap3A_116] {strides = array<i32>} : memref<32x128xf32, #tpu.memory_space<vmem>>, vector<1x16xf32>,
      %swap3A_118 = vector.shape_cast %swap3A_117 : vector<1x16xf32> to vector<16xf32>
      %swap3A_119 = vector.shape_cast %broadcast_in_dim3A_3 : vector<16xf32> to vector<1x16xf32>
      tpu.vector_store %arg11[%swap3A_115, %swap3A_116], %swap3A_119 {strides = array<i32>} : memref<32x128xf32, #tpu.memory_space<vmem>>, vector<1x16xf32>,
      %swap3A_120 = arith.index_cast %scan3A_89 : i32 to index
      %swap3A_121 = arith.constant 0 : index
      %swap3A_122 = tpu.vector_load %arg12[%swap3A_120, %swap3A_121] {strides = array<i32>} : memref<32x128xf32, #tpu.memory_space<vmem>>, vector<1x16xf32>,
      %swap3A_123 = vector.shape_cast %swap3A_122 : vector<1x16xf32> to vector<16xf32>
      %swap3A_124 = vector.shape_cast %broadcast_in_dim3A_7 : vector<16xf32> to vector<1x16xf32>
      tpu.vector_store %arg12[%swap3A_120, %swap3A_121], %swap3A_124 {strides = array<i32>} : memref<32x128xf32, #tpu.memory_space<vmem>>, vector<1x16xf32>,
      %swap3A_125 = arith.index_cast %scan3A_89 : i32 to index
      %swap3A_126 = arith.constant 16 : index
      %swap3A_127 = tpu.vector_load %arg10[%swap3A_125, %swap3A_126] {strides = array<i32>} : memref<32x128xf32, #tpu.memory_space<vmem>>, vector<1x16xf32>,
      %swap3A_128 = vector.shape_cast %swap3A_127 : vector<1x16xf32> to vector<16xf32>
      %swap3A_129 = vector.shape_cast %broadcast_in_dim3A_3 : vector<16xf32> to vector<1x16xf32>
      tpu.vector_store %arg10[%swap3A_125, %swap3A_126], %swap3A_129 {strides = array<i32>} : memref<32x128xf32, #tpu.memory_space<vmem>>, vector<1x16xf32>,
      %swap3A_130 = arith.index_cast %scan3A_89 : i32 to index
      %swap3A_131 = arith.constant 16 : index
      %swap3A_132 = tpu.vector_load %arg11[%swap3A_130, %swap3A_131] {strides = array<i32>} : memref<32x128xf32, #tpu.memory_space<vmem>>, vector<1x16xf32>,
      %swap3A_133 = vector.shape_cast %swap3A_132 : vector<1x16xf32> to vector<16xf32>
      %swap3A_134 = vector.shape_cast %broadcast_in_dim3A_3 : vector<16xf32> to vector<1x16xf32>
      tpu.vector_store %arg11[%swap3A_130, %swap3A_131], %swap3A_134 {strides = array<i32>} : memref<32x128xf32, #tpu.memory_space<vmem>>, vector<1x16xf32>,
      %swap3A_135 = arith.index_cast %scan3A_89 : i32 to index
      %swap3A_136 = arith.constant 16 : index
      %swap3A_137 = tpu.vector_load %arg12[%swap3A_135, %swap3A_136] {strides = array<i32>} : memref<32x128xf32, #tpu.memory_space<vmem>>, vector<1x16xf32>,
      %swap3A_138 = vector.shape_cast %swap3A_137 : vector<1x16xf32> to vector<16xf32>
      %swap3A_139 = vector.shape_cast %broadcast_in_dim3A_7 : vector<16xf32> to vector<1x16xf32>
      tpu.vector_store %arg12[%swap3A_135, %swap3A_136], %swap3A_139 {strides = array<i32>} : memref<32x128xf32, #tpu.memory_space<vmem>>, vector<1x16xf32>,
      %swap3A_140 = arith.index_cast %scan3A_89 : i32 to index
      %swap3A_141 = arith.constant 32 : index
      %swap3A_142 = tpu.vector_load %arg10[%swap3A_140, %swap3A_141] {strides = array<i32>} : memref<32x128xf32, #tpu.memory_space<vmem>>, vector<1x16xf32>,
      %swap3A_143 = vector.shape_cast %swap3A_142 : vector<1x16xf32> to vector<16xf32>
      %swap3A_144 = vector.shape_cast %broadcast_in_dim3A_3 : vector<16xf32> to vector<1x16xf32>
      tpu.vector_store %arg10[%swap3A_140, %swap3A_141], %swap3A_144 {strides = array<i32>} : memref<32x128xf32, #tpu.memory_space<vmem>>, vector<1x16xf32>,
      %swap3A_145 = arith.index_cast %scan3A_89 : i32 to index
      %swap3A_146 = arith.constant 32 : index
      %swap3A_147 = tpu.vector_load %arg11[%swap3A_145, %swap3A_146] {strides = array<i32>} : memref<32x128xf32, #tpu.memory_space<vmem>>, vector<1x16xf32>,
      %swap3A_148 = vector.shape_cast %swap3A_147 : vector<1x16xf32> to vector<16xf32>
      %swap3A_149 = vector.shape_cast %broadcast_in_dim3A_3 : vector<16xf32> to vector<1x16xf32>
      tpu.vector_store %arg11[%swap3A_145, %swap3A_146], %swap3A_149 {strides = array<i32>} : memref<32x128xf32, #tpu.memory_space<vmem>>, vector<1x16xf32>,
      %swap3A_150 = arith.index_cast %scan3A_89 : i32 to index
      %swap3A_151 = arith.constant 32 : index
      %swap3A_152 = tpu.vector_load %arg12[%swap3A_150, %swap3A_151] {strides = array<i32>} : memref<32x128xf32, #tpu.memory_space<vmem>>, vector<1x16xf32>,
      %swap3A_153 = vector.shape_cast %swap3A_152 : vector<1x16xf32> to vector<16xf32>
      %swap3A_154 = vector.shape_cast %broadcast_in_dim3A_7 : vector<16xf32> to vector<1x16xf32>
      tpu.vector_store %arg12[%swap3A_150, %swap3A_151], %swap3A_154 {strides = array<i32>} : memref<32x128xf32, #tpu.memory_space<vmem>>, vector<1x16xf32>,
      %swap3A_155 = arith.index_cast %scan3A_89 : i32 to index
      %swap3A_156 = arith.constant 48 : index
      %swap3A_157 = tpu.vector_load %arg10[%swap3A_155, %swap3A_156] {strides = array<i32>} : memref<32x128xf32, #tpu.memory_space<vmem>>, vector<1x16xf32>,
      %swap3A_158 = vector.shape_cast %swap3A_157 : vector<1x16xf32> to vector<16xf32>
      %swap3A_159 = vector.shape_cast %broadcast_in_dim3A_3 : vector<16xf32> to vector<1x16xf32>
      tpu.vector_store %arg10[%swap3A_155, %swap3A_156], %swap3A_159 {strides = array<i32>} : memref<32x128xf32, #tpu.memory_space<vmem>>, vector<1x16xf32>,
      %swap3A_160 = arith.index_cast %scan3A_89 : i32 to index
      %swap3A_161 = arith.constant 48 : index
      %swap3A_162 = tpu.vector_load %arg11[%swap3A_160, %swap3A_161] {strides = array<i32>} : memref<32x128xf32, #tpu.memory_space<vmem>>, vector<1x16xf32>,
      %swap3A_163 = vector.shape_cast %swap3A_162 : vector<1x16xf32> to vector<16xf32>
      %swap3A_164 = vector.shape_cast %broadcast_in_dim3A_3 : vector<16xf32> to vector<1x16xf32>
      tpu.vector_store %arg11[%swap3A_160, %swap3A_161], %swap3A_164 {strides = array<i32>} : memref<32x128xf32, #tpu.memory_space<vmem>>, vector<1x16xf32>,
      %swap3A_165 = arith.index_cast %scan3A_89 : i32 to index
      %swap3A_166 = arith.constant 48 : index
      %swap3A_167 = tpu.vector_load %arg12[%swap3A_165, %swap3A_166] {strides = array<i32>} : memref<32x128xf32, #tpu.memory_space<vmem>>, vector<1x16xf32>,
      %swap3A_168 = vector.shape_cast %swap3A_167 : vector<1x16xf32> to vector<16xf32>
      %swap3A_169 = vector.shape_cast %broadcast_in_dim3A_7 : vector<16xf32> to vector<1x16xf32>
      tpu.vector_store %arg12[%swap3A_165, %swap3A_166], %swap3A_169 {strides = array<i32>} : memref<32x128xf32, #tpu.memory_space<vmem>>, vector<1x16xf32>,
      %swap3A_170 = arith.index_cast %scan3A_89 : i32 to index
      %swap3A_171 = arith.constant 64 : index
      %swap3A_172 = tpu.vector_load %arg10[%swap3A_170, %swap3A_171] {strides = array<i32>} : memref<32x128xf32, #tpu.memory_space<vmem>>, vector<1x16xf32>,
      %swap3A_173 = vector.shape_cast %swap3A_172 : vector<1x16xf32> to vector<16xf32>
      %swap3A_174 = vector.shape_cast %broadcast_in_dim3A_3 : vector<16xf32> to vector<1x16xf32>
      tpu.vector_store %arg10[%swap3A_170, %swap3A_171], %swap3A_174 {strides = array<i32>} : memref<32x128xf32, #tpu.memory_space<vmem>>, vector<1x16xf32>,
      %swap3A_175 = arith.index_cast %scan3A_89 : i32 to index
      %swap3A_176 = arith.constant 64 : index
      %swap3A_177 = tpu.vector_load %arg11[%swap3A_175, %swap3A_176] {strides = array<i32>} : memref<32x128xf32, #tpu.memory_space<vmem>>, vector<1x16xf32>,
      %swap3A_178 = vector.shape_cast %swap3A_177 : vector<1x16xf32> to vector<16xf32>
      %swap3A_179 = vector.shape_cast %broadcast_in_dim3A_3 : vector<16xf32> to vector<1x16xf32>
      tpu.vector_store %arg11[%swap3A_175, %swap3A_176], %swap3A_179 {strides = array<i32>} : memref<32x128xf32, #tpu.memory_space<vmem>>, vector<1x16xf32>,
      %swap3A_180 = arith.index_cast %scan3A_89 : i32 to index
      %swap3A_181 = arith.constant 64 : index
      %swap3A_182 = tpu.vector_load %arg12[%swap3A_180, %swap3A_181] {strides = array<i32>} : memref<32x128xf32, #tpu.memory_space<vmem>>, vector<1x16xf32>,
      %swap3A_183 = vector.shape_cast %swap3A_182 : vector<1x16xf32> to vector<16xf32>
      %swap3A_184 = vector.shape_cast %broadcast_in_dim3A_7 : vector<16xf32> to vector<1x16xf32>
      tpu.vector_store %arg12[%swap3A_180, %swap3A_181], %swap3A_184 {strides = array<i32>} : memref<32x128xf32, #tpu.memory_space<vmem>>, vector<1x16xf32>,
      %swap3A_185 = arith.index_cast %scan3A_89 : i32 to index
      %swap3A_186 = arith.constant 80 : index
      %swap3A_187 = tpu.vector_load %arg10[%swap3A_185, %swap3A_186] {strides = array<i32>} : memref<32x128xf32, #tpu.memory_space<vmem>>, vector<1x16xf32>,
      %swap3A_188 = vector.shape_cast %swap3A_187 : vector<1x16xf32> to vector<16xf32>
      %swap3A_189 = vector.shape_cast %broadcast_in_dim3A_3 : vector<16xf32> to vector<1x16xf32>
      tpu.vector_store %arg10[%swap3A_185, %swap3A_186], %swap3A_189 {strides = array<i32>} : memref<32x128xf32, #tpu.memory_space<vmem>>, vector<1x16xf32>,
      %swap3A_190 = arith.index_cast %scan3A_89 : i32 to index
      %swap3A_191 = arith.constant 80 : index
      %swap3A_192 = tpu.vector_load %arg11[%swap3A_190, %swap3A_191] {strides = array<i32>} : memref<32x128xf32, #tpu.memory_space<vmem>>, vector<1x16xf32>,
      %swap3A_193 = vector.shape_cast %swap3A_192 : vector<1x16xf32> to vector<16xf32>
      %swap3A_194 = vector.shape_cast %broadcast_in_dim3A_3 : vector<16xf32> to vector<1x16xf32>
      tpu.vector_store %arg11[%swap3A_190, %swap3A_191], %swap3A_194 {strides = array<i32>} : memref<32x128xf32, #tpu.memory_space<vmem>>, vector<1x16xf32>,
      %swap3A_195 = arith.index_cast %scan3A_89 : i32 to index
      %swap3A_196 = arith.constant 80 : index
      %swap3A_197 = tpu.vector_load %arg12[%swap3A_195, %swap3A_196] {strides = array<i32>} : memref<32x128xf32, #tpu.memory_space<vmem>>, vector<1x16xf32>,
      %swap3A_198 = vector.shape_cast %swap3A_197 : vector<1x16xf32> to vector<16xf32>
      %swap3A_199 = vector.shape_cast %broadcast_in_dim3A_7 : vector<16xf32> to vector<1x16xf32>
      tpu.vector_store %arg12[%swap3A_195, %swap3A_196], %swap3A_199 {strides = array<i32>} : memref<32x128xf32, #tpu.memory_space<vmem>>, vector<1x16xf32>,
      %swap3A_200 = arith.index_cast %scan3A_89 : i32 to index
      %swap3A_201 = arith.constant 96 : index
      %swap3A_202 = tpu.vector_load %arg10[%swap3A_200, %swap3A_201] {strides = array<i32>} : memref<32x128xf32, #tpu.memory_space<vmem>>, vector<1x16xf32>,
      %swap3A_203 = vector.shape_cast %swap3A_202 : vector<1x16xf32> to vector<16xf32>
      %swap3A_204 = vector.shape_cast %broadcast_in_dim3A_3 : vector<16xf32> to vector<1x16xf32>
      tpu.vector_store %arg10[%swap3A_200, %swap3A_201], %swap3A_204 {strides = array<i32>} : memref<32x128xf32, #tpu.memory_space<vmem>>, vector<1x16xf32>,
      %swap3A_205 = arith.index_cast %scan3A_89 : i32 to index
      %swap3A_206 = arith.constant 96 : index
      %swap3A_207 = tpu.vector_load %arg11[%swap3A_205, %swap3A_206] {strides = array<i32>} : memref<32x128xf32, #tpu.memory_space<vmem>>, vector<1x16xf32>,
      %swap3A_208 = vector.shape_cast %swap3A_207 : vector<1x16xf32> to vector<16xf32>
      %swap3A_209 = vector.shape_cast %broadcast_in_dim3A_3 : vector<16xf32> to vector<1x16xf32>
      tpu.vector_store %arg11[%swap3A_205, %swap3A_206], %swap3A_209 {strides = array<i32>} : memref<32x128xf32, #tpu.memory_space<vmem>>, vector<1x16xf32>,
      %swap3A_210 = arith.index_cast %scan3A_89 : i32 to index
      %swap3A_211 = arith.constant 96 : index
      %swap3A_212 = tpu.vector_load %arg12[%swap3A_210, %swap3A_211] {strides = array<i32>} : memref<32x128xf32, #tpu.memory_space<vmem>>, vector<1x16xf32>,
      %swap3A_213 = vector.shape_cast %swap3A_212 : vector<1x16xf32> to vector<16xf32>
      %swap3A_214 = vector.shape_cast %broadcast_in_dim3A_7 : vector<16xf32> to vector<1x16xf32>
      tpu.vector_store %arg12[%swap3A_210, %swap3A_211], %swap3A_214 {strides = array<i32>} : memref<32x128xf32, #tpu.memory_space<vmem>>, vector<1x16xf32>,
      %swap3A_215 = arith.index_cast %scan3A_89 : i32 to index
      %swap3A_216 = arith.constant 112 : index
      %swap3A_217 = tpu.vector_load %arg10[%swap3A_215, %swap3A_216] {strides = array<i32>} : memref<32x128xf32, #tpu.memory_space<vmem>>, vector<1x16xf32>,
      %swap3A_218 = vector.shape_cast %swap3A_217 : vector<1x16xf32> to vector<16xf32>
      %swap3A_219 = vector.shape_cast %broadcast_in_dim3A_3 : vector<16xf32> to vector<1x16xf32>
      tpu.vector_store %arg10[%swap3A_215, %swap3A_216], %swap3A_219 {strides = array<i32>} : memref<32x128xf32, #tpu.memory_space<vmem>>, vector<1x16xf32>,
      %swap3A_220 = arith.index_cast %scan3A_89 : i32 to index
      %swap3A_221 = arith.constant 112 : index
      %swap3A_222 = tpu.vector_load %arg11[%swap3A_220, %swap3A_221] {strides = array<i32>} : memref<32x128xf32, #tpu.memory_space<vmem>>, vector<1x16xf32>,
      %swap3A_223 = vector.shape_cast %swap3A_222 : vector<1x16xf32> to vector<16xf32>
      %swap3A_224 = vector.shape_cast %broadcast_in_dim3A_3 : vector<16xf32> to vector<1x16xf32>
      tpu.vector_store %arg11[%swap3A_220, %swap3A_221], %swap3A_224 {strides = array<i32>} : memref<32x128xf32, #tpu.memory_space<vmem>>, vector<1x16xf32>,
      %swap3A_225 = arith.index_cast %scan3A_89 : i32 to index
      %swap3A_226 = arith.constant 112 : index
      %swap3A_227 = tpu.vector_load %arg12[%swap3A_225, %swap3A_226] {strides = array<i32>} : memref<32x128xf32, #tpu.memory_space<vmem>>, vector<1x16xf32>,
      %swap3A_228 = vector.shape_cast %swap3A_227 : vector<1x16xf32> to vector<16xf32>
      %swap3A_229 = vector.shape_cast %broadcast_in_dim3A_7 : vector<16xf32> to vector<1x16xf32>
      tpu.vector_store %arg12[%swap3A_225, %swap3A_226], %swap3A_229 {strides = array<i32>} : memref<32x128xf32, #tpu.memory_space<vmem>>, vector<1x16xf32>,
    }
    %scan3A_12 = arith.constant 32 : i32
    %get3A = arith.constant 0 : index
    %get3A_13 = tpu.vector_load %arg8[%get3A] {strides = array<i32>} : memref<64xi32, #tpu.memory_space<vmem>>, vector<16xi32>,
    %get3A_14 = vector.shape_cast %get3A_13 : vector<16xi32> to vector<16xi32>
    %slice3A = vector.extract_strided_slice %get3A_14 {offsets = [0], sizes = [1], strides = [1]} : vector<16xi32> to vector<1xi32>
    %squeeze3A = vector.extract %slice3A[0] : i32 from vector<1xi32>
    %get3A_15 = arith.constant 32 : index
    %get3A_16 = tpu.vector_load %arg8[%get3A_15] {strides = array<i32>} : memref<64xi32, #tpu.memory_space<vmem>>, vector<16xi32>,
    %get3A_17 = vector.shape_cast %get3A_16 : vector<16xi32> to vector<16xi32>
    %slice3A_18 = vector.extract_strided_slice %get3A_17 {offsets = [0], sizes = [1], strides = [1]} : vector<16xi32> to vector<1xi32>
    %squeeze3A_19 = vector.extract %slice3A_18[0] : i32 from vector<1xi32>
    %jit3A = arith.constant 256 : i32
    %div3A = arith.divsi %squeeze3A, %jit3A : i32
    %sign3A = arith.constant 0 : i32
    %sign3A_20 = arith.cmpi sgt, %squeeze3A, %sign3A : i32
    %sign3A_21 = arith.extui %sign3A_20 : i1 to i32
    %sign3A_22 = arith.constant 0 : i32
    %sign3A_23 = arith.cmpi slt, %squeeze3A, %sign3A_22 : i32
    %sign3A_24 = arith.extui %sign3A_23 : i1 to i32
    %sign3A_25 = arith.subi %sign3A_21, %sign3A_24 : i32
    %sign3A_26 = arith.constant 0 : i32
    %sign3A_27 = arith.cmpi sgt, %jit3A, %sign3A_26 : i32
    %sign3A_28 = arith.extui %sign3A_27 : i1 to i32
    %sign3A_29 = arith.constant 0 : i32
    %sign3A_30 = arith.cmpi slt, %jit3A, %sign3A_29 : i32
    %sign3A_31 = arith.extui %sign3A_30 : i1 to i32
    %sign3A_32 = arith.subi %sign3A_28, %sign3A_31 : i32
    %ne3A = arith.cmpi ne, %sign3A_25, %sign3A_32 : i32
    %rem3A = arith.remsi %squeeze3A, %jit3A : i32
    %ne3A_33 = arith.constant 0 : i32
    %ne3A_34 = arith.cmpi ne, %rem3A, %ne3A_33 : i32
    %and3A = arith.andi %ne3A, %ne3A_34 : i1
    %sub3A = arith.constant 1 : i32
    %sub3A_35 = arith.subi %div3A, %sub3A : i32
    %select_n3A = arith.select %and3A, %sub3A_35, %div3A : i32
    %sub3A_36 = arith.constant 1 : i32
    %sub3A_37 = arith.subi %squeeze3A_19, %sub3A_36 : i32
    %jit3A_38 = arith.constant 256 : i32
    %div3A_39 = arith.divsi %sub3A_37, %jit3A_38 : i32
    %sign3A_40 = arith.constant 0 : i32
    %sign3A_41 = arith.cmpi sgt, %sub3A_37, %sign3A_40 : i32
    %sign3A_42 = arith.extui %sign3A_41 : i1 to i32
    %sign3A_43 = arith.constant 0 : i32
    %sign3A_44 = arith.cmpi slt, %sub3A_37, %sign3A_43 : i32
    %sign3A_45 = arith.extui %sign3A_44 : i1 to i32
    %sign3A_46 = arith.subi %sign3A_42, %sign3A_45 : i32
    %sign3A_47 = arith.constant 0 : i32
    %sign3A_48 = arith.cmpi sgt, %jit3A_38, %sign3A_47 : i32
    %sign3A_49 = arith.extui %sign3A_48 : i1 to i32
    %sign3A_50 = arith.constant 0 : i32
    %sign3A_51 = arith.cmpi slt, %jit3A_38, %sign3A_50 : i32
    %sign3A_52 = arith.extui %sign3A_51 : i1 to i32
    %sign3A_53 = arith.subi %sign3A_49, %sign3A_52 : i32
    %ne3A_54 = arith.cmpi ne, %sign3A_46, %sign3A_53 : i32
    %rem3A_55 = arith.remsi %sub3A_37, %jit3A_38 : i32
    %ne3A_56 = arith.constant 0 : i32
    %ne3A_57 = arith.cmpi ne, %rem3A_55, %ne3A_56 : i32
    %and3A_58 = arith.andi %ne3A_54, %ne3A_57 : i1
    %sub3A_59 = arith.constant 1 : i32
    %sub3A_60 = arith.subi %div3A_39, %sub3A_59 : i32
    %select_n3A_61 = arith.select %and3A_58, %sub3A_60, %div3A_39 : i32
    %gt3A = arith.cmpi sgt, %squeeze3A_19, %squeeze3A : i32
    %convert_element_type3A = arith.extui %gt3A : i1 to i32
    %cond3A = arith.constant 0 : i32
    %cond3A_62 = arith.cmpi ne, %convert_element_type3A, %cond3A : i32
    scf.if %cond3A_62 {
      %mul3A_89 = arith.constant 256 : i32
      %mul3A_90 = arith.muli %select_n3A, %mul3A_89 : i32
      %multiple_of3A = tpu.assume_multiple %mul3A_90, 256 : i32
      %dma_start3A = arith.constant 0 : i32
      %dma_start3A_91 = arith.constant 0 : i32
      %dma_start3A_92 = tpu.memref_slice %arg9[%dma_start3A, %dma_start3A_91] : memref<512x128xf32, #tpu.memory_space<vmem>> -> memref<256x128xf32, #tpu.memory_space<vmem>>
      %dma_start3A_93 = arith.constant 0 : i32
      %dma_start3A_94 = tpu.memref_slice %arg2[%multiple_of3A, %dma_start3A_93] : memref<320000x128xf32, #tpu.memory_space<hbm>> -> memref<256x128xf32, #tpu.memory_space<hbm>>
      %dma_start3A_95 = arith.constant 0 : i32
      %dma_start3A_96 = arith.constant 0 : i32
      %dma_start3A_97 = tpu.memref_slice %arg9[%dma_start3A_95, %dma_start3A_96] : memref<512x128xf32, #tpu.memory_space<vmem>> -> memref<256x128xf32, #tpu.memory_space<vmem>>
      %dma_start3A_98 = arith.constant 0 : i32
      %dma_start3A_99 = tpu.memref_slice %arg2[%multiple_of3A, %dma_start3A_98] : memref<320000x128xf32, #tpu.memory_space<hbm>> -> memref<256x128xf32, #tpu.memory_space<hbm>>
      tpu.enqueue_dma source(%dma_start3A_99 : memref<256x128xf32, #tpu.memory_space<hbm>>) target(%dma_start3A_97 : memref<256x128xf32, #tpu.memory_space<vmem>>) target_semaphore(%arg14 : memref<!tpu.dma_semaphore, #tpu.memory_space<semaphore_mem>>)
    } else {
    }
    %add3A_63 = arith.constant 1 : i32
    %add3A_64 = arith.addi %select_n3A, %add3A_63 : i32
    %le3A = arith.cmpi sle, %add3A_64, %select_n3A_61 : i32
    %and3A_65 = arith.andi %gt3A, %le3A : i1
    %convert_element_type3A_66 = arith.extui %and3A_65 : i1 to i32
    %cond3A_67 = arith.constant 0 : i32
    %cond3A_68 = arith.cmpi ne, %convert_element_type3A_66, %cond3A_67 : i32
    scf.if %cond3A_68 {
      %add3A_89 = arith.constant 1 : i32
      %add3A_90 = arith.addi %select_n3A, %add3A_89 : i32
      %mul3A_91 = arith.constant 256 : i32
      %mul3A_92 = arith.muli %add3A_90, %mul3A_91 : i32
      %multiple_of3A = tpu.assume_multiple %mul3A_92, 256 : i32
      %dma_start3A = arith.constant 256 : i32
      %dma_start3A_93 = arith.constant 0 : i32
      %dma_start3A_94 = tpu.memref_slice %arg9[%dma_start3A, %dma_start3A_93] : memref<512x128xf32, #tpu.memory_space<vmem>> -> memref<256x128xf32, #tpu.memory_space<vmem>>
      %dma_start3A_95 = arith.constant 0 : i32
      %dma_start3A_96 = tpu.memref_slice %arg2[%multiple_of3A, %dma_start3A_95] : memref<320000x128xf32, #tpu.memory_space<hbm>> -> memref<256x128xf32, #tpu.memory_space<hbm>>
      %dma_start3A_97 = arith.constant 256 : i32
      %dma_start3A_98 = arith.constant 0 : i32
      %dma_start3A_99 = tpu.memref_slice %arg9[%dma_start3A_97, %dma_start3A_98] : memref<512x128xf32, #tpu.memory_space<vmem>> -> memref<256x128xf32, #tpu.memory_space<vmem>>
      %dma_start3A_100 = arith.constant 0 : i32
      %dma_start3A_101 = tpu.memref_slice %arg2[%multiple_of3A, %dma_start3A_100] : memref<320000x128xf32, #tpu.memory_space<hbm>> -> memref<256x128xf32, #tpu.memory_space<hbm>>
      tpu.enqueue_dma source(%dma_start3A_101 : memref<256x128xf32, #tpu.memory_space<hbm>>) target(%dma_start3A_99 : memref<256x128xf32, #tpu.memory_space<vmem>>) target_semaphore(%arg14 : memref<!tpu.dma_semaphore, #tpu.memory_space<semaphore_mem>>)
    } else {
    }
    %sub3A_69 = arith.subi %select_n3A_61, %select_n3A : i32
    %add3A_70 = arith.constant 1 : i32
    %add3A_71 = arith.addi %sub3A_69, %add3A_70 : i32
    %add3A_72 = arith.constant 32 : i32
    %add3A_73 = arith.addi %add3A_71, %add3A_72 : i32
    %add3A_74 = arith.constant 1 : i32
    %add3A_75 = arith.addi %add3A_73, %add3A_74 : i32
    %sub3A_76 = arith.constant 1 : i32
    %sub3A_77 = arith.subi %select_n3A, %sub3A_76 : i32
    %while3A = arith.constant 0 : i32
    %while3A_78 = arith.constant 0 : i32
    %while3A_79 = arith.subi %add3A_75, %while3A : i32
    %while3A_80 = arith.addi %while3A, %while3A_79 : i32
    %while3A_81 = arith.constant 1 : i32
    %while3A_82 = arith.divsi %while3A_79, %while3A_81 : i32
    %while3A_83 = arith.muli %while3A_82, %while3A_81 : i32
    %while3A_84 = arith.addi %while3A, %while3A_83 : i32
    %while3A_85 = arith.constant 1 : i32
    %while3A_86:3 = scf.for %while3A_89 = %while3A to %while3A_84 step %while3A_85 iter_args(%while3A_90 = %while3A_78, %while3A_91 = %squeeze3A, %while3A_92 = %sub3A_77) -> (i32, i32, i32)  : i32 {
      %add3A_93 = arith.constant 1 : i32
      %add3A_94 = arith.addi %while3A_92, %add3A_93 : i32
      %mul3A_95 = arith.constant 256 : i32
      %mul3A_96 = arith.muli %add3A_94, %mul3A_95 : i32
      %ge3A = arith.cmpi sge, %while3A_91, %mul3A_96 : i32
      %lt3A = arith.cmpi slt, %while3A_91, %squeeze3A_19 : i32
      %and3A_97 = arith.andi %ge3A, %lt3A : i1
      %add3A_98 = arith.constant 1 : i32
      %add3A_99 = arith.addi %while3A_92, %add3A_98 : i32
      %select_n3A_100 = arith.select %and3A_97, %add3A_99, %while3A_92 : i32
      %convert_element_type3A_101 = arith.extui %and3A_97 : i1 to i32
      %cond3A_102 = arith.constant 0 : i32
      %cond3A_103 = arith.cmpi ne, %convert_element_type3A_101, %cond3A_102 : i32
      scf.if %cond3A_103 {
        %dma_wait3A = arith.constant 0 : i32
        %dma_wait3A_419 = arith.constant 0 : i32
        %dma_wait3A_420 = tpu.memref_slice %arg9[%dma_wait3A, %dma_wait3A_419] : memref<512x128xf32, #tpu.memory_space<vmem>> -> memref<256x128xf32, #tpu.memory_space<vmem>>
        %dma_wait3A_421 = arith.constant 0 : i32
        %dma_wait3A_422 = arith.constant 0 : i32
        %dma_wait3A_423 = tpu.memref_slice %arg2[%dma_wait3A_421, %dma_wait3A_422] : memref<320000x128xf32, #tpu.memory_space<hbm>> -> memref<256x128xf32, #tpu.memory_space<hbm>>
        %dma_wait3A_424 = arith.constant 0 : i32
        %dma_wait3A_425 = arith.constant 0 : i32
        %dma_wait3A_426 = tpu.memref_slice %arg9[%dma_wait3A_424, %dma_wait3A_425] : memref<512x128xf32, #tpu.memory_space<vmem>> -> memref<256x128xf32, #tpu.memory_space<vmem>>
        %dma_wait3A_427 = arith.constant 0 : i32
        %dma_wait3A_428 = arith.constant 0 : i32
        %dma_wait3A_429 = tpu.memref_slice %arg2[%dma_wait3A_427, %dma_wait3A_428] : memref<320000x128xf32, #tpu.memory_space<hbm>> -> memref<256x128xf32, #tpu.memory_space<hbm>>
        tpu.wait_dma2 semaphore(%arg14 : memref<!tpu.dma_semaphore, #tpu.memory_space<semaphore_mem>>) src(%dma_wait3A_429 : memref<256x128xf32, #tpu.memory_space<hbm>>) dst(%dma_wait3A_426 : memref<256x128xf32, #tpu.memory_space<vmem>>)
        %add3A_430 = arith.constant 1 : i32
        %add3A_431 = arith.addi %select_n3A_100, %add3A_430 : i32
        %gt3A_432 = arith.cmpi sgt, %select_n3A_100, %select_n3A : i32
        %le3A_433 = arith.cmpi sle, %add3A_431, %select_n3A_61 : i32
        %and3A_434 = arith.andi %gt3A_432, %le3A_433 : i1
        %convert_element_type3A_435 = arith.extui %and3A_434 : i1 to i32
        %cond3A_436 = arith.constant 0 : i32
        %cond3A_437 = arith.cmpi ne, %convert_element_type3A_435, %cond3A_436 : i32
        scf.if %cond3A_437 {
          %mul3A_438 = arith.constant 256 : i32
          %mul3A_439 = arith.muli %add3A_431, %mul3A_438 : i32
          %multiple_of3A = tpu.assume_multiple %mul3A_439, 256 : i32
          %sub3A_440 = arith.subi %add3A_431, %select_n3A : i32
          %rem3A_441 = arith.constant 2 : i32
          %rem3A_442 = arith.remsi %sub3A_440, %rem3A_441 : i32
          %mul3A_443 = arith.constant 256 : i32
          %mul3A_444 = arith.muli %rem3A_442, %mul3A_443 : i32
          %multiple_of3A_445 = tpu.assume_multiple %mul3A_444, 256 : i32
          %dma_start3A = arith.constant 0 : i32
          %dma_start3A_446 = tpu.memref_slice %arg9[%multiple_of3A_445, %dma_start3A] : memref<512x128xf32, #tpu.memory_space<vmem>> -> memref<256x128xf32, #tpu.memory_space<vmem>>
          %dma_start3A_447 = arith.constant 0 : i32
          %dma_start3A_448 = tpu.memref_slice %arg2[%multiple_of3A, %dma_start3A_447] : memref<320000x128xf32, #tpu.memory_space<hbm>> -> memref<256x128xf32, #tpu.memory_space<hbm>>
          %dma_start3A_449 = arith.constant 0 : i32
          %dma_start3A_450 = tpu.memref_slice %arg9[%multiple_of3A_445, %dma_start3A_449] : memref<512x128xf32, #tpu.memory_space<vmem>> -> memref<256x128xf32, #tpu.memory_space<vmem>>
          %dma_start3A_451 = arith.constant 0 : i32
          %dma_start3A_452 = tpu.memref_slice %arg2[%multiple_of3A, %dma_start3A_451] : memref<320000x128xf32, #tpu.memory_space<hbm>> -> memref<256x128xf32, #tpu.memory_space<hbm>>
          tpu.enqueue_dma source(%dma_start3A_452 : memref<256x128xf32, #tpu.memory_space<hbm>>) target(%dma_start3A_450 : memref<256x128xf32, #tpu.memory_space<vmem>>) target_semaphore(%arg14 : memref<!tpu.dma_semaphore, #tpu.memory_space<semaphore_mem>>)
        } else {
        }
      } else {
      }
      %sub3A_104 = arith.subi %select_n3A_100, %select_n3A : i32
      %rem3A_105 = arith.constant 2 : i32
      %rem3A_106 = arith.remsi %sub3A_104, %rem3A_105 : i32
      %sub3A_107 = arith.subi %select_n3A_100, %rem3A_106 : i32
      %mul3A_108 = arith.constant 256 : i32
      %mul3A_109 = arith.muli %sub3A_107, %mul3A_108 : i32
      %add3A_110 = arith.constant 1 : i32
      %add3A_111 = arith.addi %select_n3A_100, %add3A_110 : i32
      %mul3A_112 = arith.constant 256 : i32
      %mul3A_113 = arith.muli %add3A_111, %mul3A_112 : i32
      %add3A_114 = arith.constant 1 : i32
      %add3A_115 = arith.addi %while3A_90, %add3A_114 : i32
      %get3A_116 = arith.index_cast %add3A_115 : i32 to index
      %get3A_117 = tpu.vector_load %arg8[%get3A_116] {strides = array<i32>} : memref<64xi32, #tpu.memory_space<vmem>>, vector<16xi32>,
      %get3A_118 = vector.shape_cast %get3A_117 : vector<16xi32> to vector<16xi32>
      %slice3A_119 = vector.extract_strided_slice %get3A_118 {offsets = [0], sizes = [1], strides = [1]} : vector<16xi32> to vector<1xi32>
      %squeeze3A_120 = vector.extract %slice3A_119[0] : i32 from vector<1xi32>
      %min3A = arith.minsi %squeeze3A_120, %mul3A_113 : i32
      %min3A_121 = arith.minsi %min3A, %squeeze3A_19 : i32
      %max3A = arith.maxsi %min3A_121, %while3A_91 : i32
      %sub3A_122 = arith.subi %while3A_91, %mul3A_109 : i32
      %sub3A_123 = arith.subi %max3A, %while3A_91 : i32
      %jit3A_124 = arith.constant 2 : i32
      %div3A_125 = arith.divsi %sub3A_123, %jit3A_124 : i32
      %sign3A_126 = arith.constant 0 : i32
      %sign3A_127 = arith.cmpi sgt, %sub3A_123, %sign3A_126 : i32
      %sign3A_128 = arith.extui %sign3A_127 : i1 to i32
      %sign3A_129 = arith.constant 0 : i32
      %sign3A_130 = arith.cmpi slt, %sub3A_123, %sign3A_129 : i32
      %sign3A_131 = arith.extui %sign3A_130 : i1 to i32
      %sign3A_132 = arith.subi %sign3A_128, %sign3A_131 : i32
      %sign3A_133 = arith.constant 0 : i32
      %sign3A_134 = arith.cmpi sgt, %jit3A_124, %sign3A_133 : i32
      %sign3A_135 = arith.extui %sign3A_134 : i1 to i32
      %sign3A_136 = arith.constant 0 : i32
      %sign3A_137 = arith.cmpi slt, %jit3A_124, %sign3A_136 : i32
      %sign3A_138 = arith.extui %sign3A_137 : i1 to i32
      %sign3A_139 = arith.subi %sign3A_135, %sign3A_138 : i32
      %ne3A_140 = arith.cmpi ne, %sign3A_132, %sign3A_139 : i32
      %rem3A_141 = arith.remsi %sub3A_123, %jit3A_124 : i32
      %ne3A_142 = arith.constant 0 : i32
      %ne3A_143 = arith.cmpi ne, %rem3A_141, %ne3A_142 : i32
      %and3A_144 = arith.andi %ne3A_140, %ne3A_143 : i1
      %sub3A_145 = arith.constant 1 : i32
      %sub3A_146 = arith.subi %div3A_125, %sub3A_145 : i32
      %select_n3A_147 = arith.select %and3A_144, %sub3A_146, %div3A_125 : i32
      %while3A_148 = arith.constant 0 : i32
      %while3A_149 = arith.subi %select_n3A_147, %while3A_148 : i32
      %while3A_150 = arith.addi %while3A_148, %while3A_149 : i32
      %while3A_151 = arith.constant 1 : i32
      %while3A_152 = arith.divsi %while3A_149, %while3A_151 : i32
      %while3A_153 = arith.muli %while3A_152, %while3A_151 : i32
      %while3A_154 = arith.addi %while3A_148, %while3A_153 : i32
      %while3A_155 = arith.constant 1 : i32
      %while3A_156:24 = scf.for %while3A_419 = %while3A_148 to %while3A_154 step %while3A_155 iter_args(%while3A_420 = %broadcast_in_dim3A_3, %while3A_421 = %broadcast_in_dim3A_3, %while3A_422 = %broadcast_in_dim3A_3, %while3A_423 = %broadcast_in_dim3A_3, %while3A_424 = %broadcast_in_dim3A_3, %while3A_425 = %broadcast_in_dim3A_3, %while3A_426 = %broadcast_in_dim3A_3, %while3A_427 = %broadcast_in_dim3A_3, %while3A_428 = %broadcast_in_dim3A_3, %while3A_429 = %broadcast_in_dim3A_3, %while3A_430 = %broadcast_in_dim3A_3, %while3A_431 = %broadcast_in_dim3A_3, %while3A_432 = %broadcast_in_dim3A_3, %while3A_433 = %broadcast_in_dim3A_3, %while3A_434 = %broadcast_in_dim3A_3, %while3A_435 = %broadcast_in_dim3A_3, %while3A_436 = %broadcast_in_dim3A_7, %while3A_437 = %broadcast_in_dim3A_7, %while3A_438 = %broadcast_in_dim3A_7, %while3A_439 = %broadcast_in_dim3A_7, %while3A_440 = %broadcast_in_dim3A_7, %while3A_441 = %broadcast_in_dim3A_7, %while3A_442 = %broadcast_in_dim3A_7, %while3A_443 = %broadcast_in_dim3A_7) -> (vector<16xf32>, vector<16xf32>, vector<16xf32>, vector<16xf32>, vector<16xf32>, vector<16xf32>, vector<16xf32>, vector<16xf32>, vector<16xf32>, vector<16xf32>, vector<16xf32>, vector<16xf32>, vector<16xf32>, vector<16xf32>, vector<16xf32>, vector<16xf32>, vector<16xf32>, vector<16xf32>, vector<16xf32>, vector<16xf32>, vector<16xf32>, vector<16xf32>, vector<16xf32>, vector<16xf32>)  : i32 {
        %mul3A_444 = arith.constant 2 : i32
        %mul3A_445 = arith.muli %mul3A_444, %while3A_419 : i32
        %add3A_446 = arith.addi %sub3A_122, %mul3A_445 : i32
        %get3A_447 = arith.index_cast %add3A_446 : i32 to index
        %get3A_448 = arith.constant 0 : index
        %get3A_449 = tpu.vector_load %arg9[%get3A_447, %get3A_448] {strides = array<i32>} : memref<512x128xf32, #tpu.memory_space<vmem>>, vector<1x16xf32>,
        %get3A_450 = vector.shape_cast %get3A_449 : vector<1x16xf32> to vector<16xf32>
        %add3A_451 = arith.constant 1 : i32
        %add3A_452 = arith.addi %add3A_446, %add3A_451 : i32
        %get3A_453 = arith.index_cast %add3A_452 : i32 to index
        %get3A_454 = arith.constant 0 : index
        %get3A_455 = tpu.vector_load %arg9[%get3A_453, %get3A_454] {strides = array<i32>} : memref<512x128xf32, #tpu.memory_space<vmem>>, vector<1x16xf32>,
        %get3A_456 = vector.shape_cast %get3A_455 : vector<1x16xf32> to vector<16xf32>
        %add3A_457 = arith.addf %get3A_450, %get3A_456 : vector<16xf32>
        %add3A_458 = arith.addf %while3A_420, %add3A_457 : vector<16xf32>
        %mul3A_459 = arith.mulf %get3A_450, %get3A_450 : vector<16xf32>
        %mul3A_460 = arith.mulf %get3A_456, %get3A_456 : vector<16xf32>
        %add3A_461 = arith.addf %mul3A_459, %mul3A_460 : vector<16xf32>
        %add3A_462 = arith.addf %while3A_428, %add3A_461 : vector<16xf32>
        %max3A_463 = arith.maximumf %get3A_450, %get3A_456 : vector<16xf32>
        %max3A_464 = arith.maximumf %while3A_436, %max3A_463 : vector<16xf32>
        %get3A_465 = arith.index_cast %add3A_446 : i32 to index
        %get3A_466 = arith.constant 16 : index
        %get3A_467 = tpu.vector_load %arg9[%get3A_465, %get3A_466] {strides = array<i32>} : memref<512x128xf32, #tpu.memory_space<vmem>>, vector<1x16xf32>,
        %get3A_468 = vector.shape_cast %get3A_467 : vector<1x16xf32> to vector<16xf32>
        %add3A_469 = arith.constant 1 : i32
        %add3A_470 = arith.addi %add3A_446, %add3A_469 : i32
        %get3A_471 = arith.index_cast %add3A_470 : i32 to index
        %get3A_472 = arith.constant 16 : index
        %get3A_473 = tpu.vector_load %arg9[%get3A_471, %get3A_472] {strides = array<i32>} : memref<512x128xf32, #tpu.memory_space<vmem>>, vector<1x16xf32>,
        %get3A_474 = vector.shape_cast %get3A_473 : vector<1x16xf32> to vector<16xf32>
        %add3A_475 = arith.addf %get3A_468, %get3A_474 : vector<16xf32>
        %add3A_476 = arith.addf %while3A_421, %add3A_475 : vector<16xf32>
        %mul3A_477 = arith.mulf %get3A_468, %get3A_468 : vector<16xf32>
        %mul3A_478 = arith.mulf %get3A_474, %get3A_474 : vector<16xf32>
        %add3A_479 = arith.addf %mul3A_477, %mul3A_478 : vector<16xf32>
        %add3A_480 = arith.addf %while3A_429, %add3A_479 : vector<16xf32>
        %max3A_481 = arith.maximumf %get3A_468, %get3A_474 : vector<16xf32>
        %max3A_482 = arith.maximumf %while3A_437, %max3A_481 : vector<16xf32>
        %get3A_483 = arith.index_cast %add3A_446 : i32 to index
        %get3A_484 = arith.constant 32 : index
        %get3A_485 = tpu.vector_load %arg9[%get3A_483, %get3A_484] {strides = array<i32>} : memref<512x128xf32, #tpu.memory_space<vmem>>, vector<1x16xf32>,
        %get3A_486 = vector.shape_cast %get3A_485 : vector<1x16xf32> to vector<16xf32>
        %add3A_487 = arith.constant 1 : i32
        %add3A_488 = arith.addi %add3A_446, %add3A_487 : i32
        %get3A_489 = arith.index_cast %add3A_488 : i32 to index
        %get3A_490 = arith.constant 32 : index
        %get3A_491 = tpu.vector_load %arg9[%get3A_489, %get3A_490] {strides = array<i32>} : memref<512x128xf32, #tpu.memory_space<vmem>>, vector<1x16xf32>,
        %get3A_492 = vector.shape_cast %get3A_491 : vector<1x16xf32> to vector<16xf32>
        %add3A_493 = arith.addf %get3A_486, %get3A_492 : vector<16xf32>
        %add3A_494 = arith.addf %while3A_422, %add3A_493 : vector<16xf32>
        %mul3A_495 = arith.mulf %get3A_486, %get3A_486 : vector<16xf32>
        %mul3A_496 = arith.mulf %get3A_492, %get3A_492 : vector<16xf32>
        %add3A_497 = arith.addf %mul3A_495, %mul3A_496 : vector<16xf32>
        %add3A_498 = arith.addf %while3A_430, %add3A_497 : vector<16xf32>
        %max3A_499 = arith.maximumf %get3A_486, %get3A_492 : vector<16xf32>
        %max3A_500 = arith.maximumf %while3A_438, %max3A_499 : vector<16xf32>
        %get3A_501 = arith.index_cast %add3A_446 : i32 to index
        %get3A_502 = arith.constant 48 : index
        %get3A_503 = tpu.vector_load %arg9[%get3A_501, %get3A_502] {strides = array<i32>} : memref<512x128xf32, #tpu.memory_space<vmem>>, vector<1x16xf32>,
        %get3A_504 = vector.shape_cast %get3A_503 : vector<1x16xf32> to vector<16xf32>
        %add3A_505 = arith.constant 1 : i32
        %add3A_506 = arith.addi %add3A_446, %add3A_505 : i32
        %get3A_507 = arith.index_cast %add3A_506 : i32 to index
        %get3A_508 = arith.constant 48 : index
        %get3A_509 = tpu.vector_load %arg9[%get3A_507, %get3A_508] {strides = array<i32>} : memref<512x128xf32, #tpu.memory_space<vmem>>, vector<1x16xf32>,
        %get3A_510 = vector.shape_cast %get3A_509 : vector<1x16xf32> to vector<16xf32>
        %add3A_511 = arith.addf %get3A_504, %get3A_510 : vector<16xf32>
        %add3A_512 = arith.addf %while3A_423, %add3A_511 : vector<16xf32>
        %mul3A_513 = arith.mulf %get3A_504, %get3A_504 : vector<16xf32>
        %mul3A_514 = arith.mulf %get3A_510, %get3A_510 : vector<16xf32>
        %add3A_515 = arith.addf %mul3A_513, %mul3A_514 : vector<16xf32>
        %add3A_516 = arith.addf %while3A_431, %add3A_515 : vector<16xf32>
        %max3A_517 = arith.maximumf %get3A_504, %get3A_510 : vector<16xf32>
        %max3A_518 = arith.maximumf %while3A_439, %max3A_517 : vector<16xf32>
        %get3A_519 = arith.index_cast %add3A_446 : i32 to index
        %get3A_520 = arith.constant 64 : index
        %get3A_521 = tpu.vector_load %arg9[%get3A_519, %get3A_520] {strides = array<i32>} : memref<512x128xf32, #tpu.memory_space<vmem>>, vector<1x16xf32>,
        %get3A_522 = vector.shape_cast %get3A_521 : vector<1x16xf32> to vector<16xf32>
        %add3A_523 = arith.constant 1 : i32
        %add3A_524 = arith.addi %add3A_446, %add3A_523 : i32
        %get3A_525 = arith.index_cast %add3A_524 : i32 to index
        %get3A_526 = arith.constant 64 : index
        %get3A_527 = tpu.vector_load %arg9[%get3A_525, %get3A_526] {strides = array<i32>} : memref<512x128xf32, #tpu.memory_space<vmem>>, vector<1x16xf32>,
        %get3A_528 = vector.shape_cast %get3A_527 : vector<1x16xf32> to vector<16xf32>
        %add3A_529 = arith.addf %get3A_522, %get3A_528 : vector<16xf32>
        %add3A_530 = arith.addf %while3A_424, %add3A_529 : vector<16xf32>
        %mul3A_531 = arith.mulf %get3A_522, %get3A_522 : vector<16xf32>
        %mul3A_532 = arith.mulf %get3A_528, %get3A_528 : vector<16xf32>
        %add3A_533 = arith.addf %mul3A_531, %mul3A_532 : vector<16xf32>
        %add3A_534 = arith.addf %while3A_432, %add3A_533 : vector<16xf32>
        %max3A_535 = arith.maximumf %get3A_522, %get3A_528 : vector<16xf32>
        %max3A_536 = arith.maximumf %while3A_440, %max3A_535 : vector<16xf32>
        %get3A_537 = arith.index_cast %add3A_446 : i32 to index
        %get3A_538 = arith.constant 80 : index
        %get3A_539 = tpu.vector_load %arg9[%get3A_537, %get3A_538] {strides = array<i32>} : memref<512x128xf32, #tpu.memory_space<vmem>>, vector<1x16xf32>,
        %get3A_540 = vector.shape_cast %get3A_539 : vector<1x16xf32> to vector<16xf32>
        %add3A_541 = arith.constant 1 : i32
        %add3A_542 = arith.addi %add3A_446, %add3A_541 : i32
        %get3A_543 = arith.index_cast %add3A_542 : i32 to index
        %get3A_544 = arith.constant 80 : index
        %get3A_545 = tpu.vector_load %arg9[%get3A_543, %get3A_544] {strides = array<i32>} : memref<512x128xf32, #tpu.memory_space<vmem>>, vector<1x16xf32>,
        %get3A_546 = vector.shape_cast %get3A_545 : vector<1x16xf32> to vector<16xf32>
        %add3A_547 = arith.addf %get3A_540, %get3A_546 : vector<16xf32>
        %add3A_548 = arith.addf %while3A_425, %add3A_547 : vector<16xf32>
        %mul3A_549 = arith.mulf %get3A_540, %get3A_540 : vector<16xf32>
        %mul3A_550 = arith.mulf %get3A_546, %get3A_546 : vector<16xf32>
        %add3A_551 = arith.addf %mul3A_549, %mul3A_550 : vector<16xf32>
        %add3A_552 = arith.addf %while3A_433, %add3A_551 : vector<16xf32>
        %max3A_553 = arith.maximumf %get3A_540, %get3A_546 : vector<16xf32>
        %max3A_554 = arith.maximumf %while3A_441, %max3A_553 : vector<16xf32>
        %get3A_555 = arith.index_cast %add3A_446 : i32 to index
        %get3A_556 = arith.constant 96 : index
        %get3A_557 = tpu.vector_load %arg9[%get3A_555, %get3A_556] {strides = array<i32>} : memref<512x128xf32, #tpu.memory_space<vmem>>, vector<1x16xf32>,
        %get3A_558 = vector.shape_cast %get3A_557 : vector<1x16xf32> to vector<16xf32>
        %add3A_559 = arith.constant 1 : i32
        %add3A_560 = arith.addi %add3A_446, %add3A_559 : i32
        %get3A_561 = arith.index_cast %add3A_560 : i32 to index
        %get3A_562 = arith.constant 96 : index
        %get3A_563 = tpu.vector_load %arg9[%get3A_561, %get3A_562] {strides = array<i32>} : memref<512x128xf32, #tpu.memory_space<vmem>>, vector<1x16xf32>,
        %get3A_564 = vector.shape_cast %get3A_563 : vector<1x16xf32> to vector<16xf32>
        %add3A_565 = arith.addf %get3A_558, %get3A_564 : vector<16xf32>
        %add3A_566 = arith.addf %while3A_426, %add3A_565 : vector<16xf32>
        %mul3A_567 = arith.mulf %get3A_558, %get3A_558 : vector<16xf32>
        %mul3A_568 = arith.mulf %get3A_564, %get3A_564 : vector<16xf32>
        %add3A_569 = arith.addf %mul3A_567, %mul3A_568 : vector<16xf32>
        %add3A_570 = arith.addf %while3A_434, %add3A_569 : vector<16xf32>
        %max3A_571 = arith.maximumf %get3A_558, %get3A_564 : vector<16xf32>
        %max3A_572 = arith.maximumf %while3A_442, %max3A_571 : vector<16xf32>
        %get3A_573 = arith.index_cast %add3A_446 : i32 to index
        %get3A_574 = arith.constant 112 : index
        %get3A_575 = tpu.vector_load %arg9[%get3A_573, %get3A_574] {strides = array<i32>} : memref<512x128xf32, #tpu.memory_space<vmem>>, vector<1x16xf32>,
        %get3A_576 = vector.shape_cast %get3A_575 : vector<1x16xf32> to vector<16xf32>
        %add3A_577 = arith.constant 1 : i32
        %add3A_578 = arith.addi %add3A_446, %add3A_577 : i32
        %get3A_579 = arith.index_cast %add3A_578 : i32 to index
        %get3A_580 = arith.constant 112 : index
        %get3A_581 = tpu.vector_load %arg9[%get3A_579, %get3A_580] {strides = array<i32>} : memref<512x128xf32, #tpu.memory_space<vmem>>, vector<1x16xf32>,
        %get3A_582 = vector.shape_cast %get3A_581 : vector<1x16xf32> to vector<16xf32>
        %add3A_583 = arith.addf %get3A_576, %get3A_582 : vector<16xf32>
        %add3A_584 = arith.addf %while3A_427, %add3A_583 : vector<16xf32>
        %mul3A_585 = arith.mulf %get3A_576, %get3A_576 : vector<16xf32>
        %mul3A_586 = arith.mulf %get3A_582, %get3A_582 : vector<16xf32>
        %add3A_587 = arith.addf %mul3A_585, %mul3A_586 : vector<16xf32>
        %add3A_588 = arith.addf %while3A_435, %add3A_587 : vector<16xf32>
        %max3A_589 = arith.maximumf %get3A_576, %get3A_582 : vector<16xf32>
        %max3A_590 = arith.maximumf %while3A_443, %max3A_589 : vector<16xf32>
        scf.yield %add3A_458, %add3A_476, %add3A_494, %add3A_512, %add3A_530, %add3A_548, %add3A_566, %add3A_584, %add3A_462, %add3A_480, %add3A_498, %add3A_516, %add3A_534, %add3A_552, %add3A_570, %add3A_588, %max3A_464, %max3A_482, %max3A_500, %max3A_518, %max3A_536, %max3A_554, %max3A_572, %max3A_590 : vector<16xf32>, vector<16xf32>, vector<16xf32>, vector<16xf32>, vector<16xf32>, vector<16xf32>, vector<16xf32>, vector<16xf32>, vector<16xf32>, vector<16xf32>, vector<16xf32>, vector<16xf32>, vector<16xf32>, vector<16xf32>, vector<16xf32>, vector<16xf32>, vector<16xf32>, vector<16xf32>, vector<16xf32>, vector<16xf32>, vector<16xf32>, vector<16xf32>, vector<16xf32>, vector<16xf32>
      }
      %while3A_157 = arith.constant 1 : i32
      %while3A_158:24 = scf.for %while3A_419 = %while3A_154 to %while3A_150 step %while3A_157 iter_args(%while3A_420 = %while3A_156#0, %while3A_421 = %while3A_156#1, %while3A_422 = %while3A_156#2, %while3A_423 = %while3A_156#3, %while3A_424 = %while3A_156#4, %while3A_425 = %while3A_156#5, %while3A_426 = %while3A_156#6, %while3A_427 = %while3A_156#7, %while3A_428 = %while3A_156#8, %while3A_429 = %while3A_156#9, %while3A_430 = %while3A_156#10, %while3A_431 = %while3A_156#11, %while3A_432 = %while3A_156#12, %while3A_433 = %while3A_156#13, %while3A_434 = %while3A_156#14, %while3A_435 = %while3A_156#15, %while3A_436 = %while3A_156#16, %while3A_437 = %while3A_156#17, %while3A_438 = %while3A_156#18, %while3A_439 = %while3A_156#19, %while3A_440 = %while3A_156#20, %while3A_441 = %while3A_156#21, %while3A_442 = %while3A_156#22, %while3A_443 = %while3A_156#23) -> (vector<16xf32>, vector<16xf32>, vector<16xf32>, vector<16xf32>, vector<16xf32>, vector<16xf32>, vector<16xf32>, vector<16xf32>, vector<16xf32>, vector<16xf32>, vector<16xf32>, vector<16xf32>, vector<16xf32>, vector<16xf32>, vector<16xf32>, vector<16xf32>, vector<16xf32>, vector<16xf32>, vector<16xf32>, vector<16xf32>, vector<16xf32>, vector<16xf32>, vector<16xf32>, vector<16xf32>)  : i32 {
        %mul3A_444 = arith.constant 2 : i32
        %mul3A_445 = arith.muli %mul3A_444, %while3A_419 : i32
        %add3A_446 = arith.addi %sub3A_122, %mul3A_445 : i32
        %get3A_447 = arith.index_cast %add3A_446 : i32 to index
        %get3A_448 = arith.constant 0 : index
        %get3A_449 = tpu.vector_load %arg9[%get3A_447, %get3A_448] {strides = array<i32>} : memref<512x128xf32, #tpu.memory_space<vmem>>, vector<1x16xf32>,
        %get3A_450 = vector.shape_cast %get3A_449 : vector<1x16xf32> to vector<16xf32>
        %add3A_451 = arith.constant 1 : i32
        %add3A_452 = arith.addi %add3A_446, %add3A_451 : i32
        %get3A_453 = arith.index_cast %add3A_452 : i32 to index
        %get3A_454 = arith.constant 0 : index
        %get3A_455 = tpu.vector_load %arg9[%get3A_453, %get3A_454] {strides = array<i32>} : memref<512x128xf32, #tpu.memory_space<vmem>>, vector<1x16xf32>,
        %get3A_456 = vector.shape_cast %get3A_455 : vector<1x16xf32> to vector<16xf32>
        %add3A_457 = arith.addf %get3A_450, %get3A_456 : vector<16xf32>
        %add3A_458 = arith.addf %while3A_420, %add3A_457 : vector<16xf32>
        %mul3A_459 = arith.mulf %get3A_450, %get3A_450 : vector<16xf32>
        %mul3A_460 = arith.mulf %get3A_456, %get3A_456 : vector<16xf32>
        %add3A_461 = arith.addf %mul3A_459, %mul3A_460 : vector<16xf32>
        %add3A_462 = arith.addf %while3A_428, %add3A_461 : vector<16xf32>
        %max3A_463 = arith.maximumf %get3A_450, %get3A_456 : vector<16xf32>
        %max3A_464 = arith.maximumf %while3A_436, %max3A_463 : vector<16xf32>
        %get3A_465 = arith.index_cast %add3A_446 : i32 to index
        %get3A_466 = arith.constant 16 : index
        %get3A_467 = tpu.vector_load %arg9[%get3A_465, %get3A_466] {strides = array<i32>} : memref<512x128xf32, #tpu.memory_space<vmem>>, vector<1x16xf32>,
        %get3A_468 = vector.shape_cast %get3A_467 : vector<1x16xf32> to vector<16xf32>
        %add3A_469 = arith.constant 1 : i32
        %add3A_470 = arith.addi %add3A_446, %add3A_469 : i32
        %get3A_471 = arith.index_cast %add3A_470 : i32 to index
        %get3A_472 = arith.constant 16 : index
        %get3A_473 = tpu.vector_load %arg9[%get3A_471, %get3A_472] {strides = array<i32>} : memref<512x128xf32, #tpu.memory_space<vmem>>, vector<1x16xf32>,
        %get3A_474 = vector.shape_cast %get3A_473 : vector<1x16xf32> to vector<16xf32>
        %add3A_475 = arith.addf %get3A_468, %get3A_474 : vector<16xf32>
        %add3A_476 = arith.addf %while3A_421, %add3A_475 : vector<16xf32>
        %mul3A_477 = arith.mulf %get3A_468, %get3A_468 : vector<16xf32>
        %mul3A_478 = arith.mulf %get3A_474, %get3A_474 : vector<16xf32>
        %add3A_479 = arith.addf %mul3A_477, %mul3A_478 : vector<16xf32>
        %add3A_480 = arith.addf %while3A_429, %add3A_479 : vector<16xf32>
        %max3A_481 = arith.maximumf %get3A_468, %get3A_474 : vector<16xf32>
        %max3A_482 = arith.maximumf %while3A_437, %max3A_481 : vector<16xf32>
        %get3A_483 = arith.index_cast %add3A_446 : i32 to index
        %get3A_484 = arith.constant 32 : index
        %get3A_485 = tpu.vector_load %arg9[%get3A_483, %get3A_484] {strides = array<i32>} : memref<512x128xf32, #tpu.memory_space<vmem>>, vector<1x16xf32>,
        %get3A_486 = vector.shape_cast %get3A_485 : vector<1x16xf32> to vector<16xf32>
        %add3A_487 = arith.constant 1 : i32
        %add3A_488 = arith.addi %add3A_446, %add3A_487 : i32
        %get3A_489 = arith.index_cast %add3A_488 : i32 to index
        %get3A_490 = arith.constant 32 : index
        %get3A_491 = tpu.vector_load %arg9[%get3A_489, %get3A_490] {strides = array<i32>} : memref<512x128xf32, #tpu.memory_space<vmem>>, vector<1x16xf32>,
        %get3A_492 = vector.shape_cast %get3A_491 : vector<1x16xf32> to vector<16xf32>
        %add3A_493 = arith.addf %get3A_486, %get3A_492 : vector<16xf32>
        %add3A_494 = arith.addf %while3A_422, %add3A_493 : vector<16xf32>
        %mul3A_495 = arith.mulf %get3A_486, %get3A_486 : vector<16xf32>
        %mul3A_496 = arith.mulf %get3A_492, %get3A_492 : vector<16xf32>
        %add3A_497 = arith.addf %mul3A_495, %mul3A_496 : vector<16xf32>
        %add3A_498 = arith.addf %while3A_430, %add3A_497 : vector<16xf32>
        %max3A_499 = arith.maximumf %get3A_486, %get3A_492 : vector<16xf32>
        %max3A_500 = arith.maximumf %while3A_438, %max3A_499 : vector<16xf32>
        %get3A_501 = arith.index_cast %add3A_446 : i32 to index
        %get3A_502 = arith.constant 48 : index
        %get3A_503 = tpu.vector_load %arg9[%get3A_501, %get3A_502] {strides = array<i32>} : memref<512x128xf32, #tpu.memory_space<vmem>>, vector<1x16xf32>,
        %get3A_504 = vector.shape_cast %get3A_503 : vector<1x16xf32> to vector<16xf32>
        %add3A_505 = arith.constant 1 : i32
        %add3A_506 = arith.addi %add3A_446, %add3A_505 : i32
        %get3A_507 = arith.index_cast %add3A_506 : i32 to index
        %get3A_508 = arith.constant 48 : index
        %get3A_509 = tpu.vector_load %arg9[%get3A_507, %get3A_508] {strides = array<i32>} : memref<512x128xf32, #tpu.memory_space<vmem>>, vector<1x16xf32>,
        %get3A_510 = vector.shape_cast %get3A_509 : vector<1x16xf32> to vector<16xf32>
        %add3A_511 = arith.addf %get3A_504, %get3A_510 : vector<16xf32>
        %add3A_512 = arith.addf %while3A_423, %add3A_511 : vector<16xf32>
        %mul3A_513 = arith.mulf %get3A_504, %get3A_504 : vector<16xf32>
        %mul3A_514 = arith.mulf %get3A_510, %get3A_510 : vector<16xf32>
        %add3A_515 = arith.addf %mul3A_513, %mul3A_514 : vector<16xf32>
        %add3A_516 = arith.addf %while3A_431, %add3A_515 : vector<16xf32>
        %max3A_517 = arith.maximumf %get3A_504, %get3A_510 : vector<16xf32>
        %max3A_518 = arith.maximumf %while3A_439, %max3A_517 : vector<16xf32>
        %get3A_519 = arith.index_cast %add3A_446 : i32 to index
        %get3A_520 = arith.constant 64 : index
        %get3A_521 = tpu.vector_load %arg9[%get3A_519, %get3A_520] {strides = array<i32>} : memref<512x128xf32, #tpu.memory_space<vmem>>, vector<1x16xf32>,
        %get3A_522 = vector.shape_cast %get3A_521 : vector<1x16xf32> to vector<16xf32>
        %add3A_523 = arith.constant 1 : i32
        %add3A_524 = arith.addi %add3A_446, %add3A_523 : i32
        %get3A_525 = arith.index_cast %add3A_524 : i32 to index
        %get3A_526 = arith.constant 64 : index
        %get3A_527 = tpu.vector_load %arg9[%get3A_525, %get3A_526] {strides = array<i32>} : memref<512x128xf32, #tpu.memory_space<vmem>>, vector<1x16xf32>,
        %get3A_528 = vector.shape_cast %get3A_527 : vector<1x16xf32> to vector<16xf32>
        %add3A_529 = arith.addf %get3A_522, %get3A_528 : vector<16xf32>
        %add3A_530 = arith.addf %while3A_424, %add3A_529 : vector<16xf32>
        %mul3A_531 = arith.mulf %get3A_522, %get3A_522 : vector<16xf32>
        %mul3A_532 = arith.mulf %get3A_528, %get3A_528 : vector<16xf32>
        %add3A_533 = arith.addf %mul3A_531, %mul3A_532 : vector<16xf32>
        %add3A_534 = arith.addf %while3A_432, %add3A_533 : vector<16xf32>
        %max3A_535 = arith.maximumf %get3A_522, %get3A_528 : vector<16xf32>
        %max3A_536 = arith.maximumf %while3A_440, %max3A_535 : vector<16xf32>
        %get3A_537 = arith.index_cast %add3A_446 : i32 to index
        %get3A_538 = arith.constant 80 : index
        %get3A_539 = tpu.vector_load %arg9[%get3A_537, %get3A_538] {strides = array<i32>} : memref<512x128xf32, #tpu.memory_space<vmem>>, vector<1x16xf32>,
        %get3A_540 = vector.shape_cast %get3A_539 : vector<1x16xf32> to vector<16xf32>
        %add3A_541 = arith.constant 1 : i32
        %add3A_542 = arith.addi %add3A_446, %add3A_541 : i32
        %get3A_543 = arith.index_cast %add3A_542 : i32 to index
        %get3A_544 = arith.constant 80 : index
        %get3A_545 = tpu.vector_load %arg9[%get3A_543, %get3A_544] {strides = array<i32>} : memref<512x128xf32, #tpu.memory_space<vmem>>, vector<1x16xf32>,
        %get3A_546 = vector.shape_cast %get3A_545 : vector<1x16xf32> to vector<16xf32>
        %add3A_547 = arith.addf %get3A_540, %get3A_546 : vector<16xf32>
        %add3A_548 = arith.addf %while3A_425, %add3A_547 : vector<16xf32>
        %mul3A_549 = arith.mulf %get3A_540, %get3A_540 : vector<16xf32>
        %mul3A_550 = arith.mulf %get3A_546, %get3A_546 : vector<16xf32>
        %add3A_551 = arith.addf %mul3A_549, %mul3A_550 : vector<16xf32>
        %add3A_552 = arith.addf %while3A_433, %add3A_551 : vector<16xf32>
        %max3A_553 = arith.maximumf %get3A_540, %get3A_546 : vector<16xf32>
        %max3A_554 = arith.maximumf %while3A_441, %max3A_553 : vector<16xf32>
        %get3A_555 = arith.index_cast %add3A_446 : i32 to index
        %get3A_556 = arith.constant 96 : index
        %get3A_557 = tpu.vector_load %arg9[%get3A_555, %get3A_556] {strides = array<i32>} : memref<512x128xf32, #tpu.memory_space<vmem>>, vector<1x16xf32>,
        %get3A_558 = vector.shape_cast %get3A_557 : vector<1x16xf32> to vector<16xf32>
        %add3A_559 = arith.constant 1 : i32
        %add3A_560 = arith.addi %add3A_446, %add3A_559 : i32
        %get3A_561 = arith.index_cast %add3A_560 : i32 to index
        %get3A_562 = arith.constant 96 : index
        %get3A_563 = tpu.vector_load %arg9[%get3A_561, %get3A_562] {strides = array<i32>} : memref<512x128xf32, #tpu.memory_space<vmem>>, vector<1x16xf32>,
        %get3A_564 = vector.shape_cast %get3A_563 : vector<1x16xf32> to vector<16xf32>
        %add3A_565 = arith.addf %get3A_558, %get3A_564 : vector<16xf32>
        %add3A_566 = arith.addf %while3A_426, %add3A_565 : vector<16xf32>
        %mul3A_567 = arith.mulf %get3A_558, %get3A_558 : vector<16xf32>
        %mul3A_568 = arith.mulf %get3A_564, %get3A_564 : vector<16xf32>
        %add3A_569 = arith.addf %mul3A_567, %mul3A_568 : vector<16xf32>
        %add3A_570 = arith.addf %while3A_434, %add3A_569 : vector<16xf32>
        %max3A_571 = arith.maximumf %get3A_558, %get3A_564 : vector<16xf32>
        %max3A_572 = arith.maximumf %while3A_442, %max3A_571 : vector<16xf32>
        %get3A_573 = arith.index_cast %add3A_446 : i32 to index
        %get3A_574 = arith.constant 112 : index
        %get3A_575 = tpu.vector_load %arg9[%get3A_573, %get3A_574] {strides = array<i32>} : memref<512x128xf32, #tpu.memory_space<vmem>>, vector<1x16xf32>,
        %get3A_576 = vector.shape_cast %get3A_575 : vector<1x16xf32> to vector<16xf32>
        %add3A_577 = arith.constant 1 : i32
        %add3A_578 = arith.addi %add3A_446, %add3A_577 : i32
        %get3A_579 = arith.index_cast %add3A_578 : i32 to index
        %get3A_580 = arith.constant 112 : index
        %get3A_581 = tpu.vector_load %arg9[%get3A_579, %get3A_580] {strides = array<i32>} : memref<512x128xf32, #tpu.memory_space<vmem>>, vector<1x16xf32>,
        %get3A_582 = vector.shape_cast %get3A_581 : vector<1x16xf32> to vector<16xf32>
        %add3A_583 = arith.addf %get3A_576, %get3A_582 : vector<16xf32>
        %add3A_584 = arith.addf %while3A_427, %add3A_583 : vector<16xf32>
        %mul3A_585 = arith.mulf %get3A_576, %get3A_576 : vector<16xf32>
        %mul3A_586 = arith.mulf %get3A_582, %get3A_582 : vector<16xf32>
        %add3A_587 = arith.addf %mul3A_585, %mul3A_586 : vector<16xf32>
        %add3A_588 = arith.addf %while3A_435, %add3A_587 : vector<16xf32>
        %max3A_589 = arith.maximumf %get3A_576, %get3A_582 : vector<16xf32>
        %max3A_590 = arith.maximumf %while3A_443, %max3A_589 : vector<16xf32>
        scf.yield %add3A_458, %add3A_476, %add3A_494, %add3A_512, %add3A_530, %add3A_548, %add3A_566, %add3A_584, %add3A_462, %add3A_480, %add3A_498, %add3A_516, %add3A_534, %add3A_552, %add3A_570, %add3A_588, %max3A_464, %max3A_482, %max3A_500, %max3A_518, %max3A_536, %max3A_554, %max3A_572, %max3A_590 : vector<16xf32>, vector<16xf32>, vector<16xf32>, vector<16xf32>, vector<16xf32>, vector<16xf32>, vector<16xf32>, vector<16xf32>, vector<16xf32>, vector<16xf32>, vector<16xf32>, vector<16xf32>, vector<16xf32>, vector<16xf32>, vector<16xf32>, vector<16xf32>, vector<16xf32>, vector<16xf32>, vector<16xf32>, vector<16xf32>, vector<16xf32>, vector<16xf32>, vector<16xf32>, vector<16xf32>
      }
      %mul3A_159 = arith.constant 2 : i32
      %mul3A_160 = arith.muli %mul3A_159, %select_n3A_147 : i32
      %add3A_161 = arith.addi %while3A_91, %mul3A_160 : i32
      %while3A_162 = arith.subi %max3A, %add3A_161 : i32
      %while3A_163 = arith.addi %add3A_161, %while3A_162 : i32
      %while3A_164 = arith.constant 1 : i32
      %while3A_165 = arith.divsi %while3A_162, %while3A_164 : i32
      %while3A_166 = arith.muli %while3A_165, %while3A_164 : i32
      %while3A_167 = arith.addi %add3A_161, %while3A_166 : i32
      %while3A_168 = arith.constant 1 : i32
      %while3A_169:24 = scf.for %while3A_419 = %add3A_161 to %while3A_167 step %while3A_168 iter_args(%while3A_420 = %while3A_158#0, %while3A_421 = %while3A_158#1, %while3A_422 = %while3A_158#2, %while3A_423 = %while3A_158#3, %while3A_424 = %while3A_158#4, %while3A_425 = %while3A_158#5, %while3A_426 = %while3A_158#6, %while3A_427 = %while3A_158#7, %while3A_428 = %while3A_158#8, %while3A_429 = %while3A_158#9, %while3A_430 = %while3A_158#10, %while3A_431 = %while3A_158#11, %while3A_432 = %while3A_158#12, %while3A_433 = %while3A_158#13, %while3A_434 = %while3A_158#14, %while3A_435 = %while3A_158#15, %while3A_436 = %while3A_158#16, %while3A_437 = %while3A_158#17, %while3A_438 = %while3A_158#18, %while3A_439 = %while3A_158#19, %while3A_440 = %while3A_158#20, %while3A_441 = %while3A_158#21, %while3A_442 = %while3A_158#22, %while3A_443 = %while3A_158#23) -> (vector<16xf32>, vector<16xf32>, vector<16xf32>, vector<16xf32>, vector<16xf32>, vector<16xf32>, vector<16xf32>, vector<16xf32>, vector<16xf32>, vector<16xf32>, vector<16xf32>, vector<16xf32>, vector<16xf32>, vector<16xf32>, vector<16xf32>, vector<16xf32>, vector<16xf32>, vector<16xf32>, vector<16xf32>, vector<16xf32>, vector<16xf32>, vector<16xf32>, vector<16xf32>, vector<16xf32>)  : i32 {
        %sub3A_444 = arith.subi %while3A_419, %mul3A_109 : i32
        %get3A_445 = arith.index_cast %sub3A_444 : i32 to index
        %get3A_446 = arith.constant 0 : index
        %get3A_447 = tpu.vector_load %arg9[%get3A_445, %get3A_446] {strides = array<i32>} : memref<512x128xf32, #tpu.memory_space<vmem>>, vector<1x16xf32>,
        %get3A_448 = vector.shape_cast %get3A_447 : vector<1x16xf32> to vector<16xf32>
        %add3A_449 = arith.addf %while3A_420, %get3A_448 : vector<16xf32>
        %mul3A_450 = arith.mulf %get3A_448, %get3A_448 : vector<16xf32>
        %add3A_451 = arith.addf %while3A_428, %mul3A_450 : vector<16xf32>
        %max3A_452 = arith.maximumf %while3A_436, %get3A_448 : vector<16xf32>
        %get3A_453 = arith.index_cast %sub3A_444 : i32 to index
        %get3A_454 = arith.constant 16 : index
        %get3A_455 = tpu.vector_load %arg9[%get3A_453, %get3A_454] {strides = array<i32>} : memref<512x128xf32, #tpu.memory_space<vmem>>, vector<1x16xf32>,
        %get3A_456 = vector.shape_cast %get3A_455 : vector<1x16xf32> to vector<16xf32>
        %add3A_457 = arith.addf %while3A_421, %get3A_456 : vector<16xf32>
        %mul3A_458 = arith.mulf %get3A_456, %get3A_456 : vector<16xf32>
        %add3A_459 = arith.addf %while3A_429, %mul3A_458 : vector<16xf32>
        %max3A_460 = arith.maximumf %while3A_437, %get3A_456 : vector<16xf32>
        %get3A_461 = arith.index_cast %sub3A_444 : i32 to index
        %get3A_462 = arith.constant 32 : index
        %get3A_463 = tpu.vector_load %arg9[%get3A_461, %get3A_462] {strides = array<i32>} : memref<512x128xf32, #tpu.memory_space<vmem>>, vector<1x16xf32>,
        %get3A_464 = vector.shape_cast %get3A_463 : vector<1x16xf32> to vector<16xf32>
        %add3A_465 = arith.addf %while3A_422, %get3A_464 : vector<16xf32>
        %mul3A_466 = arith.mulf %get3A_464, %get3A_464 : vector<16xf32>
        %add3A_467 = arith.addf %while3A_430, %mul3A_466 : vector<16xf32>
        %max3A_468 = arith.maximumf %while3A_438, %get3A_464 : vector<16xf32>
        %get3A_469 = arith.index_cast %sub3A_444 : i32 to index
        %get3A_470 = arith.constant 48 : index
        %get3A_471 = tpu.vector_load %arg9[%get3A_469, %get3A_470] {strides = array<i32>} : memref<512x128xf32, #tpu.memory_space<vmem>>, vector<1x16xf32>,
        %get3A_472 = vector.shape_cast %get3A_471 : vector<1x16xf32> to vector<16xf32>
        %add3A_473 = arith.addf %while3A_423, %get3A_472 : vector<16xf32>
        %mul3A_474 = arith.mulf %get3A_472, %get3A_472 : vector<16xf32>
        %add3A_475 = arith.addf %while3A_431, %mul3A_474 : vector<16xf32>
        %max3A_476 = arith.maximumf %while3A_439, %get3A_472 : vector<16xf32>
        %get3A_477 = arith.index_cast %sub3A_444 : i32 to index
        %get3A_478 = arith.constant 64 : index
        %get3A_479 = tpu.vector_load %arg9[%get3A_477, %get3A_478] {strides = array<i32>} : memref<512x128xf32, #tpu.memory_space<vmem>>, vector<1x16xf32>,
        %get3A_480 = vector.shape_cast %get3A_479 : vector<1x16xf32> to vector<16xf32>
        %add3A_481 = arith.addf %while3A_424, %get3A_480 : vector<16xf32>
        %mul3A_482 = arith.mulf %get3A_480, %get3A_480 : vector<16xf32>
        %add3A_483 = arith.addf %while3A_432, %mul3A_482 : vector<16xf32>
        %max3A_484 = arith.maximumf %while3A_440, %get3A_480 : vector<16xf32>
        %get3A_485 = arith.index_cast %sub3A_444 : i32 to index
        %get3A_486 = arith.constant 80 : index
        %get3A_487 = tpu.vector_load %arg9[%get3A_485, %get3A_486] {strides = array<i32>} : memref<512x128xf32, #tpu.memory_space<vmem>>, vector<1x16xf32>,
        %get3A_488 = vector.shape_cast %get3A_487 : vector<1x16xf32> to vector<16xf32>
        %add3A_489 = arith.addf %while3A_425, %get3A_488 : vector<16xf32>
        %mul3A_490 = arith.mulf %get3A_488, %get3A_488 : vector<16xf32>
        %add3A_491 = arith.addf %while3A_433, %mul3A_490 : vector<16xf32>
        %max3A_492 = arith.maximumf %while3A_441, %get3A_488 : vector<16xf32>
        %get3A_493 = arith.index_cast %sub3A_444 : i32 to index
        %get3A_494 = arith.constant 96 : index
        %get3A_495 = tpu.vector_load %arg9[%get3A_493, %get3A_494] {strides = array<i32>} : memref<512x128xf32, #tpu.memory_space<vmem>>, vector<1x16xf32>,
        %get3A_496 = vector.shape_cast %get3A_495 : vector<1x16xf32> to vector<16xf32>
        %add3A_497 = arith.addf %while3A_426, %get3A_496 : vector<16xf32>
        %mul3A_498 = arith.mulf %get3A_496, %get3A_496 : vector<16xf32>
        %add3A_499 = arith.addf %while3A_434, %mul3A_498 : vector<16xf32>
        %max3A_500 = arith.maximumf %while3A_442, %get3A_496 : vector<16xf32>
        %get3A_501 = arith.index_cast %sub3A_444 : i32 to index
        %get3A_502 = arith.constant 112 : index
        %get3A_503 = tpu.vector_load %arg9[%get3A_501, %get3A_502] {strides = array<i32>} : memref<512x128xf32, #tpu.memory_space<vmem>>, vector<1x16xf32>,
        %get3A_504 = vector.shape_cast %get3A_503 : vector<1x16xf32> to vector<16xf32>
        %add3A_505 = arith.addf %while3A_427, %get3A_504 : vector<16xf32>
        %mul3A_506 = arith.mulf %get3A_504, %get3A_504 : vector<16xf32>
        %add3A_507 = arith.addf %while3A_435, %mul3A_506 : vector<16xf32>
        %max3A_508 = arith.maximumf %while3A_443, %get3A_504 : vector<16xf32>
        scf.yield %add3A_449, %add3A_457, %add3A_465, %add3A_473, %add3A_481, %add3A_489, %add3A_497, %add3A_505, %add3A_451, %add3A_459, %add3A_467, %add3A_475, %add3A_483, %add3A_491, %add3A_499, %add3A_507, %max3A_452, %max3A_460, %max3A_468, %max3A_476, %max3A_484, %max3A_492, %max3A_500, %max3A_508 : vector<16xf32>, vector<16xf32>, vector<16xf32>, vector<16xf32>, vector<16xf32>, vector<16xf32>, vector<16xf32>, vector<16xf32>, vector<16xf32>, vector<16xf32>, vector<16xf32>, vector<16xf32>, vector<16xf32>, vector<16xf32>, vector<16xf32>, vector<16xf32>, vector<16xf32>, vector<16xf32>, vector<16xf32>, vector<16xf32>, vector<16xf32>, vector<16xf32>, vector<16xf32>, vector<16xf32>
      }
      %while3A_170 = arith.constant 1 : i32
      %while3A_171:24 = scf.for %while3A_419 = %while3A_167 to %while3A_163 step %while3A_170 iter_args(%while3A_420 = %while3A_169#0, %while3A_421 = %while3A_169#1, %while3A_422 = %while3A_169#2, %while3A_423 = %while3A_169#3, %while3A_424 = %while3A_169#4, %while3A_425 = %while3A_169#5, %while3A_426 = %while3A_169#6, %while3A_427 = %while3A_169#7, %while3A_428 = %while3A_169#8, %while3A_429 = %while3A_169#9, %while3A_430 = %while3A_169#10, %while3A_431 = %while3A_169#11, %while3A_432 = %while3A_169#12, %while3A_433 = %while3A_169#13, %while3A_434 = %while3A_169#14, %while3A_435 = %while3A_169#15, %while3A_436 = %while3A_169#16, %while3A_437 = %while3A_169#17, %while3A_438 = %while3A_169#18, %while3A_439 = %while3A_169#19, %while3A_440 = %while3A_169#20, %while3A_441 = %while3A_169#21, %while3A_442 = %while3A_169#22, %while3A_443 = %while3A_169#23) -> (vector<16xf32>, vector<16xf32>, vector<16xf32>, vector<16xf32>, vector<16xf32>, vector<16xf32>, vector<16xf32>, vector<16xf32>, vector<16xf32>, vector<16xf32>, vector<16xf32>, vector<16xf32>, vector<16xf32>, vector<16xf32>, vector<16xf32>, vector<16xf32>, vector<16xf32>, vector<16xf32>, vector<16xf32>, vector<16xf32>, vector<16xf32>, vector<16xf32>, vector<16xf32>, vector<16xf32>)  : i32 {
        %sub3A_444 = arith.subi %while3A_419, %mul3A_109 : i32
        %get3A_445 = arith.index_cast %sub3A_444 : i32 to index
        %get3A_446 = arith.constant 0 : index
        %get3A_447 = tpu.vector_load %arg9[%get3A_445, %get3A_446] {strides = array<i32>} : memref<512x128xf32, #tpu.memory_space<vmem>>, vector<1x16xf32>,
        %get3A_448 = vector.shape_cast %get3A_447 : vector<1x16xf32> to vector<16xf32>
        %add3A_449 = arith.addf %while3A_420, %get3A_448 : vector<16xf32>
        %mul3A_450 = arith.mulf %get3A_448, %get3A_448 : vector<16xf32>
        %add3A_451 = arith.addf %while3A_428, %mul3A_450 : vector<16xf32>
        %max3A_452 = arith.maximumf %while3A_436, %get3A_448 : vector<16xf32>
        %get3A_453 = arith.index_cast %sub3A_444 : i32 to index
        %get3A_454 = arith.constant 16 : index
        %get3A_455 = tpu.vector_load %arg9[%get3A_453, %get3A_454] {strides = array<i32>} : memref<512x128xf32, #tpu.memory_space<vmem>>, vector<1x16xf32>,
        %get3A_456 = vector.shape_cast %get3A_455 : vector<1x16xf32> to vector<16xf32>
        %add3A_457 = arith.addf %while3A_421, %get3A_456 : vector<16xf32>
        %mul3A_458 = arith.mulf %get3A_456, %get3A_456 : vector<16xf32>
        %add3A_459 = arith.addf %while3A_429, %mul3A_458 : vector<16xf32>
        %max3A_460 = arith.maximumf %while3A_437, %get3A_456 : vector<16xf32>
        %get3A_461 = arith.index_cast %sub3A_444 : i32 to index
        %get3A_462 = arith.constant 32 : index
        %get3A_463 = tpu.vector_load %arg9[%get3A_461, %get3A_462] {strides = array<i32>} : memref<512x128xf32, #tpu.memory_space<vmem>>, vector<1x16xf32>,
        %get3A_464 = vector.shape_cast %get3A_463 : vector<1x16xf32> to vector<16xf32>
        %add3A_465 = arith.addf %while3A_422, %get3A_464 : vector<16xf32>
        %mul3A_466 = arith.mulf %get3A_464, %get3A_464 : vector<16xf32>
        %add3A_467 = arith.addf %while3A_430, %mul3A_466 : vector<16xf32>
        %max3A_468 = arith.maximumf %while3A_438, %get3A_464 : vector<16xf32>
        %get3A_469 = arith.index_cast %sub3A_444 : i32 to index
        %get3A_470 = arith.constant 48 : index
        %get3A_471 = tpu.vector_load %arg9[%get3A_469, %get3A_470] {strides = array<i32>} : memref<512x128xf32, #tpu.memory_space<vmem>>, vector<1x16xf32>,
        %get3A_472 = vector.shape_cast %get3A_471 : vector<1x16xf32> to vector<16xf32>
        %add3A_473 = arith.addf %while3A_423, %get3A_472 : vector<16xf32>
        %mul3A_474 = arith.mulf %get3A_472, %get3A_472 : vector<16xf32>
        %add3A_475 = arith.addf %while3A_431, %mul3A_474 : vector<16xf32>
        %max3A_476 = arith.maximumf %while3A_439, %get3A_472 : vector<16xf32>
        %get3A_477 = arith.index_cast %sub3A_444 : i32 to index
        %get3A_478 = arith.constant 64 : index
        %get3A_479 = tpu.vector_load %arg9[%get3A_477, %get3A_478] {strides = array<i32>} : memref<512x128xf32, #tpu.memory_space<vmem>>, vector<1x16xf32>,
        %get3A_480 = vector.shape_cast %get3A_479 : vector<1x16xf32> to vector<16xf32>
        %add3A_481 = arith.addf %while3A_424, %get3A_480 : vector<16xf32>
        %mul3A_482 = arith.mulf %get3A_480, %get3A_480 : vector<16xf32>
        %add3A_483 = arith.addf %while3A_432, %mul3A_482 : vector<16xf32>
        %max3A_484 = arith.maximumf %while3A_440, %get3A_480 : vector<16xf32>
        %get3A_485 = arith.index_cast %sub3A_444 : i32 to index
        %get3A_486 = arith.constant 80 : index
        %get3A_487 = tpu.vector_load %arg9[%get3A_485, %get3A_486] {strides = array<i32>} : memref<512x128xf32, #tpu.memory_space<vmem>>, vector<1x16xf32>,
        %get3A_488 = vector.shape_cast %get3A_487 : vector<1x16xf32> to vector<16xf32>
        %add3A_489 = arith.addf %while3A_425, %get3A_488 : vector<16xf32>
        %mul3A_490 = arith.mulf %get3A_488, %get3A_488 : vector<16xf32>
        %add3A_491 = arith.addf %while3A_433, %mul3A_490 : vector<16xf32>
        %max3A_492 = arith.maximumf %while3A_441, %get3A_488 : vector<16xf32>
        %get3A_493 = arith.index_cast %sub3A_444 : i32 to index
        %get3A_494 = arith.constant 96 : index
        %get3A_495 = tpu.vector_load %arg9[%get3A_493, %get3A_494] {strides = array<i32>} : memref<512x128xf32, #tpu.memory_space<vmem>>, vector<1x16xf32>,
        %get3A_496 = vector.shape_cast %get3A_495 : vector<1x16xf32> to vector<16xf32>
        %add3A_497 = arith.addf %while3A_426, %get3A_496 : vector<16xf32>
        %mul3A_498 = arith.mulf %get3A_496, %get3A_496 : vector<16xf32>
        %add3A_499 = arith.addf %while3A_434, %mul3A_498 : vector<16xf32>
        %max3A_500 = arith.maximumf %while3A_442, %get3A_496 : vector<16xf32>
        %get3A_501 = arith.index_cast %sub3A_444 : i32 to index
        %get3A_502 = arith.constant 112 : index
        %get3A_503 = tpu.vector_load %arg9[%get3A_501, %get3A_502] {strides = array<i32>} : memref<512x128xf32, #tpu.memory_space<vmem>>, vector<1x16xf32>,
        %get3A_504 = vector.shape_cast %get3A_503 : vector<1x16xf32> to vector<16xf32>
        %add3A_505 = arith.addf %while3A_427, %get3A_504 : vector<16xf32>
        %mul3A_506 = arith.mulf %get3A_504, %get3A_504 : vector<16xf32>
        %add3A_507 = arith.addf %while3A_435, %mul3A_506 : vector<16xf32>
        %max3A_508 = arith.maximumf %while3A_443, %get3A_504 : vector<16xf32>
        scf.yield %add3A_449, %add3A_457, %add3A_465, %add3A_473, %add3A_481, %add3A_489, %add3A_497, %add3A_505, %add3A_451, %add3A_459, %add3A_467, %add3A_475, %add3A_483, %add3A_491, %add3A_499, %add3A_507, %max3A_452, %max3A_460, %max3A_468, %max3A_476, %max3A_484, %max3A_492, %max3A_500, %max3A_508 : vector<16xf32>, vector<16xf32>, vector<16xf32>, vector<16xf32>, vector<16xf32>, vector<16xf32>, vector<16xf32>, vector<16xf32>, vector<16xf32>, vector<16xf32>, vector<16xf32>, vector<16xf32>, vector<16xf32>, vector<16xf32>, vector<16xf32>, vector<16xf32>, vector<16xf32>, vector<16xf32>, vector<16xf32>, vector<16xf32>, vector<16xf32>, vector<16xf32>, vector<16xf32>, vector<16xf32>
      }
      %min3A_172 = arith.constant 31 : i32
      %min3A_173 = arith.minsi %while3A_90, %min3A_172 : i32
      %get3A_174 = arith.index_cast %min3A_173 : i32 to index
      %get3A_175 = arith.constant 0 : index
      %get3A_176 = tpu.vector_load %arg10[%get3A_174, %get3A_175] {strides = array<i32>} : memref<32x128xf32, #tpu.memory_space<vmem>>, vector<1x16xf32>,
      %get3A_177 = vector.shape_cast %get3A_176 : vector<1x16xf32> to vector<16xf32>
      %add3A_178 = arith.addf %get3A_177, %while3A_171#0 : vector<16xf32>
      %swap3A = arith.index_cast %min3A_173 : i32 to index
      %swap3A_179 = arith.constant 0 : index
      %swap3A_180 = tpu.vector_load %arg10[%swap3A, %swap3A_179] {strides = array<i32>} : memref<32x128xf32, #tpu.memory_space<vmem>>, vector<1x16xf32>,
      %swap3A_181 = vector.shape_cast %swap3A_180 : vector<1x16xf32> to vector<16xf32>
      %swap3A_182 = vector.shape_cast %add3A_178 : vector<16xf32> to vector<1x16xf32>
      tpu.vector_store %arg10[%swap3A, %swap3A_179], %swap3A_182 {strides = array<i32>} : memref<32x128xf32, #tpu.memory_space<vmem>>, vector<1x16xf32>,
      %get3A_183 = arith.index_cast %min3A_173 : i32 to index
      %get3A_184 = arith.constant 0 : index
      %get3A_185 = tpu.vector_load %arg11[%get3A_183, %get3A_184] {strides = array<i32>} : memref<32x128xf32, #tpu.memory_space<vmem>>, vector<1x16xf32>,
      %get3A_186 = vector.shape_cast %get3A_185 : vector<1x16xf32> to vector<16xf32>
      %add3A_187 = arith.addf %get3A_186, %while3A_171#8 : vector<16xf32>
      %swap3A_188 = arith.index_cast %min3A_173 : i32 to index
      %swap3A_189 = arith.constant 0 : index
      %swap3A_190 = tpu.vector_load %arg11[%swap3A_188, %swap3A_189] {strides = array<i32>} : memref<32x128xf32, #tpu.memory_space<vmem>>, vector<1x16xf32>,
      %swap3A_191 = vector.shape_cast %swap3A_190 : vector<1x16xf32> to vector<16xf32>
      %swap3A_192 = vector.shape_cast %add3A_187 : vector<16xf32> to vector<1x16xf32>
      tpu.vector_store %arg11[%swap3A_188, %swap3A_189], %swap3A_192 {strides = array<i32>} : memref<32x128xf32, #tpu.memory_space<vmem>>, vector<1x16xf32>,
      %get3A_193 = arith.index_cast %min3A_173 : i32 to index
      %get3A_194 = arith.constant 0 : index
      %get3A_195 = tpu.vector_load %arg12[%get3A_193, %get3A_194] {strides = array<i32>} : memref<32x128xf32, #tpu.memory_space<vmem>>, vector<1x16xf32>,
      %get3A_196 = vector.shape_cast %get3A_195 : vector<1x16xf32> to vector<16xf32>
      %max3A_197 = arith.maximumf %get3A_196, %while3A_171#16 : vector<16xf32>
      %swap3A_198 = arith.index_cast %min3A_173 : i32 to index
      %swap3A_199 = arith.constant 0 : index
      %swap3A_200 = tpu.vector_load %arg12[%swap3A_198, %swap3A_199] {strides = array<i32>} : memref<32x128xf32, #tpu.memory_space<vmem>>, vector<1x16xf32>,
      %swap3A_201 = vector.shape_cast %swap3A_200 : vector<1x16xf32> to vector<16xf32>
      %swap3A_202 = vector.shape_cast %max3A_197 : vector<16xf32> to vector<1x16xf32>
      tpu.vector_store %arg12[%swap3A_198, %swap3A_199], %swap3A_202 {strides = array<i32>} : memref<32x128xf32, #tpu.memory_space<vmem>>, vector<1x16xf32>,
      %get3A_203 = arith.index_cast %min3A_173 : i32 to index
      %get3A_204 = arith.constant 16 : index
      %get3A_205 = tpu.vector_load %arg10[%get3A_203, %get3A_204] {strides = array<i32>} : memref<32x128xf32, #tpu.memory_space<vmem>>, vector<1x16xf32>,
      %get3A_206 = vector.shape_cast %get3A_205 : vector<1x16xf32> to vector<16xf32>
      %add3A_207 = arith.addf %get3A_206, %while3A_171#1 : vector<16xf32>
      %swap3A_208 = arith.index_cast %min3A_173 : i32 to index
      %swap3A_209 = arith.constant 16 : index
      %swap3A_210 = tpu.vector_load %arg10[%swap3A_208, %swap3A_209] {strides = array<i32>} : memref<32x128xf32, #tpu.memory_space<vmem>>, vector<1x16xf32>,
      %swap3A_211 = vector.shape_cast %swap3A_210 : vector<1x16xf32> to vector<16xf32>
      %swap3A_212 = vector.shape_cast %add3A_207 : vector<16xf32> to vector<1x16xf32>
      tpu.vector_store %arg10[%swap3A_208, %swap3A_209], %swap3A_212 {strides = array<i32>} : memref<32x128xf32, #tpu.memory_space<vmem>>, vector<1x16xf32>,
      %get3A_213 = arith.index_cast %min3A_173 : i32 to index
      %get3A_214 = arith.constant 16 : index
      %get3A_215 = tpu.vector_load %arg11[%get3A_213, %get3A_214] {strides = array<i32>} : memref<32x128xf32, #tpu.memory_space<vmem>>, vector<1x16xf32>,
      %get3A_216 = vector.shape_cast %get3A_215 : vector<1x16xf32> to vector<16xf32>
      %add3A_217 = arith.addf %get3A_216, %while3A_171#9 : vector<16xf32>
      %swap3A_218 = arith.index_cast %min3A_173 : i32 to index
      %swap3A_219 = arith.constant 16 : index
      %swap3A_220 = tpu.vector_load %arg11[%swap3A_218, %swap3A_219] {strides = array<i32>} : memref<32x128xf32, #tpu.memory_space<vmem>>, vector<1x16xf32>,
      %swap3A_221 = vector.shape_cast %swap3A_220 : vector<1x16xf32> to vector<16xf32>
      %swap3A_222 = vector.shape_cast %add3A_217 : vector<16xf32> to vector<1x16xf32>
      tpu.vector_store %arg11[%swap3A_218, %swap3A_219], %swap3A_222 {strides = array<i32>} : memref<32x128xf32, #tpu.memory_space<vmem>>, vector<1x16xf32>,
      %get3A_223 = arith.index_cast %min3A_173 : i32 to index
      %get3A_224 = arith.constant 16 : index
      %get3A_225 = tpu.vector_load %arg12[%get3A_223, %get3A_224] {strides = array<i32>} : memref<32x128xf32, #tpu.memory_space<vmem>>, vector<1x16xf32>,
      %get3A_226 = vector.shape_cast %get3A_225 : vector<1x16xf32> to vector<16xf32>
      %max3A_227 = arith.maximumf %get3A_226, %while3A_171#17 : vector<16xf32>
      %swap3A_228 = arith.index_cast %min3A_173 : i32 to index
      %swap3A_229 = arith.constant 16 : index
      %swap3A_230 = tpu.vector_load %arg12[%swap3A_228, %swap3A_229] {strides = array<i32>} : memref<32x128xf32, #tpu.memory_space<vmem>>, vector<1x16xf32>,
      %swap3A_231 = vector.shape_cast %swap3A_230 : vector<1x16xf32> to vector<16xf32>
      %swap3A_232 = vector.shape_cast %max3A_227 : vector<16xf32> to vector<1x16xf32>
      tpu.vector_store %arg12[%swap3A_228, %swap3A_229], %swap3A_232 {strides = array<i32>} : memref<32x128xf32, #tpu.memory_space<vmem>>, vector<1x16xf32>,
      %get3A_233 = arith.index_cast %min3A_173 : i32 to index
      %get3A_234 = arith.constant 32 : index
      %get3A_235 = tpu.vector_load %arg10[%get3A_233, %get3A_234] {strides = array<i32>} : memref<32x128xf32, #tpu.memory_space<vmem>>, vector<1x16xf32>,
      %get3A_236 = vector.shape_cast %get3A_235 : vector<1x16xf32> to vector<16xf32>
      %add3A_237 = arith.addf %get3A_236, %while3A_171#2 : vector<16xf32>
      %swap3A_238 = arith.index_cast %min3A_173 : i32 to index
      %swap3A_239 = arith.constant 32 : index
      %swap3A_240 = tpu.vector_load %arg10[%swap3A_238, %swap3A_239] {strides = array<i32>} : memref<32x128xf32, #tpu.memory_space<vmem>>, vector<1x16xf32>,
      %swap3A_241 = vector.shape_cast %swap3A_240 : vector<1x16xf32> to vector<16xf32>
      %swap3A_242 = vector.shape_cast %add3A_237 : vector<16xf32> to vector<1x16xf32>
      tpu.vector_store %arg10[%swap3A_238, %swap3A_239], %swap3A_242 {strides = array<i32>} : memref<32x128xf32, #tpu.memory_space<vmem>>, vector<1x16xf32>,
      %get3A_243 = arith.index_cast %min3A_173 : i32 to index
      %get3A_244 = arith.constant 32 : index
      %get3A_245 = tpu.vector_load %arg11[%get3A_243, %get3A_244] {strides = array<i32>} : memref<32x128xf32, #tpu.memory_space<vmem>>, vector<1x16xf32>,
      %get3A_246 = vector.shape_cast %get3A_245 : vector<1x16xf32> to vector<16xf32>
      %add3A_247 = arith.addf %get3A_246, %while3A_171#10 : vector<16xf32>
      %swap3A_248 = arith.index_cast %min3A_173 : i32 to index
      %swap3A_249 = arith.constant 32 : index
      %swap3A_250 = tpu.vector_load %arg11[%swap3A_248, %swap3A_249] {strides = array<i32>} : memref<32x128xf32, #tpu.memory_space<vmem>>, vector<1x16xf32>,
      %swap3A_251 = vector.shape_cast %swap3A_250 : vector<1x16xf32> to vector<16xf32>
      %swap3A_252 = vector.shape_cast %add3A_247 : vector<16xf32> to vector<1x16xf32>
      tpu.vector_store %arg11[%swap3A_248, %swap3A_249], %swap3A_252 {strides = array<i32>} : memref<32x128xf32, #tpu.memory_space<vmem>>, vector<1x16xf32>,
      %get3A_253 = arith.index_cast %min3A_173 : i32 to index
      %get3A_254 = arith.constant 32 : index
      %get3A_255 = tpu.vector_load %arg12[%get3A_253, %get3A_254] {strides = array<i32>} : memref<32x128xf32, #tpu.memory_space<vmem>>, vector<1x16xf32>,
      %get3A_256 = vector.shape_cast %get3A_255 : vector<1x16xf32> to vector<16xf32>
      %max3A_257 = arith.maximumf %get3A_256, %while3A_171#18 : vector<16xf32>
      %swap3A_258 = arith.index_cast %min3A_173 : i32 to index
      %swap3A_259 = arith.constant 32 : index
      %swap3A_260 = tpu.vector_load %arg12[%swap3A_258, %swap3A_259] {strides = array<i32>} : memref<32x128xf32, #tpu.memory_space<vmem>>, vector<1x16xf32>,
      %swap3A_261 = vector.shape_cast %swap3A_260 : vector<1x16xf32> to vector<16xf32>
      %swap3A_262 = vector.shape_cast %max3A_257 : vector<16xf32> to vector<1x16xf32>
      tpu.vector_store %arg12[%swap3A_258, %swap3A_259], %swap3A_262 {strides = array<i32>} : memref<32x128xf32, #tpu.memory_space<vmem>>, vector<1x16xf32>,
      %get3A_263 = arith.index_cast %min3A_173 : i32 to index
      %get3A_264 = arith.constant 48 : index
      %get3A_265 = tpu.vector_load %arg10[%get3A_263, %get3A_264] {strides = array<i32>} : memref<32x128xf32, #tpu.memory_space<vmem>>, vector<1x16xf32>,
      %get3A_266 = vector.shape_cast %get3A_265 : vector<1x16xf32> to vector<16xf32>
      %add3A_267 = arith.addf %get3A_266, %while3A_171#3 : vector<16xf32>
      %swap3A_268 = arith.index_cast %min3A_173 : i32 to index
      %swap3A_269 = arith.constant 48 : index
      %swap3A_270 = tpu.vector_load %arg10[%swap3A_268, %swap3A_269] {strides = array<i32>} : memref<32x128xf32, #tpu.memory_space<vmem>>, vector<1x16xf32>,
      %swap3A_271 = vector.shape_cast %swap3A_270 : vector<1x16xf32> to vector<16xf32>
      %swap3A_272 = vector.shape_cast %add3A_267 : vector<16xf32> to vector<1x16xf32>
      tpu.vector_store %arg10[%swap3A_268, %swap3A_269], %swap3A_272 {strides = array<i32>} : memref<32x128xf32, #tpu.memory_space<vmem>>, vector<1x16xf32>,
      %get3A_273 = arith.index_cast %min3A_173 : i32 to index
      %get3A_274 = arith.constant 48 : index
      %get3A_275 = tpu.vector_load %arg11[%get3A_273, %get3A_274] {strides = array<i32>} : memref<32x128xf32, #tpu.memory_space<vmem>>, vector<1x16xf32>,
      %get3A_276 = vector.shape_cast %get3A_275 : vector<1x16xf32> to vector<16xf32>
      %add3A_277 = arith.addf %get3A_276, %while3A_171#11 : vector<16xf32>
      %swap3A_278 = arith.index_cast %min3A_173 : i32 to index
      %swap3A_279 = arith.constant 48 : index
      %swap3A_280 = tpu.vector_load %arg11[%swap3A_278, %swap3A_279] {strides = array<i32>} : memref<32x128xf32, #tpu.memory_space<vmem>>, vector<1x16xf32>,
      %swap3A_281 = vector.shape_cast %swap3A_280 : vector<1x16xf32> to vector<16xf32>
      %swap3A_282 = vector.shape_cast %add3A_277 : vector<16xf32> to vector<1x16xf32>
      tpu.vector_store %arg11[%swap3A_278, %swap3A_279], %swap3A_282 {strides = array<i32>} : memref<32x128xf32, #tpu.memory_space<vmem>>, vector<1x16xf32>,
      %get3A_283 = arith.index_cast %min3A_173 : i32 to index
      %get3A_284 = arith.constant 48 : index
      %get3A_285 = tpu.vector_load %arg12[%get3A_283, %get3A_284] {strides = array<i32>} : memref<32x128xf32, #tpu.memory_space<vmem>>, vector<1x16xf32>,
      %get3A_286 = vector.shape_cast %get3A_285 : vector<1x16xf32> to vector<16xf32>
      %max3A_287 = arith.maximumf %get3A_286, %while3A_171#19 : vector<16xf32>
      %swap3A_288 = arith.index_cast %min3A_173 : i32 to index
      %swap3A_289 = arith.constant 48 : index
      %swap3A_290 = tpu.vector_load %arg12[%swap3A_288, %swap3A_289] {strides = array<i32>} : memref<32x128xf32, #tpu.memory_space<vmem>>, vector<1x16xf32>,
      %swap3A_291 = vector.shape_cast %swap3A_290 : vector<1x16xf32> to vector<16xf32>
      %swap3A_292 = vector.shape_cast %max3A_287 : vector<16xf32> to vector<1x16xf32>
      tpu.vector_store %arg12[%swap3A_288, %swap3A_289], %swap3A_292 {strides = array<i32>} : memref<32x128xf32, #tpu.memory_space<vmem>>, vector<1x16xf32>,
      %get3A_293 = arith.index_cast %min3A_173 : i32 to index
      %get3A_294 = arith.constant 64 : index
      %get3A_295 = tpu.vector_load %arg10[%get3A_293, %get3A_294] {strides = array<i32>} : memref<32x128xf32, #tpu.memory_space<vmem>>, vector<1x16xf32>,
      %get3A_296 = vector.shape_cast %get3A_295 : vector<1x16xf32> to vector<16xf32>
      %add3A_297 = arith.addf %get3A_296, %while3A_171#4 : vector<16xf32>
      %swap3A_298 = arith.index_cast %min3A_173 : i32 to index
      %swap3A_299 = arith.constant 64 : index
      %swap3A_300 = tpu.vector_load %arg10[%swap3A_298, %swap3A_299] {strides = array<i32>} : memref<32x128xf32, #tpu.memory_space<vmem>>, vector<1x16xf32>,
      %swap3A_301 = vector.shape_cast %swap3A_300 : vector<1x16xf32> to vector<16xf32>
      %swap3A_302 = vector.shape_cast %add3A_297 : vector<16xf32> to vector<1x16xf32>
      tpu.vector_store %arg10[%swap3A_298, %swap3A_299], %swap3A_302 {strides = array<i32>} : memref<32x128xf32, #tpu.memory_space<vmem>>, vector<1x16xf32>,
      %get3A_303 = arith.index_cast %min3A_173 : i32 to index
      %get3A_304 = arith.constant 64 : index
      %get3A_305 = tpu.vector_load %arg11[%get3A_303, %get3A_304] {strides = array<i32>} : memref<32x128xf32, #tpu.memory_space<vmem>>, vector<1x16xf32>,
      %get3A_306 = vector.shape_cast %get3A_305 : vector<1x16xf32> to vector<16xf32>
      %add3A_307 = arith.addf %get3A_306, %while3A_171#12 : vector<16xf32>
      %swap3A_308 = arith.index_cast %min3A_173 : i32 to index
      %swap3A_309 = arith.constant 64 : index
      %swap3A_310 = tpu.vector_load %arg11[%swap3A_308, %swap3A_309] {strides = array<i32>} : memref<32x128xf32, #tpu.memory_space<vmem>>, vector<1x16xf32>,
      %swap3A_311 = vector.shape_cast %swap3A_310 : vector<1x16xf32> to vector<16xf32>
      %swap3A_312 = vector.shape_cast %add3A_307 : vector<16xf32> to vector<1x16xf32>
      tpu.vector_store %arg11[%swap3A_308, %swap3A_309], %swap3A_312 {strides = array<i32>} : memref<32x128xf32, #tpu.memory_space<vmem>>, vector<1x16xf32>,
      %get3A_313 = arith.index_cast %min3A_173 : i32 to index
      %get3A_314 = arith.constant 64 : index
      %get3A_315 = tpu.vector_load %arg12[%get3A_313, %get3A_314] {strides = array<i32>} : memref<32x128xf32, #tpu.memory_space<vmem>>, vector<1x16xf32>,
      %get3A_316 = vector.shape_cast %get3A_315 : vector<1x16xf32> to vector<16xf32>
      %max3A_317 = arith.maximumf %get3A_316, %while3A_171#20 : vector<16xf32>
      %swap3A_318 = arith.index_cast %min3A_173 : i32 to index
      %swap3A_319 = arith.constant 64 : index
      %swap3A_320 = tpu.vector_load %arg12[%swap3A_318, %swap3A_319] {strides = array<i32>} : memref<32x128xf32, #tpu.memory_space<vmem>>, vector<1x16xf32>,
      %swap3A_321 = vector.shape_cast %swap3A_320 : vector<1x16xf32> to vector<16xf32>
      %swap3A_322 = vector.shape_cast %max3A_317 : vector<16xf32> to vector<1x16xf32>
      tpu.vector_store %arg12[%swap3A_318, %swap3A_319], %swap3A_322 {strides = array<i32>} : memref<32x128xf32, #tpu.memory_space<vmem>>, vector<1x16xf32>,
      %get3A_323 = arith.index_cast %min3A_173 : i32 to index
      %get3A_324 = arith.constant 80 : index
      %get3A_325 = tpu.vector_load %arg10[%get3A_323, %get3A_324] {strides = array<i32>} : memref<32x128xf32, #tpu.memory_space<vmem>>, vector<1x16xf32>,
      %get3A_326 = vector.shape_cast %get3A_325 : vector<1x16xf32> to vector<16xf32>
      %add3A_327 = arith.addf %get3A_326, %while3A_171#5 : vector<16xf32>
      %swap3A_328 = arith.index_cast %min3A_173 : i32 to index
      %swap3A_329 = arith.constant 80 : index
      %swap3A_330 = tpu.vector_load %arg10[%swap3A_328, %swap3A_329] {strides = array<i32>} : memref<32x128xf32, #tpu.memory_space<vmem>>, vector<1x16xf32>,
      %swap3A_331 = vector.shape_cast %swap3A_330 : vector<1x16xf32> to vector<16xf32>
      %swap3A_332 = vector.shape_cast %add3A_327 : vector<16xf32> to vector<1x16xf32>
      tpu.vector_store %arg10[%swap3A_328, %swap3A_329], %swap3A_332 {strides = array<i32>} : memref<32x128xf32, #tpu.memory_space<vmem>>, vector<1x16xf32>,
      %get3A_333 = arith.index_cast %min3A_173 : i32 to index
      %get3A_334 = arith.constant 80 : index
      %get3A_335 = tpu.vector_load %arg11[%get3A_333, %get3A_334] {strides = array<i32>} : memref<32x128xf32, #tpu.memory_space<vmem>>, vector<1x16xf32>,
      %get3A_336 = vector.shape_cast %get3A_335 : vector<1x16xf32> to vector<16xf32>
      %add3A_337 = arith.addf %get3A_336, %while3A_171#13 : vector<16xf32>
      %swap3A_338 = arith.index_cast %min3A_173 : i32 to index
      %swap3A_339 = arith.constant 80 : index
      %swap3A_340 = tpu.vector_load %arg11[%swap3A_338, %swap3A_339] {strides = array<i32>} : memref<32x128xf32, #tpu.memory_space<vmem>>, vector<1x16xf32>,
      %swap3A_341 = vector.shape_cast %swap3A_340 : vector<1x16xf32> to vector<16xf32>
      %swap3A_342 = vector.shape_cast %add3A_337 : vector<16xf32> to vector<1x16xf32>
      tpu.vector_store %arg11[%swap3A_338, %swap3A_339], %swap3A_342 {strides = array<i32>} : memref<32x128xf32, #tpu.memory_space<vmem>>, vector<1x16xf32>,
      %get3A_343 = arith.index_cast %min3A_173 : i32 to index
      %get3A_344 = arith.constant 80 : index
      %get3A_345 = tpu.vector_load %arg12[%get3A_343, %get3A_344] {strides = array<i32>} : memref<32x128xf32, #tpu.memory_space<vmem>>, vector<1x16xf32>,
      %get3A_346 = vector.shape_cast %get3A_345 : vector<1x16xf32> to vector<16xf32>
      %max3A_347 = arith.maximumf %get3A_346, %while3A_171#21 : vector<16xf32>
      %swap3A_348 = arith.index_cast %min3A_173 : i32 to index
      %swap3A_349 = arith.constant 80 : index
      %swap3A_350 = tpu.vector_load %arg12[%swap3A_348, %swap3A_349] {strides = array<i32>} : memref<32x128xf32, #tpu.memory_space<vmem>>, vector<1x16xf32>,
      %swap3A_351 = vector.shape_cast %swap3A_350 : vector<1x16xf32> to vector<16xf32>
      %swap3A_352 = vector.shape_cast %max3A_347 : vector<16xf32> to vector<1x16xf32>
      tpu.vector_store %arg12[%swap3A_348, %swap3A_349], %swap3A_352 {strides = array<i32>} : memref<32x128xf32, #tpu.memory_space<vmem>>, vector<1x16xf32>,
      %get3A_353 = arith.index_cast %min3A_173 : i32 to index
      %get3A_354 = arith.constant 96 : index
      %get3A_355 = tpu.vector_load %arg10[%get3A_353, %get3A_354] {strides = array<i32>} : memref<32x128xf32, #tpu.memory_space<vmem>>, vector<1x16xf32>,
      %get3A_356 = vector.shape_cast %get3A_355 : vector<1x16xf32> to vector<16xf32>
      %add3A_357 = arith.addf %get3A_356, %while3A_171#6 : vector<16xf32>
      %swap3A_358 = arith.index_cast %min3A_173 : i32 to index
      %swap3A_359 = arith.constant 96 : index
      %swap3A_360 = tpu.vector_load %arg10[%swap3A_358, %swap3A_359] {strides = array<i32>} : memref<32x128xf32, #tpu.memory_space<vmem>>, vector<1x16xf32>,
      %swap3A_361 = vector.shape_cast %swap3A_360 : vector<1x16xf32> to vector<16xf32>
      %swap3A_362 = vector.shape_cast %add3A_357 : vector<16xf32> to vector<1x16xf32>
      tpu.vector_store %arg10[%swap3A_358, %swap3A_359], %swap3A_362 {strides = array<i32>} : memref<32x128xf32, #tpu.memory_space<vmem>>, vector<1x16xf32>,
      %get3A_363 = arith.index_cast %min3A_173 : i32 to index
      %get3A_364 = arith.constant 96 : index
      %get3A_365 = tpu.vector_load %arg11[%get3A_363, %get3A_364] {strides = array<i32>} : memref<32x128xf32, #tpu.memory_space<vmem>>, vector<1x16xf32>,
      %get3A_366 = vector.shape_cast %get3A_365 : vector<1x16xf32> to vector<16xf32>
      %add3A_367 = arith.addf %get3A_366, %while3A_171#14 : vector<16xf32>
      %swap3A_368 = arith.index_cast %min3A_173 : i32 to index
      %swap3A_369 = arith.constant 96 : index
      %swap3A_370 = tpu.vector_load %arg11[%swap3A_368, %swap3A_369] {strides = array<i32>} : memref<32x128xf32, #tpu.memory_space<vmem>>, vector<1x16xf32>,
      %swap3A_371 = vector.shape_cast %swap3A_370 : vector<1x16xf32> to vector<16xf32>
      %swap3A_372 = vector.shape_cast %add3A_367 : vector<16xf32> to vector<1x16xf32>
      tpu.vector_store %arg11[%swap3A_368, %swap3A_369], %swap3A_372 {strides = array<i32>} : memref<32x128xf32, #tpu.memory_space<vmem>>, vector<1x16xf32>,
      %get3A_373 = arith.index_cast %min3A_173 : i32 to index
      %get3A_374 = arith.constant 96 : index
      %get3A_375 = tpu.vector_load %arg12[%get3A_373, %get3A_374] {strides = array<i32>} : memref<32x128xf32, #tpu.memory_space<vmem>>, vector<1x16xf32>,
      %get3A_376 = vector.shape_cast %get3A_375 : vector<1x16xf32> to vector<16xf32>
      %max3A_377 = arith.maximumf %get3A_376, %while3A_171#22 : vector<16xf32>
      %swap3A_378 = arith.index_cast %min3A_173 : i32 to index
      %swap3A_379 = arith.constant 96 : index
      %swap3A_380 = tpu.vector_load %arg12[%swap3A_378, %swap3A_379] {strides = array<i32>} : memref<32x128xf32, #tpu.memory_space<vmem>>, vector<1x16xf32>,
      %swap3A_381 = vector.shape_cast %swap3A_380 : vector<1x16xf32> to vector<16xf32>
      %swap3A_382 = vector.shape_cast %max3A_377 : vector<16xf32> to vector<1x16xf32>
      tpu.vector_store %arg12[%swap3A_378, %swap3A_379], %swap3A_382 {strides = array<i32>} : memref<32x128xf32, #tpu.memory_space<vmem>>, vector<1x16xf32>,
      %get3A_383 = arith.index_cast %min3A_173 : i32 to index
      %get3A_384 = arith.constant 112 : index
      %get3A_385 = tpu.vector_load %arg10[%get3A_383, %get3A_384] {strides = array<i32>} : memref<32x128xf32, #tpu.memory_space<vmem>>, vector<1x16xf32>,
      %get3A_386 = vector.shape_cast %get3A_385 : vector<1x16xf32> to vector<16xf32>
      %add3A_387 = arith.addf %get3A_386, %while3A_171#7 : vector<16xf32>
      %swap3A_388 = arith.index_cast %min3A_173 : i32 to index
      %swap3A_389 = arith.constant 112 : index
      %swap3A_390 = tpu.vector_load %arg10[%swap3A_388, %swap3A_389] {strides = array<i32>} : memref<32x128xf32, #tpu.memory_space<vmem>>, vector<1x16xf32>,
      %swap3A_391 = vector.shape_cast %swap3A_390 : vector<1x16xf32> to vector<16xf32>
      %swap3A_392 = vector.shape_cast %add3A_387 : vector<16xf32> to vector<1x16xf32>
      tpu.vector_store %arg10[%swap3A_388, %swap3A_389], %swap3A_392 {strides = array<i32>} : memref<32x128xf32, #tpu.memory_space<vmem>>, vector<1x16xf32>,
      %get3A_393 = arith.index_cast %min3A_173 : i32 to index
      %get3A_394 = arith.constant 112 : index
      %get3A_395 = tpu.vector_load %arg11[%get3A_393, %get3A_394] {strides = array<i32>} : memref<32x128xf32, #tpu.memory_space<vmem>>, vector<1x16xf32>,
      %get3A_396 = vector.shape_cast %get3A_395 : vector<1x16xf32> to vector<16xf32>
      %add3A_397 = arith.addf %get3A_396, %while3A_171#15 : vector<16xf32>
      %swap3A_398 = arith.index_cast %min3A_173 : i32 to index
      %swap3A_399 = arith.constant 112 : index
      %swap3A_400 = tpu.vector_load %arg11[%swap3A_398, %swap3A_399] {strides = array<i32>} : memref<32x128xf32, #tpu.memory_space<vmem>>, vector<1x16xf32>,
      %swap3A_401 = vector.shape_cast %swap3A_400 : vector<1x16xf32> to vector<16xf32>
      %swap3A_402 = vector.shape_cast %add3A_397 : vector<16xf32> to vector<1x16xf32>
      tpu.vector_store %arg11[%swap3A_398, %swap3A_399], %swap3A_402 {strides = array<i32>} : memref<32x128xf32, #tpu.memory_space<vmem>>, vector<1x16xf32>,
      %get3A_403 = arith.index_cast %min3A_173 : i32 to index
      %get3A_404 = arith.constant 112 : index
      %get3A_405 = tpu.vector_load %arg12[%get3A_403, %get3A_404] {strides = array<i32>} : memref<32x128xf32, #tpu.memory_space<vmem>>, vector<1x16xf32>,
      %get3A_406 = vector.shape_cast %get3A_405 : vector<1x16xf32> to vector<16xf32>
      %max3A_407 = arith.maximumf %get3A_406, %while3A_171#23 : vector<16xf32>
      %swap3A_408 = arith.index_cast %min3A_173 : i32 to index
      %swap3A_409 = arith.constant 112 : index
      %swap3A_410 = tpu.vector_load %arg12[%swap3A_408, %swap3A_409] {strides = array<i32>} : memref<32x128xf32, #tpu.memory_space<vmem>>, vector<1x16xf32>,
      %swap3A_411 = vector.shape_cast %swap3A_410 : vector<1x16xf32> to vector<16xf32>
      %swap3A_412 = vector.shape_cast %max3A_407 : vector<16xf32> to vector<1x16xf32>
      tpu.vector_store %arg12[%swap3A_408, %swap3A_409], %swap3A_412 {strides = array<i32>} : memref<32x128xf32, #tpu.memory_space<vmem>>, vector<1x16xf32>,
      %ge3A_413 = arith.cmpi sge, %max3A, %squeeze3A_120 : i32
      %add3A_414 = arith.constant 1 : i32
      %add3A_415 = arith.addi %while3A_90, %add3A_414 : i32
      %min3A_416 = arith.constant 32 : i32
      %min3A_417 = arith.minsi %add3A_415, %min3A_416 : i32
      %select_n3A_418 = arith.select %ge3A_413, %min3A_417, %while3A_90 : i32
      scf.yield %select_n3A_418, %max3A, %select_n3A_100 : i32, i32, i32
    }
    %while3A_87 = arith.constant 1 : i32
    %while3A_88:3 = scf.for %while3A_89 = %while3A_84 to %while3A_80 step %while3A_87 iter_args(%while3A_90 = %while3A_86#0, %while3A_91 = %while3A_86#1, %while3A_92 = %while3A_86#2) -> (i32, i32, i32)  : i32 {
      %add3A_93 = arith.constant 1 : i32
      %add3A_94 = arith.addi %while3A_92, %add3A_93 : i32
      %mul3A_95 = arith.constant 256 : i32
      %mul3A_96 = arith.muli %add3A_94, %mul3A_95 : i32
      %ge3A = arith.cmpi sge, %while3A_91, %mul3A_96 : i32
      %lt3A = arith.cmpi slt, %while3A_91, %squeeze3A_19 : i32
      %and3A_97 = arith.andi %ge3A, %lt3A : i1
      %add3A_98 = arith.constant 1 : i32
      %add3A_99 = arith.addi %while3A_92, %add3A_98 : i32
      %select_n3A_100 = arith.select %and3A_97, %add3A_99, %while3A_92 : i32
      %convert_element_type3A_101 = arith.extui %and3A_97 : i1 to i32
      %cond3A_102 = arith.constant 0 : i32
      %cond3A_103 = arith.cmpi ne, %convert_element_type3A_101, %cond3A_102 : i32
      scf.if %cond3A_103 {
        %dma_wait3A = arith.constant 0 : i32
        %dma_wait3A_419 = arith.constant 0 : i32
        %dma_wait3A_420 = tpu.memref_slice %arg9[%dma_wait3A, %dma_wait3A_419] : memref<512x128xf32, #tpu.memory_space<vmem>> -> memref<256x128xf32, #tpu.memory_space<vmem>>
        %dma_wait3A_421 = arith.constant 0 : i32
        %dma_wait3A_422 = arith.constant 0 : i32
        %dma_wait3A_423 = tpu.memref_slice %arg2[%dma_wait3A_421, %dma_wait3A_422] : memref<320000x128xf32, #tpu.memory_space<hbm>> -> memref<256x128xf32, #tpu.memory_space<hbm>>
        %dma_wait3A_424 = arith.constant 0 : i32
        %dma_wait3A_425 = arith.constant 0 : i32
        %dma_wait3A_426 = tpu.memref_slice %arg9[%dma_wait3A_424, %dma_wait3A_425] : memref<512x128xf32, #tpu.memory_space<vmem>> -> memref<256x128xf32, #tpu.memory_space<vmem>>
        %dma_wait3A_427 = arith.constant 0 : i32
        %dma_wait3A_428 = arith.constant 0 : i32
        %dma_wait3A_429 = tpu.memref_slice %arg2[%dma_wait3A_427, %dma_wait3A_428] : memref<320000x128xf32, #tpu.memory_space<hbm>> -> memref<256x128xf32, #tpu.memory_space<hbm>>
        tpu.wait_dma2 semaphore(%arg14 : memref<!tpu.dma_semaphore, #tpu.memory_space<semaphore_mem>>) src(%dma_wait3A_429 : memref<256x128xf32, #tpu.memory_space<hbm>>) dst(%dma_wait3A_426 : memref<256x128xf32, #tpu.memory_space<vmem>>)
        %add3A_430 = arith.constant 1 : i32
        %add3A_431 = arith.addi %select_n3A_100, %add3A_430 : i32
        %gt3A_432 = arith.cmpi sgt, %select_n3A_100, %select_n3A : i32
        %le3A_433 = arith.cmpi sle, %add3A_431, %select_n3A_61 : i32
        %and3A_434 = arith.andi %gt3A_432, %le3A_433 : i1
        %convert_element_type3A_435 = arith.extui %and3A_434 : i1 to i32
        %cond3A_436 = arith.constant 0 : i32
        %cond3A_437 = arith.cmpi ne, %convert_element_type3A_435, %cond3A_436 : i32
        scf.if %cond3A_437 {
          %mul3A_438 = arith.constant 256 : i32
          %mul3A_439 = arith.muli %add3A_431, %mul3A_438 : i32
          %multiple_of3A = tpu.assume_multiple %mul3A_439, 256 : i32
          %sub3A_440 = arith.subi %add3A_431, %select_n3A : i32
          %rem3A_441 = arith.constant 2 : i32
          %rem3A_442 = arith.remsi %sub3A_440, %rem3A_441 : i32
          %mul3A_443 = arith.constant 256 : i32
          %mul3A_444 = arith.muli %rem3A_442, %mul3A_443 : i32
          %multiple_of3A_445 = tpu.assume_multiple %mul3A_444, 256 : i32
          %dma_start3A = arith.constant 0 : i32
          %dma_start3A_446 = tpu.memref_slice %arg9[%multiple_of3A_445, %dma_start3A] : memref<512x128xf32, #tpu.memory_space<vmem>> -> memref<256x128xf32, #tpu.memory_space<vmem>>
          %dma_start3A_447 = arith.constant 0 : i32
          %dma_start3A_448 = tpu.memref_slice %arg2[%multiple_of3A, %dma_start3A_447] : memref<320000x128xf32, #tpu.memory_space<hbm>> -> memref<256x128xf32, #tpu.memory_space<hbm>>
          %dma_start3A_449 = arith.constant 0 : i32
          %dma_start3A_450 = tpu.memref_slice %arg9[%multiple_of3A_445, %dma_start3A_449] : memref<512x128xf32, #tpu.memory_space<vmem>> -> memref<256x128xf32, #tpu.memory_space<vmem>>
          %dma_start3A_451 = arith.constant 0 : i32
          %dma_start3A_452 = tpu.memref_slice %arg2[%multiple_of3A, %dma_start3A_451] : memref<320000x128xf32, #tpu.memory_space<hbm>> -> memref<256x128xf32, #tpu.memory_space<hbm>>
          tpu.enqueue_dma source(%dma_start3A_452 : memref<256x128xf32, #tpu.memory_space<hbm>>) target(%dma_start3A_450 : memref<256x128xf32, #tpu.memory_space<vmem>>) target_semaphore(%arg14 : memref<!tpu.dma_semaphore, #tpu.memory_space<semaphore_mem>>)
        } else {
        }
      } else {
      }
      %sub3A_104 = arith.subi %select_n3A_100, %select_n3A : i32
      %rem3A_105 = arith.constant 2 : i32
      %rem3A_106 = arith.remsi %sub3A_104, %rem3A_105 : i32
      %sub3A_107 = arith.subi %select_n3A_100, %rem3A_106 : i32
      %mul3A_108 = arith.constant 256 : i32
      %mul3A_109 = arith.muli %sub3A_107, %mul3A_108 : i32
      %add3A_110 = arith.constant 1 : i32
      %add3A_111 = arith.addi %select_n3A_100, %add3A_110 : i32
      %mul3A_112 = arith.constant 256 : i32
      %mul3A_113 = arith.muli %add3A_111, %mul3A_112 : i32
      %add3A_114 = arith.constant 1 : i32
      %add3A_115 = arith.addi %while3A_90, %add3A_114 : i32
      %get3A_116 = arith.index_cast %add3A_115 : i32 to index
      %get3A_117 = tpu.vector_load %arg8[%get3A_116] {strides = array<i32>} : memref<64xi32, #tpu.memory_space<vmem>>, vector<16xi32>,
      %get3A_118 = vector.shape_cast %get3A_117 : vector<16xi32> to vector<16xi32>
      %slice3A_119 = vector.extract_strided_slice %get3A_118 {offsets = [0], sizes = [1], strides = [1]} : vector<16xi32> to vector<1xi32>
      %squeeze3A_120 = vector.extract %slice3A_119[0] : i32 from vector<1xi32>
      %min3A = arith.minsi %squeeze3A_120, %mul3A_113 : i32
      %min3A_121 = arith.minsi %min3A, %squeeze3A_19 : i32
      %max3A = arith.maxsi %min3A_121, %while3A_91 : i32
      %sub3A_122 = arith.subi %while3A_91, %mul3A_109 : i32
      %sub3A_123 = arith.subi %max3A, %while3A_91 : i32
      %jit3A_124 = arith.constant 2 : i32
      %div3A_125 = arith.divsi %sub3A_123, %jit3A_124 : i32
      %sign3A_126 = arith.constant 0 : i32
      %sign3A_127 = arith.cmpi sgt, %sub3A_123, %sign3A_126 : i32
      %sign3A_128 = arith.extui %sign3A_127 : i1 to i32
      %sign3A_129 = arith.constant 0 : i32
      %sign3A_130 = arith.cmpi slt, %sub3A_123, %sign3A_129 : i32
      %sign3A_131 = arith.extui %sign3A_130 : i1 to i32
      %sign3A_132 = arith.subi %sign3A_128, %sign3A_131 : i32
      %sign3A_133 = arith.constant 0 : i32
      %sign3A_134 = arith.cmpi sgt, %jit3A_124, %sign3A_133 : i32
      %sign3A_135 = arith.extui %sign3A_134 : i1 to i32
      %sign3A_136 = arith.constant 0 : i32
      %sign3A_137 = arith.cmpi slt, %jit3A_124, %sign3A_136 : i32
      %sign3A_138 = arith.extui %sign3A_137 : i1 to i32
      %sign3A_139 = arith.subi %sign3A_135, %sign3A_138 : i32
      %ne3A_140 = arith.cmpi ne, %sign3A_132, %sign3A_139 : i32
      %rem3A_141 = arith.remsi %sub3A_123, %jit3A_124 : i32
      %ne3A_142 = arith.constant 0 : i32
      %ne3A_143 = arith.cmpi ne, %rem3A_141, %ne3A_142 : i32
      %and3A_144 = arith.andi %ne3A_140, %ne3A_143 : i1
      %sub3A_145 = arith.constant 1 : i32
      %sub3A_146 = arith.subi %div3A_125, %sub3A_145 : i32
      %select_n3A_147 = arith.select %and3A_144, %sub3A_146, %div3A_125 : i32
      %while3A_148 = arith.constant 0 : i32
      %while3A_149 = arith.subi %select_n3A_147, %while3A_148 : i32
      %while3A_150 = arith.addi %while3A_148, %while3A_149 : i32
      %while3A_151 = arith.constant 1 : i32
      %while3A_152 = arith.divsi %while3A_149, %while3A_151 : i32
      %while3A_153 = arith.muli %while3A_152, %while3A_151 : i32
      %while3A_154 = arith.addi %while3A_148, %while3A_153 : i32
      %while3A_155 = arith.constant 1 : i32
      %while3A_156:24 = scf.for %while3A_419 = %while3A_148 to %while3A_154 step %while3A_155 iter_args(%while3A_420 = %broadcast_in_dim3A_3, %while3A_421 = %broadcast_in_dim3A_3, %while3A_422 = %broadcast_in_dim3A_3, %while3A_423 = %broadcast_in_dim3A_3, %while3A_424 = %broadcast_in_dim3A_3, %while3A_425 = %broadcast_in_dim3A_3, %while3A_426 = %broadcast_in_dim3A_3, %while3A_427 = %broadcast_in_dim3A_3, %while3A_428 = %broadcast_in_dim3A_3, %while3A_429 = %broadcast_in_dim3A_3, %while3A_430 = %broadcast_in_dim3A_3, %while3A_431 = %broadcast_in_dim3A_3, %while3A_432 = %broadcast_in_dim3A_3, %while3A_433 = %broadcast_in_dim3A_3, %while3A_434 = %broadcast_in_dim3A_3, %while3A_435 = %broadcast_in_dim3A_3, %while3A_436 = %broadcast_in_dim3A_7, %while3A_437 = %broadcast_in_dim3A_7, %while3A_438 = %broadcast_in_dim3A_7, %while3A_439 = %broadcast_in_dim3A_7, %while3A_440 = %broadcast_in_dim3A_7, %while3A_441 = %broadcast_in_dim3A_7, %while3A_442 = %broadcast_in_dim3A_7, %while3A_443 = %broadcast_in_dim3A_7) -> (vector<16xf32>, vector<16xf32>, vector<16xf32>, vector<16xf32>, vector<16xf32>, vector<16xf32>, vector<16xf32>, vector<16xf32>, vector<16xf32>, vector<16xf32>, vector<16xf32>, vector<16xf32>, vector<16xf32>, vector<16xf32>, vector<16xf32>, vector<16xf32>, vector<16xf32>, vector<16xf32>, vector<16xf32>, vector<16xf32>, vector<16xf32>, vector<16xf32>, vector<16xf32>, vector<16xf32>)  : i32 {
        %mul3A_444 = arith.constant 2 : i32
        %mul3A_445 = arith.muli %mul3A_444, %while3A_419 : i32
        %add3A_446 = arith.addi %sub3A_122, %mul3A_445 : i32
        %get3A_447 = arith.index_cast %add3A_446 : i32 to index
        %get3A_448 = arith.constant 0 : index
        %get3A_449 = tpu.vector_load %arg9[%get3A_447, %get3A_448] {strides = array<i32>} : memref<512x128xf32, #tpu.memory_space<vmem>>, vector<1x16xf32>,
        %get3A_450 = vector.shape_cast %get3A_449 : vector<1x16xf32> to vector<16xf32>
        %add3A_451 = arith.constant 1 : i32
        %add3A_452 = arith.addi %add3A_446, %add3A_451 : i32
        %get3A_453 = arith.index_cast %add3A_452 : i32 to index
        %get3A_454 = arith.constant 0 : index
        %get3A_455 = tpu.vector_load %arg9[%get3A_453, %get3A_454] {strides = array<i32>} : memref<512x128xf32, #tpu.memory_space<vmem>>, vector<1x16xf32>,
        %get3A_456 = vector.shape_cast %get3A_455 : vector<1x16xf32> to vector<16xf32>
        %add3A_457 = arith.addf %get3A_450, %get3A_456 : vector<16xf32>
        %add3A_458 = arith.addf %while3A_420, %add3A_457 : vector<16xf32>
        %mul3A_459 = arith.mulf %get3A_450, %get3A_450 : vector<16xf32>
        %mul3A_460 = arith.mulf %get3A_456, %get3A_456 : vector<16xf32>
        %add3A_461 = arith.addf %mul3A_459, %mul3A_460 : vector<16xf32>
        %add3A_462 = arith.addf %while3A_428, %add3A_461 : vector<16xf32>
        %max3A_463 = arith.maximumf %get3A_450, %get3A_456 : vector<16xf32>
        %max3A_464 = arith.maximumf %while3A_436, %max3A_463 : vector<16xf32>
        %get3A_465 = arith.index_cast %add3A_446 : i32 to index
        %get3A_466 = arith.constant 16 : index
        %get3A_467 = tpu.vector_load %arg9[%get3A_465, %get3A_466] {strides = array<i32>} : memref<512x128xf32, #tpu.memory_space<vmem>>, vector<1x16xf32>,
        %get3A_468 = vector.shape_cast %get3A_467 : vector<1x16xf32> to vector<16xf32>
        %add3A_469 = arith.constant 1 : i32
        %add3A_470 = arith.addi %add3A_446, %add3A_469 : i32
        %get3A_471 = arith.index_cast %add3A_470 : i32 to index
        %get3A_472 = arith.constant 16 : index
        %get3A_473 = tpu.vector_load %arg9[%get3A_471, %get3A_472] {strides = array<i32>} : memref<512x128xf32, #tpu.memory_space<vmem>>, vector<1x16xf32>,
        %get3A_474 = vector.shape_cast %get3A_473 : vector<1x16xf32> to vector<16xf32>
        %add3A_475 = arith.addf %get3A_468, %get3A_474 : vector<16xf32>
        %add3A_476 = arith.addf %while3A_421, %add3A_475 : vector<16xf32>
        %mul3A_477 = arith.mulf %get3A_468, %get3A_468 : vector<16xf32>
        %mul3A_478 = arith.mulf %get3A_474, %get3A_474 : vector<16xf32>
        %add3A_479 = arith.addf %mul3A_477, %mul3A_478 : vector<16xf32>
        %add3A_480 = arith.addf %while3A_429, %add3A_479 : vector<16xf32>
        %max3A_481 = arith.maximumf %get3A_468, %get3A_474 : vector<16xf32>
        %max3A_482 = arith.maximumf %while3A_437, %max3A_481 : vector<16xf32>
        %get3A_483 = arith.index_cast %add3A_446 : i32 to index
        %get3A_484 = arith.constant 32 : index
        %get3A_485 = tpu.vector_load %arg9[%get3A_483, %get3A_484] {strides = array<i32>} : memref<512x128xf32, #tpu.memory_space<vmem>>, vector<1x16xf32>,
        %get3A_486 = vector.shape_cast %get3A_485 : vector<1x16xf32> to vector<16xf32>
        %add3A_487 = arith.constant 1 : i32
        %add3A_488 = arith.addi %add3A_446, %add3A_487 : i32
        %get3A_489 = arith.index_cast %add3A_488 : i32 to index
        %get3A_490 = arith.constant 32 : index
        %get3A_491 = tpu.vector_load %arg9[%get3A_489, %get3A_490] {strides = array<i32>} : memref<512x128xf32, #tpu.memory_space<vmem>>, vector<1x16xf32>,
        %get3A_492 = vector.shape_cast %get3A_491 : vector<1x16xf32> to vector<16xf32>
        %add3A_493 = arith.addf %get3A_486, %get3A_492 : vector<16xf32>
        %add3A_494 = arith.addf %while3A_422, %add3A_493 : vector<16xf32>
        %mul3A_495 = arith.mulf %get3A_486, %get3A_486 : vector<16xf32>
        %mul3A_496 = arith.mulf %get3A_492, %get3A_492 : vector<16xf32>
        %add3A_497 = arith.addf %mul3A_495, %mul3A_496 : vector<16xf32>
        %add3A_498 = arith.addf %while3A_430, %add3A_497 : vector<16xf32>
        %max3A_499 = arith.maximumf %get3A_486, %get3A_492 : vector<16xf32>
        %max3A_500 = arith.maximumf %while3A_438, %max3A_499 : vector<16xf32>
        %get3A_501 = arith.index_cast %add3A_446 : i32 to index
        %get3A_502 = arith.constant 48 : index
        %get3A_503 = tpu.vector_load %arg9[%get3A_501, %get3A_502] {strides = array<i32>} : memref<512x128xf32, #tpu.memory_space<vmem>>, vector<1x16xf32>,
        %get3A_504 = vector.shape_cast %get3A_503 : vector<1x16xf32> to vector<16xf32>
        %add3A_505 = arith.constant 1 : i32
        %add3A_506 = arith.addi %add3A_446, %add3A_505 : i32
        %get3A_507 = arith.index_cast %add3A_506 : i32 to index
        %get3A_508 = arith.constant 48 : index
        %get3A_509 = tpu.vector_load %arg9[%get3A_507, %get3A_508] {strides = array<i32>} : memref<512x128xf32, #tpu.memory_space<vmem>>, vector<1x16xf32>,
        %get3A_510 = vector.shape_cast %get3A_509 : vector<1x16xf32> to vector<16xf32>
        %add3A_511 = arith.addf %get3A_504, %get3A_510 : vector<16xf32>
        %add3A_512 = arith.addf %while3A_423, %add3A_511 : vector<16xf32>
        %mul3A_513 = arith.mulf %get3A_504, %get3A_504 : vector<16xf32>
        %mul3A_514 = arith.mulf %get3A_510, %get3A_510 : vector<16xf32>
        %add3A_515 = arith.addf %mul3A_513, %mul3A_514 : vector<16xf32>
        %add3A_516 = arith.addf %while3A_431, %add3A_515 : vector<16xf32>
        %max3A_517 = arith.maximumf %get3A_504, %get3A_510 : vector<16xf32>
        %max3A_518 = arith.maximumf %while3A_439, %max3A_517 : vector<16xf32>
        %get3A_519 = arith.index_cast %add3A_446 : i32 to index
        %get3A_520 = arith.constant 64 : index
        %get3A_521 = tpu.vector_load %arg9[%get3A_519, %get3A_520] {strides = array<i32>} : memref<512x128xf32, #tpu.memory_space<vmem>>, vector<1x16xf32>,
        %get3A_522 = vector.shape_cast %get3A_521 : vector<1x16xf32> to vector<16xf32>
        %add3A_523 = arith.constant 1 : i32
        %add3A_524 = arith.addi %add3A_446, %add3A_523 : i32
        %get3A_525 = arith.index_cast %add3A_524 : i32 to index
        %get3A_526 = arith.constant 64 : index
        %get3A_527 = tpu.vector_load %arg9[%get3A_525, %get3A_526] {strides = array<i32>} : memref<512x128xf32, #tpu.memory_space<vmem>>, vector<1x16xf32>,
        %get3A_528 = vector.shape_cast %get3A_527 : vector<1x16xf32> to vector<16xf32>
        %add3A_529 = arith.addf %get3A_522, %get3A_528 : vector<16xf32>
        %add3A_530 = arith.addf %while3A_424, %add3A_529 : vector<16xf32>
        %mul3A_531 = arith.mulf %get3A_522, %get3A_522 : vector<16xf32>
        %mul3A_532 = arith.mulf %get3A_528, %get3A_528 : vector<16xf32>
        %add3A_533 = arith.addf %mul3A_531, %mul3A_532 : vector<16xf32>
        %add3A_534 = arith.addf %while3A_432, %add3A_533 : vector<16xf32>
        %max3A_535 = arith.maximumf %get3A_522, %get3A_528 : vector<16xf32>
        %max3A_536 = arith.maximumf %while3A_440, %max3A_535 : vector<16xf32>
        %get3A_537 = arith.index_cast %add3A_446 : i32 to index
        %get3A_538 = arith.constant 80 : index
        %get3A_539 = tpu.vector_load %arg9[%get3A_537, %get3A_538] {strides = array<i32>} : memref<512x128xf32, #tpu.memory_space<vmem>>, vector<1x16xf32>,
        %get3A_540 = vector.shape_cast %get3A_539 : vector<1x16xf32> to vector<16xf32>
        %add3A_541 = arith.constant 1 : i32
        %add3A_542 = arith.addi %add3A_446, %add3A_541 : i32
        %get3A_543 = arith.index_cast %add3A_542 : i32 to index
        %get3A_544 = arith.constant 80 : index
        %get3A_545 = tpu.vector_load %arg9[%get3A_543, %get3A_544] {strides = array<i32>} : memref<512x128xf32, #tpu.memory_space<vmem>>, vector<1x16xf32>,
        %get3A_546 = vector.shape_cast %get3A_545 : vector<1x16xf32> to vector<16xf32>
        %add3A_547 = arith.addf %get3A_540, %get3A_546 : vector<16xf32>
        %add3A_548 = arith.addf %while3A_425, %add3A_547 : vector<16xf32>
        %mul3A_549 = arith.mulf %get3A_540, %get3A_540 : vector<16xf32>
        %mul3A_550 = arith.mulf %get3A_546, %get3A_546 : vector<16xf32>
        %add3A_551 = arith.addf %mul3A_549, %mul3A_550 : vector<16xf32>
        %add3A_552 = arith.addf %while3A_433, %add3A_551 : vector<16xf32>
        %max3A_553 = arith.maximumf %get3A_540, %get3A_546 : vector<16xf32>
        %max3A_554 = arith.maximumf %while3A_441, %max3A_553 : vector<16xf32>
        %get3A_555 = arith.index_cast %add3A_446 : i32 to index
        %get3A_556 = arith.constant 96 : index
        %get3A_557 = tpu.vector_load %arg9[%get3A_555, %get3A_556] {strides = array<i32>} : memref<512x128xf32, #tpu.memory_space<vmem>>, vector<1x16xf32>,
        %get3A_558 = vector.shape_cast %get3A_557 : vector<1x16xf32> to vector<16xf32>
        %add3A_559 = arith.constant 1 : i32
        %add3A_560 = arith.addi %add3A_446, %add3A_559 : i32
        %get3A_561 = arith.index_cast %add3A_560 : i32 to index
        %get3A_562 = arith.constant 96 : index
        %get3A_563 = tpu.vector_load %arg9[%get3A_561, %get3A_562] {strides = array<i32>} : memref<512x128xf32, #tpu.memory_space<vmem>>, vector<1x16xf32>,
        %get3A_564 = vector.shape_cast %get3A_563 : vector<1x16xf32> to vector<16xf32>
        %add3A_565 = arith.addf %get3A_558, %get3A_564 : vector<16xf32>
        %add3A_566 = arith.addf %while3A_426, %add3A_565 : vector<16xf32>
        %mul3A_567 = arith.mulf %get3A_558, %get3A_558 : vector<16xf32>
        %mul3A_568 = arith.mulf %get3A_564, %get3A_564 : vector<16xf32>
        %add3A_569 = arith.addf %mul3A_567, %mul3A_568 : vector<16xf32>
        %add3A_570 = arith.addf %while3A_434, %add3A_569 : vector<16xf32>
        %max3A_571 = arith.maximumf %get3A_558, %get3A_564 : vector<16xf32>
        %max3A_572 = arith.maximumf %while3A_442, %max3A_571 : vector<16xf32>
        %get3A_573 = arith.index_cast %add3A_446 : i32 to index
        %get3A_574 = arith.constant 112 : index
        %get3A_575 = tpu.vector_load %arg9[%get3A_573, %get3A_574] {strides = array<i32>} : memref<512x128xf32, #tpu.memory_space<vmem>>, vector<1x16xf32>,
        %get3A_576 = vector.shape_cast %get3A_575 : vector<1x16xf32> to vector<16xf32>
        %add3A_577 = arith.constant 1 : i32
        %add3A_578 = arith.addi %add3A_446, %add3A_577 : i32
        %get3A_579 = arith.index_cast %add3A_578 : i32 to index
        %get3A_580 = arith.constant 112 : index
        %get3A_581 = tpu.vector_load %arg9[%get3A_579, %get3A_580] {strides = array<i32>} : memref<512x128xf32, #tpu.memory_space<vmem>>, vector<1x16xf32>,
        %get3A_582 = vector.shape_cast %get3A_581 : vector<1x16xf32> to vector<16xf32>
        %add3A_583 = arith.addf %get3A_576, %get3A_582 : vector<16xf32>
        %add3A_584 = arith.addf %while3A_427, %add3A_583 : vector<16xf32>
        %mul3A_585 = arith.mulf %get3A_576, %get3A_576 : vector<16xf32>
        %mul3A_586 = arith.mulf %get3A_582, %get3A_582 : vector<16xf32>
        %add3A_587 = arith.addf %mul3A_585, %mul3A_586 : vector<16xf32>
        %add3A_588 = arith.addf %while3A_435, %add3A_587 : vector<16xf32>
        %max3A_589 = arith.maximumf %get3A_576, %get3A_582 : vector<16xf32>
        %max3A_590 = arith.maximumf %while3A_443, %max3A_589 : vector<16xf32>
        scf.yield %add3A_458, %add3A_476, %add3A_494, %add3A_512, %add3A_530, %add3A_548, %add3A_566, %add3A_584, %add3A_462, %add3A_480, %add3A_498, %add3A_516, %add3A_534, %add3A_552, %add3A_570, %add3A_588, %max3A_464, %max3A_482, %max3A_500, %max3A_518, %max3A_536, %max3A_554, %max3A_572, %max3A_590 : vector<16xf32>, vector<16xf32>, vector<16xf32>, vector<16xf32>, vector<16xf32>, vector<16xf32>, vector<16xf32>, vector<16xf32>, vector<16xf32>, vector<16xf32>, vector<16xf32>, vector<16xf32>, vector<16xf32>, vector<16xf32>, vector<16xf32>, vector<16xf32>, vector<16xf32>, vector<16xf32>, vector<16xf32>, vector<16xf32>, vector<16xf32>, vector<16xf32>, vector<16xf32>, vector<16xf32>
      }
      %while3A_157 = arith.constant 1 : i32
      %while3A_158:24 = scf.for %while3A_419 = %while3A_154 to %while3A_150 step %while3A_157 iter_args(%while3A_420 = %while3A_156#0, %while3A_421 = %while3A_156#1, %while3A_422 = %while3A_156#2, %while3A_423 = %while3A_156#3, %while3A_424 = %while3A_156#4, %while3A_425 = %while3A_156#5, %while3A_426 = %while3A_156#6, %while3A_427 = %while3A_156#7, %while3A_428 = %while3A_156#8, %while3A_429 = %while3A_156#9, %while3A_430 = %while3A_156#10, %while3A_431 = %while3A_156#11, %while3A_432 = %while3A_156#12, %while3A_433 = %while3A_156#13, %while3A_434 = %while3A_156#14, %while3A_435 = %while3A_156#15, %while3A_436 = %while3A_156#16, %while3A_437 = %while3A_156#17, %while3A_438 = %while3A_156#18, %while3A_439 = %while3A_156#19, %while3A_440 = %while3A_156#20, %while3A_441 = %while3A_156#21, %while3A_442 = %while3A_156#22, %while3A_443 = %while3A_156#23) -> (vector<16xf32>, vector<16xf32>, vector<16xf32>, vector<16xf32>, vector<16xf32>, vector<16xf32>, vector<16xf32>, vector<16xf32>, vector<16xf32>, vector<16xf32>, vector<16xf32>, vector<16xf32>, vector<16xf32>, vector<16xf32>, vector<16xf32>, vector<16xf32>, vector<16xf32>, vector<16xf32>, vector<16xf32>, vector<16xf32>, vector<16xf32>, vector<16xf32>, vector<16xf32>, vector<16xf32>)  : i32 {
        %mul3A_444 = arith.constant 2 : i32
        %mul3A_445 = arith.muli %mul3A_444, %while3A_419 : i32
        %add3A_446 = arith.addi %sub3A_122, %mul3A_445 : i32
        %get3A_447 = arith.index_cast %add3A_446 : i32 to index
        %get3A_448 = arith.constant 0 : index
        %get3A_449 = tpu.vector_load %arg9[%get3A_447, %get3A_448] {strides = array<i32>} : memref<512x128xf32, #tpu.memory_space<vmem>>, vector<1x16xf32>,
        %get3A_450 = vector.shape_cast %get3A_449 : vector<1x16xf32> to vector<16xf32>
        %add3A_451 = arith.constant 1 : i32
        %add3A_452 = arith.addi %add3A_446, %add3A_451 : i32
        %get3A_453 = arith.index_cast %add3A_452 : i32 to index
        %get3A_454 = arith.constant 0 : index
        %get3A_455 = tpu.vector_load %arg9[%get3A_453, %get3A_454] {strides = array<i32>} : memref<512x128xf32, #tpu.memory_space<vmem>>, vector<1x16xf32>,
        %get3A_456 = vector.shape_cast %get3A_455 : vector<1x16xf32> to vector<16xf32>
        %add3A_457 = arith.addf %get3A_450, %get3A_456 : vector<16xf32>
        %add3A_458 = arith.addf %while3A_420, %add3A_457 : vector<16xf32>
        %mul3A_459 = arith.mulf %get3A_450, %get3A_450 : vector<16xf32>
        %mul3A_460 = arith.mulf %get3A_456, %get3A_456 : vector<16xf32>
        %add3A_461 = arith.addf %mul3A_459, %mul3A_460 : vector<16xf32>
        %add3A_462 = arith.addf %while3A_428, %add3A_461 : vector<16xf32>
        %max3A_463 = arith.maximumf %get3A_450, %get3A_456 : vector<16xf32>
        %max3A_464 = arith.maximumf %while3A_436, %max3A_463 : vector<16xf32>
        %get3A_465 = arith.index_cast %add3A_446 : i32 to index
        %get3A_466 = arith.constant 16 : index
        %get3A_467 = tpu.vector_load %arg9[%get3A_465, %get3A_466] {strides = array<i32>} : memref<512x128xf32, #tpu.memory_space<vmem>>, vector<1x16xf32>,
        %get3A_468 = vector.shape_cast %get3A_467 : vector<1x16xf32> to vector<16xf32>
        %add3A_469 = arith.constant 1 : i32
        %add3A_470 = arith.addi %add3A_446, %add3A_469 : i32
        %get3A_471 = arith.index_cast %add3A_470 : i32 to index
        %get3A_472 = arith.constant 16 : index
        %get3A_473 = tpu.vector_load %arg9[%get3A_471, %get3A_472] {strides = array<i32>} : memref<512x128xf32, #tpu.memory_space<vmem>>, vector<1x16xf32>,
        %get3A_474 = vector.shape_cast %get3A_473 : vector<1x16xf32> to vector<16xf32>
        %add3A_475 = arith.addf %get3A_468, %get3A_474 : vector<16xf32>
        %add3A_476 = arith.addf %while3A_421, %add3A_475 : vector<16xf32>
        %mul3A_477 = arith.mulf %get3A_468, %get3A_468 : vector<16xf32>
        %mul3A_478 = arith.mulf %get3A_474, %get3A_474 : vector<16xf32>
        %add3A_479 = arith.addf %mul3A_477, %mul3A_478 : vector<16xf32>
        %add3A_480 = arith.addf %while3A_429, %add3A_479 : vector<16xf32>
        %max3A_481 = arith.maximumf %get3A_468, %get3A_474 : vector<16xf32>
        %max3A_482 = arith.maximumf %while3A_437, %max3A_481 : vector<16xf32>
        %get3A_483 = arith.index_cast %add3A_446 : i32 to index
        %get3A_484 = arith.constant 32 : index
        %get3A_485 = tpu.vector_load %arg9[%get3A_483, %get3A_484] {strides = array<i32>} : memref<512x128xf32, #tpu.memory_space<vmem>>, vector<1x16xf32>,
        %get3A_486 = vector.shape_cast %get3A_485 : vector<1x16xf32> to vector<16xf32>
        %add3A_487 = arith.constant 1 : i32
        %add3A_488 = arith.addi %add3A_446, %add3A_487 : i32
        %get3A_489 = arith.index_cast %add3A_488 : i32 to index
        %get3A_490 = arith.constant 32 : index
        %get3A_491 = tpu.vector_load %arg9[%get3A_489, %get3A_490] {strides = array<i32>} : memref<512x128xf32, #tpu.memory_space<vmem>>, vector<1x16xf32>,
        %get3A_492 = vector.shape_cast %get3A_491 : vector<1x16xf32> to vector<16xf32>
        %add3A_493 = arith.addf %get3A_486, %get3A_492 : vector<16xf32>
        %add3A_494 = arith.addf %while3A_422, %add3A_493 : vector<16xf32>
        %mul3A_495 = arith.mulf %get3A_486, %get3A_486 : vector<16xf32>
        %mul3A_496 = arith.mulf %get3A_492, %get3A_492 : vector<16xf32>
        %add3A_497 = arith.addf %mul3A_495, %mul3A_496 : vector<16xf32>
        %add3A_498 = arith.addf %while3A_430, %add3A_497 : vector<16xf32>
        %max3A_499 = arith.maximumf %get3A_486, %get3A_492 : vector<16xf32>
        %max3A_500 = arith.maximumf %while3A_438, %max3A_499 : vector<16xf32>
        %get3A_501 = arith.index_cast %add3A_446 : i32 to index
        %get3A_502 = arith.constant 48 : index
        %get3A_503 = tpu.vector_load %arg9[%get3A_501, %get3A_502] {strides = array<i32>} : memref<512x128xf32, #tpu.memory_space<vmem>>, vector<1x16xf32>,
        %get3A_504 = vector.shape_cast %get3A_503 : vector<1x16xf32> to vector<16xf32>
        %add3A_505 = arith.constant 1 : i32
        %add3A_506 = arith.addi %add3A_446, %add3A_505 : i32
        %get3A_507 = arith.index_cast %add3A_506 : i32 to index
        %get3A_508 = arith.constant 48 : index
        %get3A_509 = tpu.vector_load %arg9[%get3A_507, %get3A_508] {strides = array<i32>} : memref<512x128xf32, #tpu.memory_space<vmem>>, vector<1x16xf32>,
        %get3A_510 = vector.shape_cast %get3A_509 : vector<1x16xf32> to vector<16xf32>
        %add3A_511 = arith.addf %get3A_504, %get3A_510 : vector<16xf32>
        %add3A_512 = arith.addf %while3A_423, %add3A_511 : vector<16xf32>
        %mul3A_513 = arith.mulf %get3A_504, %get3A_504 : vector<16xf32>
        %mul3A_514 = arith.mulf %get3A_510, %get3A_510 : vector<16xf32>
        %add3A_515 = arith.addf %mul3A_513, %mul3A_514 : vector<16xf32>
        %add3A_516 = arith.addf %while3A_431, %add3A_515 : vector<16xf32>
        %max3A_517 = arith.maximumf %get3A_504, %get3A_510 : vector<16xf32>
        %max3A_518 = arith.maximumf %while3A_439, %max3A_517 : vector<16xf32>
        %get3A_519 = arith.index_cast %add3A_446 : i32 to index
        %get3A_520 = arith.constant 64 : index
        %get3A_521 = tpu.vector_load %arg9[%get3A_519, %get3A_520] {strides = array<i32>} : memref<512x128xf32, #tpu.memory_space<vmem>>, vector<1x16xf32>,
        %get3A_522 = vector.shape_cast %get3A_521 : vector<1x16xf32> to vector<16xf32>
        %add3A_523 = arith.constant 1 : i32
        %add3A_524 = arith.addi %add3A_446, %add3A_523 : i32
        %get3A_525 = arith.index_cast %add3A_524 : i32 to index
        %get3A_526 = arith.constant 64 : index
        %get3A_527 = tpu.vector_load %arg9[%get3A_525, %get3A_526] {strides = array<i32>} : memref<512x128xf32, #tpu.memory_space<vmem>>, vector<1x16xf32>,
        %get3A_528 = vector.shape_cast %get3A_527 : vector<1x16xf32> to vector<16xf32>
        %add3A_529 = arith.addf %get3A_522, %get3A_528 : vector<16xf32>
        %add3A_530 = arith.addf %while3A_424, %add3A_529 : vector<16xf32>
        %mul3A_531 = arith.mulf %get3A_522, %get3A_522 : vector<16xf32>
        %mul3A_532 = arith.mulf %get3A_528, %get3A_528 : vector<16xf32>
        %add3A_533 = arith.addf %mul3A_531, %mul3A_532 : vector<16xf32>
        %add3A_534 = arith.addf %while3A_432, %add3A_533 : vector<16xf32>
        %max3A_535 = arith.maximumf %get3A_522, %get3A_528 : vector<16xf32>
        %max3A_536 = arith.maximumf %while3A_440, %max3A_535 : vector<16xf32>
        %get3A_537 = arith.index_cast %add3A_446 : i32 to index
        %get3A_538 = arith.constant 80 : index
        %get3A_539 = tpu.vector_load %arg9[%get3A_537, %get3A_538] {strides = array<i32>} : memref<512x128xf32, #tpu.memory_space<vmem>>, vector<1x16xf32>,
        %get3A_540 = vector.shape_cast %get3A_539 : vector<1x16xf32> to vector<16xf32>
        %add3A_541 = arith.constant 1 : i32
        %add3A_542 = arith.addi %add3A_446, %add3A_541 : i32
        %get3A_543 = arith.index_cast %add3A_542 : i32 to index
        %get3A_544 = arith.constant 80 : index
        %get3A_545 = tpu.vector_load %arg9[%get3A_543, %get3A_544] {strides = array<i32>} : memref<512x128xf32, #tpu.memory_space<vmem>>, vector<1x16xf32>,
        %get3A_546 = vector.shape_cast %get3A_545 : vector<1x16xf32> to vector<16xf32>
        %add3A_547 = arith.addf %get3A_540, %get3A_546 : vector<16xf32>
        %add3A_548 = arith.addf %while3A_425, %add3A_547 : vector<16xf32>
        %mul3A_549 = arith.mulf %get3A_540, %get3A_540 : vector<16xf32>
        %mul3A_550 = arith.mulf %get3A_546, %get3A_546 : vector<16xf32>
        %add3A_551 = arith.addf %mul3A_549, %mul3A_550 : vector<16xf32>
        %add3A_552 = arith.addf %while3A_433, %add3A_551 : vector<16xf32>
        %max3A_553 = arith.maximumf %get3A_540, %get3A_546 : vector<16xf32>
        %max3A_554 = arith.maximumf %while3A_441, %max3A_553 : vector<16xf32>
        %get3A_555 = arith.index_cast %add3A_446 : i32 to index
        %get3A_556 = arith.constant 96 : index
        %get3A_557 = tpu.vector_load %arg9[%get3A_555, %get3A_556] {strides = array<i32>} : memref<512x128xf32, #tpu.memory_space<vmem>>, vector<1x16xf32>,
        %get3A_558 = vector.shape_cast %get3A_557 : vector<1x16xf32> to vector<16xf32>
        %add3A_559 = arith.constant 1 : i32
        %add3A_560 = arith.addi %add3A_446, %add3A_559 : i32
        %get3A_561 = arith.index_cast %add3A_560 : i32 to index
        %get3A_562 = arith.constant 96 : index
        %get3A_563 = tpu.vector_load %arg9[%get3A_561, %get3A_562] {strides = array<i32>} : memref<512x128xf32, #tpu.memory_space<vmem>>, vector<1x16xf32>,
        %get3A_564 = vector.shape_cast %get3A_563 : vector<1x16xf32> to vector<16xf32>
        %add3A_565 = arith.addf %get3A_558, %get3A_564 : vector<16xf32>
        %add3A_566 = arith.addf %while3A_426, %add3A_565 : vector<16xf32>
        %mul3A_567 = arith.mulf %get3A_558, %get3A_558 : vector<16xf32>
        %mul3A_568 = arith.mulf %get3A_564, %get3A_564 : vector<16xf32>
        %add3A_569 = arith.addf %mul3A_567, %mul3A_568 : vector<16xf32>
        %add3A_570 = arith.addf %while3A_434, %add3A_569 : vector<16xf32>
        %max3A_571 = arith.maximumf %get3A_558, %get3A_564 : vector<16xf32>
        %max3A_572 = arith.maximumf %while3A_442, %max3A_571 : vector<16xf32>
        %get3A_573 = arith.index_cast %add3A_446 : i32 to index
        %get3A_574 = arith.constant 112 : index
        %get3A_575 = tpu.vector_load %arg9[%get3A_573, %get3A_574] {strides = array<i32>} : memref<512x128xf32, #tpu.memory_space<vmem>>, vector<1x16xf32>,
        %get3A_576 = vector.shape_cast %get3A_575 : vector<1x16xf32> to vector<16xf32>
        %add3A_577 = arith.constant 1 : i32
        %add3A_578 = arith.addi %add3A_446, %add3A_577 : i32
        %get3A_579 = arith.index_cast %add3A_578 : i32 to index
        %get3A_580 = arith.constant 112 : index
        %get3A_581 = tpu.vector_load %arg9[%get3A_579, %get3A_580] {strides = array<i32>} : memref<512x128xf32, #tpu.memory_space<vmem>>, vector<1x16xf32>,
        %get3A_582 = vector.shape_cast %get3A_581 : vector<1x16xf32> to vector<16xf32>
        %add3A_583 = arith.addf %get3A_576, %get3A_582 : vector<16xf32>
        %add3A_584 = arith.addf %while3A_427, %add3A_583 : vector<16xf32>
        %mul3A_585 = arith.mulf %get3A_576, %get3A_576 : vector<16xf32>
        %mul3A_586 = arith.mulf %get3A_582, %get3A_582 : vector<16xf32>
        %add3A_587 = arith.addf %mul3A_585, %mul3A_586 : vector<16xf32>
        %add3A_588 = arith.addf %while3A_435, %add3A_587 : vector<16xf32>
        %max3A_589 = arith.maximumf %get3A_576, %get3A_582 : vector<16xf32>
        %max3A_590 = arith.maximumf %while3A_443, %max3A_589 : vector<16xf32>
        scf.yield %add3A_458, %add3A_476, %add3A_494, %add3A_512, %add3A_530, %add3A_548, %add3A_566, %add3A_584, %add3A_462, %add3A_480, %add3A_498, %add3A_516, %add3A_534, %add3A_552, %add3A_570, %add3A_588, %max3A_464, %max3A_482, %max3A_500, %max3A_518, %max3A_536, %max3A_554, %max3A_572, %max3A_590 : vector<16xf32>, vector<16xf32>, vector<16xf32>, vector<16xf32>, vector<16xf32>, vector<16xf32>, vector<16xf32>, vector<16xf32>, vector<16xf32>, vector<16xf32>, vector<16xf32>, vector<16xf32>, vector<16xf32>, vector<16xf32>, vector<16xf32>, vector<16xf32>, vector<16xf32>, vector<16xf32>, vector<16xf32>, vector<16xf32>, vector<16xf32>, vector<16xf32>, vector<16xf32>, vector<16xf32>
      }
      %mul3A_159 = arith.constant 2 : i32
      %mul3A_160 = arith.muli %mul3A_159, %select_n3A_147 : i32
      %add3A_161 = arith.addi %while3A_91, %mul3A_160 : i32
      %while3A_162 = arith.subi %max3A, %add3A_161 : i32
      %while3A_163 = arith.addi %add3A_161, %while3A_162 : i32
      %while3A_164 = arith.constant 1 : i32
      %while3A_165 = arith.divsi %while3A_162, %while3A_164 : i32
      %while3A_166 = arith.muli %while3A_165, %while3A_164 : i32
      %while3A_167 = arith.addi %add3A_161, %while3A_166 : i32
      %while3A_168 = arith.constant 1 : i32
      %while3A_169:24 = scf.for %while3A_419 = %add3A_161 to %while3A_167 step %while3A_168 iter_args(%while3A_420 = %while3A_158#0, %while3A_421 = %while3A_158#1, %while3A_422 = %while3A_158#2, %while3A_423 = %while3A_158#3, %while3A_424 = %while3A_158#4, %while3A_425 = %while3A_158#5, %while3A_426 = %while3A_158#6, %while3A_427 = %while3A_158#7, %while3A_428 = %while3A_158#8, %while3A_429 = %while3A_158#9, %while3A_430 = %while3A_158#10, %while3A_431 = %while3A_158#11, %while3A_432 = %while3A_158#12, %while3A_433 = %while3A_158#13, %while3A_434 = %while3A_158#14, %while3A_435 = %while3A_158#15, %while3A_436 = %while3A_158#16, %while3A_437 = %while3A_158#17, %while3A_438 = %while3A_158#18, %while3A_439 = %while3A_158#19, %while3A_440 = %while3A_158#20, %while3A_441 = %while3A_158#21, %while3A_442 = %while3A_158#22, %while3A_443 = %while3A_158#23) -> (vector<16xf32>, vector<16xf32>, vector<16xf32>, vector<16xf32>, vector<16xf32>, vector<16xf32>, vector<16xf32>, vector<16xf32>, vector<16xf32>, vector<16xf32>, vector<16xf32>, vector<16xf32>, vector<16xf32>, vector<16xf32>, vector<16xf32>, vector<16xf32>, vector<16xf32>, vector<16xf32>, vector<16xf32>, vector<16xf32>, vector<16xf32>, vector<16xf32>, vector<16xf32>, vector<16xf32>)  : i32 {
        %sub3A_444 = arith.subi %while3A_419, %mul3A_109 : i32
        %get3A_445 = arith.index_cast %sub3A_444 : i32 to index
        %get3A_446 = arith.constant 0 : index
        %get3A_447 = tpu.vector_load %arg9[%get3A_445, %get3A_446] {strides = array<i32>} : memref<512x128xf32, #tpu.memory_space<vmem>>, vector<1x16xf32>,
        %get3A_448 = vector.shape_cast %get3A_447 : vector<1x16xf32> to vector<16xf32>
        %add3A_449 = arith.addf %while3A_420, %get3A_448 : vector<16xf32>
        %mul3A_450 = arith.mulf %get3A_448, %get3A_448 : vector<16xf32>
        %add3A_451 = arith.addf %while3A_428, %mul3A_450 : vector<16xf32>
        %max3A_452 = arith.maximumf %while3A_436, %get3A_448 : vector<16xf32>
        %get3A_453 = arith.index_cast %sub3A_444 : i32 to index
        %get3A_454 = arith.constant 16 : index
        %get3A_455 = tpu.vector_load %arg9[%get3A_453, %get3A_454] {strides = array<i32>} : memref<512x128xf32, #tpu.memory_space<vmem>>, vector<1x16xf32>,
        %get3A_456 = vector.shape_cast %get3A_455 : vector<1x16xf32> to vector<16xf32>
        %add3A_457 = arith.addf %while3A_421, %get3A_456 : vector<16xf32>
        %mul3A_458 = arith.mulf %get3A_456, %get3A_456 : vector<16xf32>
        %add3A_459 = arith.addf %while3A_429, %mul3A_458 : vector<16xf32>
        %max3A_460 = arith.maximumf %while3A_437, %get3A_456 : vector<16xf32>
        %get3A_461 = arith.index_cast %sub3A_444 : i32 to index
        %get3A_462 = arith.constant 32 : index
        %get3A_463 = tpu.vector_load %arg9[%get3A_461, %get3A_462] {strides = array<i32>} : memref<512x128xf32, #tpu.memory_space<vmem>>, vector<1x16xf32>,
        %get3A_464 = vector.shape_cast %get3A_463 : vector<1x16xf32> to vector<16xf32>
        %add3A_465 = arith.addf %while3A_422, %get3A_464 : vector<16xf32>
        %mul3A_466 = arith.mulf %get3A_464, %get3A_464 : vector<16xf32>
        %add3A_467 = arith.addf %while3A_430, %mul3A_466 : vector<16xf32>
        %max3A_468 = arith.maximumf %while3A_438, %get3A_464 : vector<16xf32>
        %get3A_469 = arith.index_cast %sub3A_444 : i32 to index
        %get3A_470 = arith.constant 48 : index
        %get3A_471 = tpu.vector_load %arg9[%get3A_469, %get3A_470] {strides = array<i32>} : memref<512x128xf32, #tpu.memory_space<vmem>>, vector<1x16xf32>,
        %get3A_472 = vector.shape_cast %get3A_471 : vector<1x16xf32> to vector<16xf32>
        %add3A_473 = arith.addf %while3A_423, %get3A_472 : vector<16xf32>
        %mul3A_474 = arith.mulf %get3A_472, %get3A_472 : vector<16xf32>
        %add3A_475 = arith.addf %while3A_431, %mul3A_474 : vector<16xf32>
        %max3A_476 = arith.maximumf %while3A_439, %get3A_472 : vector<16xf32>
        %get3A_477 = arith.index_cast %sub3A_444 : i32 to index
        %get3A_478 = arith.constant 64 : index
        %get3A_479 = tpu.vector_load %arg9[%get3A_477, %get3A_478] {strides = array<i32>} : memref<512x128xf32, #tpu.memory_space<vmem>>, vector<1x16xf32>,
        %get3A_480 = vector.shape_cast %get3A_479 : vector<1x16xf32> to vector<16xf32>
        %add3A_481 = arith.addf %while3A_424, %get3A_480 : vector<16xf32>
        %mul3A_482 = arith.mulf %get3A_480, %get3A_480 : vector<16xf32>
        %add3A_483 = arith.addf %while3A_432, %mul3A_482 : vector<16xf32>
        %max3A_484 = arith.maximumf %while3A_440, %get3A_480 : vector<16xf32>
        %get3A_485 = arith.index_cast %sub3A_444 : i32 to index
        %get3A_486 = arith.constant 80 : index
        %get3A_487 = tpu.vector_load %arg9[%get3A_485, %get3A_486] {strides = array<i32>} : memref<512x128xf32, #tpu.memory_space<vmem>>, vector<1x16xf32>,
        %get3A_488 = vector.shape_cast %get3A_487 : vector<1x16xf32> to vector<16xf32>
        %add3A_489 = arith.addf %while3A_425, %get3A_488 : vector<16xf32>
        %mul3A_490 = arith.mulf %get3A_488, %get3A_488 : vector<16xf32>
        %add3A_491 = arith.addf %while3A_433, %mul3A_490 : vector<16xf32>
        %max3A_492 = arith.maximumf %while3A_441, %get3A_488 : vector<16xf32>
        %get3A_493 = arith.index_cast %sub3A_444 : i32 to index
        %get3A_494 = arith.constant 96 : index
        %get3A_495 = tpu.vector_load %arg9[%get3A_493, %get3A_494] {strides = array<i32>} : memref<512x128xf32, #tpu.memory_space<vmem>>, vector<1x16xf32>,
        %get3A_496 = vector.shape_cast %get3A_495 : vector<1x16xf32> to vector<16xf32>
        %add3A_497 = arith.addf %while3A_426, %get3A_496 : vector<16xf32>
        %mul3A_498 = arith.mulf %get3A_496, %get3A_496 : vector<16xf32>
        %add3A_499 = arith.addf %while3A_434, %mul3A_498 : vector<16xf32>
        %max3A_500 = arith.maximumf %while3A_442, %get3A_496 : vector<16xf32>
        %get3A_501 = arith.index_cast %sub3A_444 : i32 to index
        %get3A_502 = arith.constant 112 : index
        %get3A_503 = tpu.vector_load %arg9[%get3A_501, %get3A_502] {strides = array<i32>} : memref<512x128xf32, #tpu.memory_space<vmem>>, vector<1x16xf32>,
        %get3A_504 = vector.shape_cast %get3A_503 : vector<1x16xf32> to vector<16xf32>
        %add3A_505 = arith.addf %while3A_427, %get3A_504 : vector<16xf32>
        %mul3A_506 = arith.mulf %get3A_504, %get3A_504 : vector<16xf32>
        %add3A_507 = arith.addf %while3A_435, %mul3A_506 : vector<16xf32>
        %max3A_508 = arith.maximumf %while3A_443, %get3A_504 : vector<16xf32>
        scf.yield %add3A_449, %add3A_457, %add3A_465, %add3A_473, %add3A_481, %add3A_489, %add3A_497, %add3A_505, %add3A_451, %add3A_459, %add3A_467, %add3A_475, %add3A_483, %add3A_491, %add3A_499, %add3A_507, %max3A_452, %max3A_460, %max3A_468, %max3A_476, %max3A_484, %max3A_492, %max3A_500, %max3A_508 : vector<16xf32>, vector<16xf32>, vector<16xf32>, vector<16xf32>, vector<16xf32>, vector<16xf32>, vector<16xf32>, vector<16xf32>, vector<16xf32>, vector<16xf32>, vector<16xf32>, vector<16xf32>, vector<16xf32>, vector<16xf32>, vector<16xf32>, vector<16xf32>, vector<16xf32>, vector<16xf32>, vector<16xf32>, vector<16xf32>, vector<16xf32>, vector<16xf32>, vector<16xf32>, vector<16xf32>
      }
      %while3A_170 = arith.constant 1 : i32
      %while3A_171:24 = scf.for %while3A_419 = %while3A_167 to %while3A_163 step %while3A_170 iter_args(%while3A_420 = %while3A_169#0, %while3A_421 = %while3A_169#1, %while3A_422 = %while3A_169#2, %while3A_423 = %while3A_169#3, %while3A_424 = %while3A_169#4, %while3A_425 = %while3A_169#5, %while3A_426 = %while3A_169#6, %while3A_427 = %while3A_169#7, %while3A_428 = %while3A_169#8, %while3A_429 = %while3A_169#9, %while3A_430 = %while3A_169#10, %while3A_431 = %while3A_169#11, %while3A_432 = %while3A_169#12, %while3A_433 = %while3A_169#13, %while3A_434 = %while3A_169#14, %while3A_435 = %while3A_169#15, %while3A_436 = %while3A_169#16, %while3A_437 = %while3A_169#17, %while3A_438 = %while3A_169#18, %while3A_439 = %while3A_169#19, %while3A_440 = %while3A_169#20, %while3A_441 = %while3A_169#21, %while3A_442 = %while3A_169#22, %while3A_443 = %while3A_169#23) -> (vector<16xf32>, vector<16xf32>, vector<16xf32>, vector<16xf32>, vector<16xf32>, vector<16xf32>, vector<16xf32>, vector<16xf32>, vector<16xf32>, vector<16xf32>, vector<16xf32>, vector<16xf32>, vector<16xf32>, vector<16xf32>, vector<16xf32>, vector<16xf32>, vector<16xf32>, vector<16xf32>, vector<16xf32>, vector<16xf32>, vector<16xf32>, vector<16xf32>, vector<16xf32>, vector<16xf32>)  : i32 {
        %sub3A_444 = arith.subi %while3A_419, %mul3A_109 : i32
        %get3A_445 = arith.index_cast %sub3A_444 : i32 to index
        %get3A_446 = arith.constant 0 : index
        %get3A_447 = tpu.vector_load %arg9[%get3A_445, %get3A_446] {strides = array<i32>} : memref<512x128xf32, #tpu.memory_space<vmem>>, vector<1x16xf32>,
        %get3A_448 = vector.shape_cast %get3A_447 : vector<1x16xf32> to vector<16xf32>
        %add3A_449 = arith.addf %while3A_420, %get3A_448 : vector<16xf32>
        %mul3A_450 = arith.mulf %get3A_448, %get3A_448 : vector<16xf32>
        %add3A_451 = arith.addf %while3A_428, %mul3A_450 : vector<16xf32>
        %max3A_452 = arith.maximumf %while3A_436, %get3A_448 : vector<16xf32>
        %get3A_453 = arith.index_cast %sub3A_444 : i32 to index
        %get3A_454 = arith.constant 16 : index
        %get3A_455 = tpu.vector_load %arg9[%get3A_453, %get3A_454] {strides = array<i32>} : memref<512x128xf32, #tpu.memory_space<vmem>>, vector<1x16xf32>,
        %get3A_456 = vector.shape_cast %get3A_455 : vector<1x16xf32> to vector<16xf32>
        %add3A_457 = arith.addf %while3A_421, %get3A_456 : vector<16xf32>
        %mul3A_458 = arith.mulf %get3A_456, %get3A_456 : vector<16xf32>
        %add3A_459 = arith.addf %while3A_429, %mul3A_458 : vector<16xf32>
        %max3A_460 = arith.maximumf %while3A_437, %get3A_456 : vector<16xf32>
        %get3A_461 = arith.index_cast %sub3A_444 : i32 to index
        %get3A_462 = arith.constant 32 : index
        %get3A_463 = tpu.vector_load %arg9[%get3A_461, %get3A_462] {strides = array<i32>} : memref<512x128xf32, #tpu.memory_space<vmem>>, vector<1x16xf32>,
        %get3A_464 = vector.shape_cast %get3A_463 : vector<1x16xf32> to vector<16xf32>
        %add3A_465 = arith.addf %while3A_422, %get3A_464 : vector<16xf32>
        %mul3A_466 = arith.mulf %get3A_464, %get3A_464 : vector<16xf32>
        %add3A_467 = arith.addf %while3A_430, %mul3A_466 : vector<16xf32>
        %max3A_468 = arith.maximumf %while3A_438, %get3A_464 : vector<16xf32>
        %get3A_469 = arith.index_cast %sub3A_444 : i32 to index
        %get3A_470 = arith.constant 48 : index
        %get3A_471 = tpu.vector_load %arg9[%get3A_469, %get3A_470] {strides = array<i32>} : memref<512x128xf32, #tpu.memory_space<vmem>>, vector<1x16xf32>,
        %get3A_472 = vector.shape_cast %get3A_471 : vector<1x16xf32> to vector<16xf32>
        %add3A_473 = arith.addf %while3A_423, %get3A_472 : vector<16xf32>
        %mul3A_474 = arith.mulf %get3A_472, %get3A_472 : vector<16xf32>
        %add3A_475 = arith.addf %while3A_431, %mul3A_474 : vector<16xf32>
        %max3A_476 = arith.maximumf %while3A_439, %get3A_472 : vector<16xf32>
        %get3A_477 = arith.index_cast %sub3A_444 : i32 to index
        %get3A_478 = arith.constant 64 : index
        %get3A_479 = tpu.vector_load %arg9[%get3A_477, %get3A_478] {strides = array<i32>} : memref<512x128xf32, #tpu.memory_space<vmem>>, vector<1x16xf32>,
        %get3A_480 = vector.shape_cast %get3A_479 : vector<1x16xf32> to vector<16xf32>
        %add3A_481 = arith.addf %while3A_424, %get3A_480 : vector<16xf32>
        %mul3A_482 = arith.mulf %get3A_480, %get3A_480 : vector<16xf32>
        %add3A_483 = arith.addf %while3A_432, %mul3A_482 : vector<16xf32>
        %max3A_484 = arith.maximumf %while3A_440, %get3A_480 : vector<16xf32>
        %get3A_485 = arith.index_cast %sub3A_444 : i32 to index
        %get3A_486 = arith.constant 80 : index
        %get3A_487 = tpu.vector_load %arg9[%get3A_485, %get3A_486] {strides = array<i32>} : memref<512x128xf32, #tpu.memory_space<vmem>>, vector<1x16xf32>,
        %get3A_488 = vector.shape_cast %get3A_487 : vector<1x16xf32> to vector<16xf32>
        %add3A_489 = arith.addf %while3A_425, %get3A_488 : vector<16xf32>
        %mul3A_490 = arith.mulf %get3A_488, %get3A_488 : vector<16xf32>
        %add3A_491 = arith.addf %while3A_433, %mul3A_490 : vector<16xf32>
        %max3A_492 = arith.maximumf %while3A_441, %get3A_488 : vector<16xf32>
        %get3A_493 = arith.index_cast %sub3A_444 : i32 to index
        %get3A_494 = arith.constant 96 : index
        %get3A_495 = tpu.vector_load %arg9[%get3A_493, %get3A_494] {strides = array<i32>} : memref<512x128xf32, #tpu.memory_space<vmem>>, vector<1x16xf32>,
        %get3A_496 = vector.shape_cast %get3A_495 : vector<1x16xf32> to vector<16xf32>
        %add3A_497 = arith.addf %while3A_426, %get3A_496 : vector<16xf32>
        %mul3A_498 = arith.mulf %get3A_496, %get3A_496 : vector<16xf32>
        %add3A_499 = arith.addf %while3A_434, %mul3A_498 : vector<16xf32>
        %max3A_500 = arith.maximumf %while3A_442, %get3A_496 : vector<16xf32>
        %get3A_501 = arith.index_cast %sub3A_444 : i32 to index
        %get3A_502 = arith.constant 112 : index
        %get3A_503 = tpu.vector_load %arg9[%get3A_501, %get3A_502] {strides = array<i32>} : memref<512x128xf32, #tpu.memory_space<vmem>>, vector<1x16xf32>,
        %get3A_504 = vector.shape_cast %get3A_503 : vector<1x16xf32> to vector<16xf32>
        %add3A_505 = arith.addf %while3A_427, %get3A_504 : vector<16xf32>
        %mul3A_506 = arith.mulf %get3A_504, %get3A_504 : vector<16xf32>
        %add3A_507 = arith.addf %while3A_435, %mul3A_506 : vector<16xf32>
        %max3A_508 = arith.maximumf %while3A_443, %get3A_504 : vector<16xf32>
        scf.yield %add3A_449, %add3A_457, %add3A_465, %add3A_473, %add3A_481, %add3A_489, %add3A_497, %add3A_505, %add3A_451, %add3A_459, %add3A_467, %add3A_475, %add3A_483, %add3A_491, %add3A_499, %add3A_507, %max3A_452, %max3A_460, %max3A_468, %max3A_476, %max3A_484, %max3A_492, %max3A_500, %max3A_508 : vector<16xf32>, vector<16xf32>, vector<16xf32>, vector<16xf32>, vector<16xf32>, vector<16xf32>, vector<16xf32>, vector<16xf32>, vector<16xf32>, vector<16xf32>, vector<16xf32>, vector<16xf32>, vector<16xf32>, vector<16xf32>, vector<16xf32>, vector<16xf32>, vector<16xf32>, vector<16xf32>, vector<16xf32>, vector<16xf32>, vector<16xf32>, vector<16xf32>, vector<16xf32>, vector<16xf32>
      }
      %min3A_172 = arith.constant 31 : i32
      %min3A_173 = arith.minsi %while3A_90, %min3A_172 : i32
      %get3A_174 = arith.index_cast %min3A_173 : i32 to index
      %get3A_175 = arith.constant 0 : index
      %get3A_176 = tpu.vector_load %arg10[%get3A_174, %get3A_175] {strides = array<i32>} : memref<32x128xf32, #tpu.memory_space<vmem>>, vector<1x16xf32>,
      %get3A_177 = vector.shape_cast %get3A_176 : vector<1x16xf32> to vector<16xf32>
      %add3A_178 = arith.addf %get3A_177, %while3A_171#0 : vector<16xf32>
      %swap3A = arith.index_cast %min3A_173 : i32 to index
      %swap3A_179 = arith.constant 0 : index
      %swap3A_180 = tpu.vector_load %arg10[%swap3A, %swap3A_179] {strides = array<i32>} : memref<32x128xf32, #tpu.memory_space<vmem>>, vector<1x16xf32>,
      %swap3A_181 = vector.shape_cast %swap3A_180 : vector<1x16xf32> to vector<16xf32>
      %swap3A_182 = vector.shape_cast %add3A_178 : vector<16xf32> to vector<1x16xf32>
      tpu.vector_store %arg10[%swap3A, %swap3A_179], %swap3A_182 {strides = array<i32>} : memref<32x128xf32, #tpu.memory_space<vmem>>, vector<1x16xf32>,
      %get3A_183 = arith.index_cast %min3A_173 : i32 to index
      %get3A_184 = arith.constant 0 : index
      %get3A_185 = tpu.vector_load %arg11[%get3A_183, %get3A_184] {strides = array<i32>} : memref<32x128xf32, #tpu.memory_space<vmem>>, vector<1x16xf32>,
      %get3A_186 = vector.shape_cast %get3A_185 : vector<1x16xf32> to vector<16xf32>
      %add3A_187 = arith.addf %get3A_186, %while3A_171#8 : vector<16xf32>
      %swap3A_188 = arith.index_cast %min3A_173 : i32 to index
      %swap3A_189 = arith.constant 0 : index
      %swap3A_190 = tpu.vector_load %arg11[%swap3A_188, %swap3A_189] {strides = array<i32>} : memref<32x128xf32, #tpu.memory_space<vmem>>, vector<1x16xf32>,
      %swap3A_191 = vector.shape_cast %swap3A_190 : vector<1x16xf32> to vector<16xf32>
      %swap3A_192 = vector.shape_cast %add3A_187 : vector<16xf32> to vector<1x16xf32>
      tpu.vector_store %arg11[%swap3A_188, %swap3A_189], %swap3A_192 {strides = array<i32>} : memref<32x128xf32, #tpu.memory_space<vmem>>, vector<1x16xf32>,
      %get3A_193 = arith.index_cast %min3A_173 : i32 to index
      %get3A_194 = arith.constant 0 : index
      %get3A_195 = tpu.vector_load %arg12[%get3A_193, %get3A_194] {strides = array<i32>} : memref<32x128xf32, #tpu.memory_space<vmem>>, vector<1x16xf32>,
      %get3A_196 = vector.shape_cast %get3A_195 : vector<1x16xf32> to vector<16xf32>
      %max3A_197 = arith.maximumf %get3A_196, %while3A_171#16 : vector<16xf32>
      %swap3A_198 = arith.index_cast %min3A_173 : i32 to index
      %swap3A_199 = arith.constant 0 : index
      %swap3A_200 = tpu.vector_load %arg12[%swap3A_198, %swap3A_199] {strides = array<i32>} : memref<32x128xf32, #tpu.memory_space<vmem>>, vector<1x16xf32>,
      %swap3A_201 = vector.shape_cast %swap3A_200 : vector<1x16xf32> to vector<16xf32>
      %swap3A_202 = vector.shape_cast %max3A_197 : vector<16xf32> to vector<1x16xf32>
      tpu.vector_store %arg12[%swap3A_198, %swap3A_199], %swap3A_202 {strides = array<i32>} : memref<32x128xf32, #tpu.memory_space<vmem>>, vector<1x16xf32>,
      %get3A_203 = arith.index_cast %min3A_173 : i32 to index
      %get3A_204 = arith.constant 16 : index
      %get3A_205 = tpu.vector_load %arg10[%get3A_203, %get3A_204] {strides = array<i32>} : memref<32x128xf32, #tpu.memory_space<vmem>>, vector<1x16xf32>,
      %get3A_206 = vector.shape_cast %get3A_205 : vector<1x16xf32> to vector<16xf32>
      %add3A_207 = arith.addf %get3A_206, %while3A_171#1 : vector<16xf32>
      %swap3A_208 = arith.index_cast %min3A_173 : i32 to index
      %swap3A_209 = arith.constant 16 : index
      %swap3A_210 = tpu.vector_load %arg10[%swap3A_208, %swap3A_209] {strides = array<i32>} : memref<32x128xf32, #tpu.memory_space<vmem>>, vector<1x16xf32>,
      %swap3A_211 = vector.shape_cast %swap3A_210 : vector<1x16xf32> to vector<16xf32>
      %swap3A_212 = vector.shape_cast %add3A_207 : vector<16xf32> to vector<1x16xf32>
      tpu.vector_store %arg10[%swap3A_208, %swap3A_209], %swap3A_212 {strides = array<i32>} : memref<32x128xf32, #tpu.memory_space<vmem>>, vector<1x16xf32>,
      %get3A_213 = arith.index_cast %min3A_173 : i32 to index
      %get3A_214 = arith.constant 16 : index
      %get3A_215 = tpu.vector_load %arg11[%get3A_213, %get3A_214] {strides = array<i32>} : memref<32x128xf32, #tpu.memory_space<vmem>>, vector<1x16xf32>,
      %get3A_216 = vector.shape_cast %get3A_215 : vector<1x16xf32> to vector<16xf32>
      %add3A_217 = arith.addf %get3A_216, %while3A_171#9 : vector<16xf32>
      %swap3A_218 = arith.index_cast %min3A_173 : i32 to index
      %swap3A_219 = arith.constant 16 : index
      %swap3A_220 = tpu.vector_load %arg11[%swap3A_218, %swap3A_219] {strides = array<i32>} : memref<32x128xf32, #tpu.memory_space<vmem>>, vector<1x16xf32>,
      %swap3A_221 = vector.shape_cast %swap3A_220 : vector<1x16xf32> to vector<16xf32>
      %swap3A_222 = vector.shape_cast %add3A_217 : vector<16xf32> to vector<1x16xf32>
      tpu.vector_store %arg11[%swap3A_218, %swap3A_219], %swap3A_222 {strides = array<i32>} : memref<32x128xf32, #tpu.memory_space<vmem>>, vector<1x16xf32>,
      %get3A_223 = arith.index_cast %min3A_173 : i32 to index
      %get3A_224 = arith.constant 16 : index
      %get3A_225 = tpu.vector_load %arg12[%get3A_223, %get3A_224] {strides = array<i32>} : memref<32x128xf32, #tpu.memory_space<vmem>>, vector<1x16xf32>,
      %get3A_226 = vector.shape_cast %get3A_225 : vector<1x16xf32> to vector<16xf32>
      %max3A_227 = arith.maximumf %get3A_226, %while3A_171#17 : vector<16xf32>
      %swap3A_228 = arith.index_cast %min3A_173 : i32 to index
      %swap3A_229 = arith.constant 16 : index
      %swap3A_230 = tpu.vector_load %arg12[%swap3A_228, %swap3A_229] {strides = array<i32>} : memref<32x128xf32, #tpu.memory_space<vmem>>, vector<1x16xf32>,
      %swap3A_231 = vector.shape_cast %swap3A_230 : vector<1x16xf32> to vector<16xf32>
      %swap3A_232 = vector.shape_cast %max3A_227 : vector<16xf32> to vector<1x16xf32>
      tpu.vector_store %arg12[%swap3A_228, %swap3A_229], %swap3A_232 {strides = array<i32>} : memref<32x128xf32, #tpu.memory_space<vmem>>, vector<1x16xf32>,
      %get3A_233 = arith.index_cast %min3A_173 : i32 to index
      %get3A_234 = arith.constant 32 : index
      %get3A_235 = tpu.vector_load %arg10[%get3A_233, %get3A_234] {strides = array<i32>} : memref<32x128xf32, #tpu.memory_space<vmem>>, vector<1x16xf32>,
      %get3A_236 = vector.shape_cast %get3A_235 : vector<1x16xf32> to vector<16xf32>
      %add3A_237 = arith.addf %get3A_236, %while3A_171#2 : vector<16xf32>
      %swap3A_238 = arith.index_cast %min3A_173 : i32 to index
      %swap3A_239 = arith.constant 32 : index
      %swap3A_240 = tpu.vector_load %arg10[%swap3A_238, %swap3A_239] {strides = array<i32>} : memref<32x128xf32, #tpu.memory_space<vmem>>, vector<1x16xf32>,
      %swap3A_241 = vector.shape_cast %swap3A_240 : vector<1x16xf32> to vector<16xf32>
      %swap3A_242 = vector.shape_cast %add3A_237 : vector<16xf32> to vector<1x16xf32>
      tpu.vector_store %arg10[%swap3A_238, %swap3A_239], %swap3A_242 {strides = array<i32>} : memref<32x128xf32, #tpu.memory_space<vmem>>, vector<1x16xf32>,
      %get3A_243 = arith.index_cast %min3A_173 : i32 to index
      %get3A_244 = arith.constant 32 : index
      %get3A_245 = tpu.vector_load %arg11[%get3A_243, %get3A_244] {strides = array<i32>} : memref<32x128xf32, #tpu.memory_space<vmem>>, vector<1x16xf32>,
      %get3A_246 = vector.shape_cast %get3A_245 : vector<1x16xf32> to vector<16xf32>
      %add3A_247 = arith.addf %get3A_246, %while3A_171#10 : vector<16xf32>
      %swap3A_248 = arith.index_cast %min3A_173 : i32 to index
      %swap3A_249 = arith.constant 32 : index
      %swap3A_250 = tpu.vector_load %arg11[%swap3A_248, %swap3A_249] {strides = array<i32>} : memref<32x128xf32, #tpu.memory_space<vmem>>, vector<1x16xf32>,
      %swap3A_251 = vector.shape_cast %swap3A_250 : vector<1x16xf32> to vector<16xf32>
      %swap3A_252 = vector.shape_cast %add3A_247 : vector<16xf32> to vector<1x16xf32>
      tpu.vector_store %arg11[%swap3A_248, %swap3A_249], %swap3A_252 {strides = array<i32>} : memref<32x128xf32, #tpu.memory_space<vmem>>, vector<1x16xf32>,
      %get3A_253 = arith.index_cast %min3A_173 : i32 to index
      %get3A_254 = arith.constant 32 : index
      %get3A_255 = tpu.vector_load %arg12[%get3A_253, %get3A_254] {strides = array<i32>} : memref<32x128xf32, #tpu.memory_space<vmem>>, vector<1x16xf32>,
      %get3A_256 = vector.shape_cast %get3A_255 : vector<1x16xf32> to vector<16xf32>
      %max3A_257 = arith.maximumf %get3A_256, %while3A_171#18 : vector<16xf32>
      %swap3A_258 = arith.index_cast %min3A_173 : i32 to index
      %swap3A_259 = arith.constant 32 : index
      %swap3A_260 = tpu.vector_load %arg12[%swap3A_258, %swap3A_259] {strides = array<i32>} : memref<32x128xf32, #tpu.memory_space<vmem>>, vector<1x16xf32>,
      %swap3A_261 = vector.shape_cast %swap3A_260 : vector<1x16xf32> to vector<16xf32>
      %swap3A_262 = vector.shape_cast %max3A_257 : vector<16xf32> to vector<1x16xf32>
      tpu.vector_store %arg12[%swap3A_258, %swap3A_259], %swap3A_262 {strides = array<i32>} : memref<32x128xf32, #tpu.memory_space<vmem>>, vector<1x16xf32>,
      %get3A_263 = arith.index_cast %min3A_173 : i32 to index
      %get3A_264 = arith.constant 48 : index
      %get3A_265 = tpu.vector_load %arg10[%get3A_263, %get3A_264] {strides = array<i32>} : memref<32x128xf32, #tpu.memory_space<vmem>>, vector<1x16xf32>,
      %get3A_266 = vector.shape_cast %get3A_265 : vector<1x16xf32> to vector<16xf32>
      %add3A_267 = arith.addf %get3A_266, %while3A_171#3 : vector<16xf32>
      %swap3A_268 = arith.index_cast %min3A_173 : i32 to index
      %swap3A_269 = arith.constant 48 : index
      %swap3A_270 = tpu.vector_load %arg10[%swap3A_268, %swap3A_269] {strides = array<i32>} : memref<32x128xf32, #tpu.memory_space<vmem>>, vector<1x16xf32>,
      %swap3A_271 = vector.shape_cast %swap3A_270 : vector<1x16xf32> to vector<16xf32>
      %swap3A_272 = vector.shape_cast %add3A_267 : vector<16xf32> to vector<1x16xf32>
      tpu.vector_store %arg10[%swap3A_268, %swap3A_269], %swap3A_272 {strides = array<i32>} : memref<32x128xf32, #tpu.memory_space<vmem>>, vector<1x16xf32>,
      %get3A_273 = arith.index_cast %min3A_173 : i32 to index
      %get3A_274 = arith.constant 48 : index
      %get3A_275 = tpu.vector_load %arg11[%get3A_273, %get3A_274] {strides = array<i32>} : memref<32x128xf32, #tpu.memory_space<vmem>>, vector<1x16xf32>,
      %get3A_276 = vector.shape_cast %get3A_275 : vector<1x16xf32> to vector<16xf32>
      %add3A_277 = arith.addf %get3A_276, %while3A_171#11 : vector<16xf32>
      %swap3A_278 = arith.index_cast %min3A_173 : i32 to index
      %swap3A_279 = arith.constant 48 : index
      %swap3A_280 = tpu.vector_load %arg11[%swap3A_278, %swap3A_279] {strides = array<i32>} : memref<32x128xf32, #tpu.memory_space<vmem>>, vector<1x16xf32>,
      %swap3A_281 = vector.shape_cast %swap3A_280 : vector<1x16xf32> to vector<16xf32>
      %swap3A_282 = vector.shape_cast %add3A_277 : vector<16xf32> to vector<1x16xf32>
      tpu.vector_store %arg11[%swap3A_278, %swap3A_279], %swap3A_282 {strides = array<i32>} : memref<32x128xf32, #tpu.memory_space<vmem>>, vector<1x16xf32>,
      %get3A_283 = arith.index_cast %min3A_173 : i32 to index
      %get3A_284 = arith.constant 48 : index
      %get3A_285 = tpu.vector_load %arg12[%get3A_283, %get3A_284] {strides = array<i32>} : memref<32x128xf32, #tpu.memory_space<vmem>>, vector<1x16xf32>,
      %get3A_286 = vector.shape_cast %get3A_285 : vector<1x16xf32> to vector<16xf32>
      %max3A_287 = arith.maximumf %get3A_286, %while3A_171#19 : vector<16xf32>
      %swap3A_288 = arith.index_cast %min3A_173 : i32 to index
      %swap3A_289 = arith.constant 48 : index
      %swap3A_290 = tpu.vector_load %arg12[%swap3A_288, %swap3A_289] {strides = array<i32>} : memref<32x128xf32, #tpu.memory_space<vmem>>, vector<1x16xf32>,
      %swap3A_291 = vector.shape_cast %swap3A_290 : vector<1x16xf32> to vector<16xf32>
      %swap3A_292 = vector.shape_cast %max3A_287 : vector<16xf32> to vector<1x16xf32>
      tpu.vector_store %arg12[%swap3A_288, %swap3A_289], %swap3A_292 {strides = array<i32>} : memref<32x128xf32, #tpu.memory_space<vmem>>, vector<1x16xf32>,
      %get3A_293 = arith.index_cast %min3A_173 : i32 to index
      %get3A_294 = arith.constant 64 : index
      %get3A_295 = tpu.vector_load %arg10[%get3A_293, %get3A_294] {strides = array<i32>} : memref<32x128xf32, #tpu.memory_space<vmem>>, vector<1x16xf32>,
      %get3A_296 = vector.shape_cast %get3A_295 : vector<1x16xf32> to vector<16xf32>
      %add3A_297 = arith.addf %get3A_296, %while3A_171#4 : vector<16xf32>
      %swap3A_298 = arith.index_cast %min3A_173 : i32 to index
      %swap3A_299 = arith.constant 64 : index
      %swap3A_300 = tpu.vector_load %arg10[%swap3A_298, %swap3A_299] {strides = array<i32>} : memref<32x128xf32, #tpu.memory_space<vmem>>, vector<1x16xf32>,
      %swap3A_301 = vector.shape_cast %swap3A_300 : vector<1x16xf32> to vector<16xf32>
      %swap3A_302 = vector.shape_cast %add3A_297 : vector<16xf32> to vector<1x16xf32>
      tpu.vector_store %arg10[%swap3A_298, %swap3A_299], %swap3A_302 {strides = array<i32>} : memref<32x128xf32, #tpu.memory_space<vmem>>, vector<1x16xf32>,
      %get3A_303 = arith.index_cast %min3A_173 : i32 to index
      %get3A_304 = arith.constant 64 : index
      %get3A_305 = tpu.vector_load %arg11[%get3A_303, %get3A_304] {strides = array<i32>} : memref<32x128xf32, #tpu.memory_space<vmem>>, vector<1x16xf32>,
      %get3A_306 = vector.shape_cast %get3A_305 : vector<1x16xf32> to vector<16xf32>
      %add3A_307 = arith.addf %get3A_306, %while3A_171#12 : vector<16xf32>
      %swap3A_308 = arith.index_cast %min3A_173 : i32 to index
      %swap3A_309 = arith.constant 64 : index
      %swap3A_310 = tpu.vector_load %arg11[%swap3A_308, %swap3A_309] {strides = array<i32>} : memref<32x128xf32, #tpu.memory_space<vmem>>, vector<1x16xf32>,
      %swap3A_311 = vector.shape_cast %swap3A_310 : vector<1x16xf32> to vector<16xf32>
      %swap3A_312 = vector.shape_cast %add3A_307 : vector<16xf32> to vector<1x16xf32>
      tpu.vector_store %arg11[%swap3A_308, %swap3A_309], %swap3A_312 {strides = array<i32>} : memref<32x128xf32, #tpu.memory_space<vmem>>, vector<1x16xf32>,
      %get3A_313 = arith.index_cast %min3A_173 : i32 to index
      %get3A_314 = arith.constant 64 : index
      %get3A_315 = tpu.vector_load %arg12[%get3A_313, %get3A_314] {strides = array<i32>} : memref<32x128xf32, #tpu.memory_space<vmem>>, vector<1x16xf32>,
      %get3A_316 = vector.shape_cast %get3A_315 : vector<1x16xf32> to vector<16xf32>
      %max3A_317 = arith.maximumf %get3A_316, %while3A_171#20 : vector<16xf32>
      %swap3A_318 = arith.index_cast %min3A_173 : i32 to index
      %swap3A_319 = arith.constant 64 : index
      %swap3A_320 = tpu.vector_load %arg12[%swap3A_318, %swap3A_319] {strides = array<i32>} : memref<32x128xf32, #tpu.memory_space<vmem>>, vector<1x16xf32>,
      %swap3A_321 = vector.shape_cast %swap3A_320 : vector<1x16xf32> to vector<16xf32>
      %swap3A_322 = vector.shape_cast %max3A_317 : vector<16xf32> to vector<1x16xf32>
      tpu.vector_store %arg12[%swap3A_318, %swap3A_319], %swap3A_322 {strides = array<i32>} : memref<32x128xf32, #tpu.memory_space<vmem>>, vector<1x16xf32>,
      %get3A_323 = arith.index_cast %min3A_173 : i32 to index
      %get3A_324 = arith.constant 80 : index
      %get3A_325 = tpu.vector_load %arg10[%get3A_323, %get3A_324] {strides = array<i32>} : memref<32x128xf32, #tpu.memory_space<vmem>>, vector<1x16xf32>,
      %get3A_326 = vector.shape_cast %get3A_325 : vector<1x16xf32> to vector<16xf32>
      %add3A_327 = arith.addf %get3A_326, %while3A_171#5 : vector<16xf32>
      %swap3A_328 = arith.index_cast %min3A_173 : i32 to index
      %swap3A_329 = arith.constant 80 : index
      %swap3A_330 = tpu.vector_load %arg10[%swap3A_328, %swap3A_329] {strides = array<i32>} : memref<32x128xf32, #tpu.memory_space<vmem>>, vector<1x16xf32>,
      %swap3A_331 = vector.shape_cast %swap3A_330 : vector<1x16xf32> to vector<16xf32>
      %swap3A_332 = vector.shape_cast %add3A_327 : vector<16xf32> to vector<1x16xf32>
      tpu.vector_store %arg10[%swap3A_328, %swap3A_329], %swap3A_332 {strides = array<i32>} : memref<32x128xf32, #tpu.memory_space<vmem>>, vector<1x16xf32>,
      %get3A_333 = arith.index_cast %min3A_173 : i32 to index
      %get3A_334 = arith.constant 80 : index
      %get3A_335 = tpu.vector_load %arg11[%get3A_333, %get3A_334] {strides = array<i32>} : memref<32x128xf32, #tpu.memory_space<vmem>>, vector<1x16xf32>,
      %get3A_336 = vector.shape_cast %get3A_335 : vector<1x16xf32> to vector<16xf32>
      %add3A_337 = arith.addf %get3A_336, %while3A_171#13 : vector<16xf32>
      %swap3A_338 = arith.index_cast %min3A_173 : i32 to index
      %swap3A_339 = arith.constant 80 : index
      %swap3A_340 = tpu.vector_load %arg11[%swap3A_338, %swap3A_339] {strides = array<i32>} : memref<32x128xf32, #tpu.memory_space<vmem>>, vector<1x16xf32>,
      %swap3A_341 = vector.shape_cast %swap3A_340 : vector<1x16xf32> to vector<16xf32>
      %swap3A_342 = vector.shape_cast %add3A_337 : vector<16xf32> to vector<1x16xf32>
      tpu.vector_store %arg11[%swap3A_338, %swap3A_339], %swap3A_342 {strides = array<i32>} : memref<32x128xf32, #tpu.memory_space<vmem>>, vector<1x16xf32>,
      %get3A_343 = arith.index_cast %min3A_173 : i32 to index
      %get3A_344 = arith.constant 80 : index
      %get3A_345 = tpu.vector_load %arg12[%get3A_343, %get3A_344] {strides = array<i32>} : memref<32x128xf32, #tpu.memory_space<vmem>>, vector<1x16xf32>,
      %get3A_346 = vector.shape_cast %get3A_345 : vector<1x16xf32> to vector<16xf32>
      %max3A_347 = arith.maximumf %get3A_346, %while3A_171#21 : vector<16xf32>
      %swap3A_348 = arith.index_cast %min3A_173 : i32 to index
      %swap3A_349 = arith.constant 80 : index
      %swap3A_350 = tpu.vector_load %arg12[%swap3A_348, %swap3A_349] {strides = array<i32>} : memref<32x128xf32, #tpu.memory_space<vmem>>, vector<1x16xf32>,
      %swap3A_351 = vector.shape_cast %swap3A_350 : vector<1x16xf32> to vector<16xf32>
      %swap3A_352 = vector.shape_cast %max3A_347 : vector<16xf32> to vector<1x16xf32>
      tpu.vector_store %arg12[%swap3A_348, %swap3A_349], %swap3A_352 {strides = array<i32>} : memref<32x128xf32, #tpu.memory_space<vmem>>, vector<1x16xf32>,
      %get3A_353 = arith.index_cast %min3A_173 : i32 to index
      %get3A_354 = arith.constant 96 : index
      %get3A_355 = tpu.vector_load %arg10[%get3A_353, %get3A_354] {strides = array<i32>} : memref<32x128xf32, #tpu.memory_space<vmem>>, vector<1x16xf32>,
      %get3A_356 = vector.shape_cast %get3A_355 : vector<1x16xf32> to vector<16xf32>
      %add3A_357 = arith.addf %get3A_356, %while3A_171#6 : vector<16xf32>
      %swap3A_358 = arith.index_cast %min3A_173 : i32 to index
      %swap3A_359 = arith.constant 96 : index
      %swap3A_360 = tpu.vector_load %arg10[%swap3A_358, %swap3A_359] {strides = array<i32>} : memref<32x128xf32, #tpu.memory_space<vmem>>, vector<1x16xf32>,
      %swap3A_361 = vector.shape_cast %swap3A_360 : vector<1x16xf32> to vector<16xf32>
      %swap3A_362 = vector.shape_cast %add3A_357 : vector<16xf32> to vector<1x16xf32>
      tpu.vector_store %arg10[%swap3A_358, %swap3A_359], %swap3A_362 {strides = array<i32>} : memref<32x128xf32, #tpu.memory_space<vmem>>, vector<1x16xf32>,
      %get3A_363 = arith.index_cast %min3A_173 : i32 to index
      %get3A_364 = arith.constant 96 : index
      %get3A_365 = tpu.vector_load %arg11[%get3A_363, %get3A_364] {strides = array<i32>} : memref<32x128xf32, #tpu.memory_space<vmem>>, vector<1x16xf32>,
      %get3A_366 = vector.shape_cast %get3A_365 : vector<1x16xf32> to vector<16xf32>
      %add3A_367 = arith.addf %get3A_366, %while3A_171#14 : vector<16xf32>
      %swap3A_368 = arith.index_cast %min3A_173 : i32 to index
      %swap3A_369 = arith.constant 96 : index
      %swap3A_370 = tpu.vector_load %arg11[%swap3A_368, %swap3A_369] {strides = array<i32>} : memref<32x128xf32, #tpu.memory_space<vmem>>, vector<1x16xf32>,
      %swap3A_371 = vector.shape_cast %swap3A_370 : vector<1x16xf32> to vector<16xf32>
      %swap3A_372 = vector.shape_cast %add3A_367 : vector<16xf32> to vector<1x16xf32>
      tpu.vector_store %arg11[%swap3A_368, %swap3A_369], %swap3A_372 {strides = array<i32>} : memref<32x128xf32, #tpu.memory_space<vmem>>, vector<1x16xf32>,
      %get3A_373 = arith.index_cast %min3A_173 : i32 to index
      %get3A_374 = arith.constant 96 : index
      %get3A_375 = tpu.vector_load %arg12[%get3A_373, %get3A_374] {strides = array<i32>} : memref<32x128xf32, #tpu.memory_space<vmem>>, vector<1x16xf32>,
      %get3A_376 = vector.shape_cast %get3A_375 : vector<1x16xf32> to vector<16xf32>
      %max3A_377 = arith.maximumf %get3A_376, %while3A_171#22 : vector<16xf32>
      %swap3A_378 = arith.index_cast %min3A_173 : i32 to index
      %swap3A_379 = arith.constant 96 : index
      %swap3A_380 = tpu.vector_load %arg12[%swap3A_378, %swap3A_379] {strides = array<i32>} : memref<32x128xf32, #tpu.memory_space<vmem>>, vector<1x16xf32>,
      %swap3A_381 = vector.shape_cast %swap3A_380 : vector<1x16xf32> to vector<16xf32>
      %swap3A_382 = vector.shape_cast %max3A_377 : vector<16xf32> to vector<1x16xf32>
      tpu.vector_store %arg12[%swap3A_378, %swap3A_379], %swap3A_382 {strides = array<i32>} : memref<32x128xf32, #tpu.memory_space<vmem>>, vector<1x16xf32>,
      %get3A_383 = arith.index_cast %min3A_173 : i32 to index
      %get3A_384 = arith.constant 112 : index
      %get3A_385 = tpu.vector_load %arg10[%get3A_383, %get3A_384] {strides = array<i32>} : memref<32x128xf32, #tpu.memory_space<vmem>>, vector<1x16xf32>,
      %get3A_386 = vector.shape_cast %get3A_385 : vector<1x16xf32> to vector<16xf32>
      %add3A_387 = arith.addf %get3A_386, %while3A_171#7 : vector<16xf32>
      %swap3A_388 = arith.index_cast %min3A_173 : i32 to index
      %swap3A_389 = arith.constant 112 : index
      %swap3A_390 = tpu.vector_load %arg10[%swap3A_388, %swap3A_389] {strides = array<i32>} : memref<32x128xf32, #tpu.memory_space<vmem>>, vector<1x16xf32>,
      %swap3A_391 = vector.shape_cast %swap3A_390 : vector<1x16xf32> to vector<16xf32>
      %swap3A_392 = vector.shape_cast %add3A_387 : vector<16xf32> to vector<1x16xf32>
      tpu.vector_store %arg10[%swap3A_388, %swap3A_389], %swap3A_392 {strides = array<i32>} : memref<32x128xf32, #tpu.memory_space<vmem>>, vector<1x16xf32>,
      %get3A_393 = arith.index_cast %min3A_173 : i32 to index
      %get3A_394 = arith.constant 112 : index
      %get3A_395 = tpu.vector_load %arg11[%get3A_393, %get3A_394] {strides = array<i32>} : memref<32x128xf32, #tpu.memory_space<vmem>>, vector<1x16xf32>,
      %get3A_396 = vector.shape_cast %get3A_395 : vector<1x16xf32> to vector<16xf32>
      %add3A_397 = arith.addf %get3A_396, %while3A_171#15 : vector<16xf32>
      %swap3A_398 = arith.index_cast %min3A_173 : i32 to index
      %swap3A_399 = arith.constant 112 : index
      %swap3A_400 = tpu.vector_load %arg11[%swap3A_398, %swap3A_399] {strides = array<i32>} : memref<32x128xf32, #tpu.memory_space<vmem>>, vector<1x16xf32>,
      %swap3A_401 = vector.shape_cast %swap3A_400 : vector<1x16xf32> to vector<16xf32>
      %swap3A_402 = vector.shape_cast %add3A_397 : vector<16xf32> to vector<1x16xf32>
      tpu.vector_store %arg11[%swap3A_398, %swap3A_399], %swap3A_402 {strides = array<i32>} : memref<32x128xf32, #tpu.memory_space<vmem>>, vector<1x16xf32>,
      %get3A_403 = arith.index_cast %min3A_173 : i32 to index
      %get3A_404 = arith.constant 112 : index
      %get3A_405 = tpu.vector_load %arg12[%get3A_403, %get3A_404] {strides = array<i32>} : memref<32x128xf32, #tpu.memory_space<vmem>>, vector<1x16xf32>,
      %get3A_406 = vector.shape_cast %get3A_405 : vector<1x16xf32> to vector<16xf32>
      %max3A_407 = arith.maximumf %get3A_406, %while3A_171#23 : vector<16xf32>
      %swap3A_408 = arith.index_cast %min3A_173 : i32 to index
      %swap3A_409 = arith.constant 112 : index
      %swap3A_410 = tpu.vector_load %arg12[%swap3A_408, %swap3A_409] {strides = array<i32>} : memref<32x128xf32, #tpu.memory_space<vmem>>, vector<1x16xf32>,
      %swap3A_411 = vector.shape_cast %swap3A_410 : vector<1x16xf32> to vector<16xf32>
      %swap3A_412 = vector.shape_cast %max3A_407 : vector<16xf32> to vector<1x16xf32>
      tpu.vector_store %arg12[%swap3A_408, %swap3A_409], %swap3A_412 {strides = array<i32>} : memref<32x128xf32, #tpu.memory_space<vmem>>, vector<1x16xf32>,
      %ge3A_413 = arith.cmpi sge, %max3A, %squeeze3A_120 : i32
      %add3A_414 = arith.constant 1 : i32
      %add3A_415 = arith.addi %while3A_90, %add3A_414 : i32
      %min3A_416 = arith.constant 32 : i32
      %min3A_417 = arith.minsi %add3A_415, %min3A_416 : i32
      %select_n3A_418 = arith.select %ge3A_413, %min3A_417, %while3A_90 : i32
      scf.yield %select_n3A_418, %max3A, %select_n3A_100 : i32, i32, i32
    }
    "tpu.region"() ({
      %run_scoped3A = tpu.sem_alloc : memref<!tpu.dma_semaphore, #tpu.memory_space<semaphore_mem>>
      %dma_start3A = arith.constant 0 : i32
      %dma_start3A_89 = tpu.memref_slice %arg4[%mul3A_2, %dma_start3A] : memref<1024x128xf32, #tpu.memory_space<hbm>> -> memref<32x128xf32, #tpu.memory_space<hbm>>
      %dma_start3A_90 = arith.constant 0 : i32
      %dma_start3A_91 = tpu.memref_slice %arg4[%mul3A_2, %dma_start3A_90] : memref<1024x128xf32, #tpu.memory_space<hbm>> -> memref<32x128xf32, #tpu.memory_space<hbm>>
      tpu.enqueue_dma source(%arg10 : memref<32x128xf32, #tpu.memory_space<vmem>>) target(%dma_start3A_91 : memref<32x128xf32, #tpu.memory_space<hbm>>) target_semaphore(%run_scoped3A : memref<!tpu.dma_semaphore, #tpu.memory_space<semaphore_mem>>)
      %dma_wait3A = arith.constant 0 : i32
      %dma_wait3A_92 = tpu.memref_slice %arg4[%mul3A_2, %dma_wait3A] : memref<1024x128xf32, #tpu.memory_space<hbm>> -> memref<32x128xf32, #tpu.memory_space<hbm>>
      %dma_wait3A_93 = arith.constant 0 : i32
      %dma_wait3A_94 = tpu.memref_slice %arg4[%mul3A_2, %dma_wait3A_93] : memref<1024x128xf32, #tpu.memory_space<hbm>> -> memref<32x128xf32, #tpu.memory_space<hbm>>
      tpu.wait_dma2 semaphore(%run_scoped3A : memref<!tpu.dma_semaphore, #tpu.memory_space<semaphore_mem>>) src(%arg10 : memref<32x128xf32, #tpu.memory_space<vmem>>) dst(%dma_wait3A_94 : memref<32x128xf32, #tpu.memory_space<hbm>>)
      tpu.yield
    }) : () -> ()
    "tpu.region"() ({
      %run_scoped3A = tpu.sem_alloc : memref<!tpu.dma_semaphore, #tpu.memory_space<semaphore_mem>>
      %dma_start3A = arith.constant 0 : i32
      %dma_start3A_89 = tpu.memref_slice %arg5[%mul3A_2, %dma_start3A] : memref<1024x128xf32, #tpu.memory_space<hbm>> -> memref<32x128xf32, #tpu.memory_space<hbm>>
      %dma_start3A_90 = arith.constant 0 : i32
      %dma_start3A_91 = tpu.memref_slice %arg5[%mul3A_2, %dma_start3A_90] : memref<1024x128xf32, #tpu.memory_space<hbm>> -> memref<32x128xf32, #tpu.memory_space<hbm>>
      tpu.enqueue_dma source(%arg11 : memref<32x128xf32, #tpu.memory_space<vmem>>) target(%dma_start3A_91 : memref<32x128xf32, #tpu.memory_space<hbm>>) target_semaphore(%run_scoped3A : memref<!tpu.dma_semaphore, #tpu.memory_space<semaphore_mem>>)
      %dma_wait3A = arith.constant 0 : i32
      %dma_wait3A_92 = tpu.memref_slice %arg5[%mul3A_2, %dma_wait3A] : memref<1024x128xf32, #tpu.memory_space<hbm>> -> memref<32x128xf32, #tpu.memory_space<hbm>>
      %dma_wait3A_93 = arith.constant 0 : i32
      %dma_wait3A_94 = tpu.memref_slice %arg5[%mul3A_2, %dma_wait3A_93] : memref<1024x128xf32, #tpu.memory_space<hbm>> -> memref<32x128xf32, #tpu.memory_space<hbm>>
      tpu.wait_dma2 semaphore(%run_scoped3A : memref<!tpu.dma_semaphore, #tpu.memory_space<semaphore_mem>>) src(%arg11 : memref<32x128xf32, #tpu.memory_space<vmem>>) dst(%dma_wait3A_94 : memref<32x128xf32, #tpu.memory_space<hbm>>)
      tpu.yield
    }) : () -> ()
    "tpu.region"() ({
      %run_scoped3A = tpu.sem_alloc : memref<!tpu.dma_semaphore, #tpu.memory_space<semaphore_mem>>
      %dma_start3A = arith.constant 0 : i32
      %dma_start3A_89 = tpu.memref_slice %arg6[%mul3A_2, %dma_start3A] : memref<1024x128xf32, #tpu.memory_space<hbm>> -> memref<32x128xf32, #tpu.memory_space<hbm>>
      %dma_start3A_90 = arith.constant 0 : i32
      %dma_start3A_91 = tpu.memref_slice %arg6[%mul3A_2, %dma_start3A_90] : memref<1024x128xf32, #tpu.memory_space<hbm>> -> memref<32x128xf32, #tpu.memory_space<hbm>>
      tpu.enqueue_dma source(%arg12 : memref<32x128xf32, #tpu.memory_space<vmem>>) target(%dma_start3A_91 : memref<32x128xf32, #tpu.memory_space<hbm>>) target_semaphore(%run_scoped3A : memref<!tpu.dma_semaphore, #tpu.memory_space<semaphore_mem>>)
      %dma_wait3A = arith.constant 0 : i32
      %dma_wait3A_92 = tpu.memref_slice %arg6[%mul3A_2, %dma_wait3A] : memref<1024x128xf32, #tpu.memory_space<hbm>> -> memref<32x128xf32, #tpu.memory_space<hbm>>
      %dma_wait3A_93 = arith.constant 0 : i32
      %dma_wait3A_94 = tpu.memref_slice %arg6[%mul3A_2, %dma_wait3A_93] : memref<1024x128xf32, #tpu.memory_space<hbm>> -> memref<32x128xf32, #tpu.memory_space<hbm>>
      tpu.wait_dma2 semaphore(%run_scoped3A : memref<!tpu.dma_semaphore, #tpu.memory_space<semaphore_mem>>) src(%arg12 : memref<32x128xf32, #tpu.memory_space<vmem>>) dst(%dma_wait3A_94 : memref<32x128xf32, #tpu.memory_space<hbm>>)
      tpu.yield
    }) : () -> ()
    "tpu.region"() ({
      %run_scoped3A = tpu.sem_alloc : memref<!tpu.dma_semaphore, #tpu.memory_space<semaphore_mem>>
      %dma_start3A = arith.constant 0 : i32
      %dma_start3A_89 = tpu.memref_slice %arg7[%mul3A_2, %dma_start3A] : memref<1024x16xf32, #tpu.memory_space<hbm>> -> memref<32x16xf32, #tpu.memory_space<hbm>>
      %dma_start3A_90 = arith.constant 0 : i32
      %dma_start3A_91 = tpu.memref_slice %arg7[%mul3A_2, %dma_start3A_90] : memref<1024x16xf32, #tpu.memory_space<hbm>> -> memref<32x16xf32, #tpu.memory_space<hbm>>
      tpu.enqueue_dma source(%arg13 : memref<32x16xf32, #tpu.memory_space<vmem>>) target(%dma_start3A_91 : memref<32x16xf32, #tpu.memory_space<hbm>>) target_semaphore(%run_scoped3A : memref<!tpu.dma_semaphore, #tpu.memory_space<semaphore_mem>>)
      %dma_wait3A = arith.constant 0 : i32
      %dma_wait3A_92 = tpu.memref_slice %arg7[%mul3A_2, %dma_wait3A] : memref<1024x16xf32, #tpu.memory_space<hbm>> -> memref<32x16xf32, #tpu.memory_space<hbm>>
      %dma_wait3A_93 = arith.constant 0 : i32
      %dma_wait3A_94 = tpu.memref_slice %arg7[%mul3A_2, %dma_wait3A_93] : memref<1024x16xf32, #tpu.memory_space<hbm>> -> memref<32x16xf32, #tpu.memory_space<hbm>>
      tpu.wait_dma2 semaphore(%run_scoped3A : memref<!tpu.dma_semaphore, #tpu.memory_space<semaphore_mem>>) src(%arg13 : memref<32x16xf32, #tpu.memory_space<vmem>>) dst(%dma_wait3A_94 : memref<32x16xf32, #tpu.memory_space<hbm>>)
      tpu.yield
    }) : () -> ()
    return
  }
}

module attributes {stable_mosaic.version = 14 : i64} {
  func.func @_tc_finalize(%arg0: memref<1024x128xf32, #tpu.memory_space<vmem>>, %arg1: memref<1024x128xf32, #tpu.memory_space<vmem>>, %arg2: memref<1024x128xf32, #tpu.memory_space<vmem>>, %arg3: memref<1024x16xf32, #tpu.memory_space<vmem>>, %arg4: memref<128x32xf32, #tpu.memory_space<vmem>>, %arg5: memref<128x32xf32, #tpu.memory_space<vmem>>, %arg6: memref<128x32xf32, #tpu.memory_space<vmem>>, %arg7: memref<1x32xf32, #tpu.memory_space<vmem>>, %arg8: memref<32x8xf32, #tpu.memory_space<vmem>>, %arg9: memref<1x8xf32, #tpu.memory_space<vmem>>, %arg10: memref<1024x8xf32, #tpu.memory_space<vmem>>) attributes {dimension_semantics = [], scalar_prefetch = 0 : i64, scratch_operands = 0 : i64, tpu.core_type = #tpu.core_type<tc>} {
    %get3A = arith.constant 0 : index
    %get3A_0 = arith.constant 0 : index
    %get3A_1 = vector.load %arg3[%get3A, %get3A_0] : memref<1024x16xf32, #tpu.memory_space<vmem>>, vector<1024x1xf32>
    %max3A = arith.constant 1.000000e+00 : f32
    %max3A_2 = vector.broadcast %max3A : f32 to vector<1024x1xf32>
    %max3A_3 = arith.maximumf %get3A_1, %max3A_2 : vector<1024x1xf32>
    %div3A = arith.constant 1.000000e+00 : f32
    %div3A_4 = vector.broadcast %div3A : f32 to vector<1024x1xf32>
    %div3A_5 = arith.divf %div3A_4, %max3A_3 : vector<1024x1xf32>
    %get3A_6 = arith.constant 0 : index
    %get3A_7 = arith.constant 0 : index
    %get3A_8 = vector.load %arg0[%get3A_6, %get3A_7] : memref<1024x128xf32, #tpu.memory_space<vmem>>, vector<1024x128xf32>
    %mul3A = vector.broadcast %div3A_5 : vector<1024x1xf32> to vector<1024x128xf32>
    %mul3A_9 = arith.mulf %get3A_8, %mul3A : vector<1024x128xf32>
    %get3A_10 = arith.constant 0 : index
    %get3A_11 = arith.constant 0 : index
    %get3A_12 = vector.load %arg1[%get3A_10, %get3A_11] : memref<1024x128xf32, #tpu.memory_space<vmem>>, vector<1024x128xf32>
    %mul3A_13 = vector.broadcast %div3A_5 : vector<1024x1xf32> to vector<1024x128xf32>
    %mul3A_14 = arith.mulf %get3A_12, %mul3A_13 : vector<1024x128xf32>
    %mul3A_15 = arith.mulf %mul3A_9, %mul3A_9 : vector<1024x128xf32>
    %sub3A = arith.subf %mul3A_14, %mul3A_15 : vector<1024x128xf32>
    %max3A_16 = arith.constant 0.000000e+00 : f32
    %max3A_17 = vector.broadcast %max3A_16 : f32 to vector<1024x128xf32>
    %max3A_18 = arith.maximumf %sub3A, %max3A_17 : vector<1024x128xf32>
    %add3A = arith.constant 9.99999993E-9 : f32
    %add3A_19 = vector.broadcast %add3A : f32 to vector<1024x128xf32>
    %add3A_20 = arith.addf %max3A_18, %add3A_19 : vector<1024x128xf32>
    %sqrt3A = math.sqrt %add3A_20 : vector<1024x128xf32>
    %get3A_21 = arith.constant 0 : index
    %get3A_22 = arith.constant 0 : index
    %get3A_23 = vector.load %arg4[%get3A_21, %get3A_22] : memref<128x32xf32, #tpu.memory_space<vmem>>, vector<128x32xf32>
    %dot_general3A = arith.constant dense<0.000000e+00> : vector<1024x32xf32>
    %dot_general3A_24 = tpu.matmul %mul3A_9, %get3A_23, %dot_general3A {dimension_numbers = #tpu.dot_dimension_numbers<[1], [0], [0], [1], [0, 0, 1, 1], [], []>, transpose_lhs_hint = false} : vector<1024x128xf32>, vector<128x32xf32>, vector<1024x32xf32> -> vector<1024x32xf32>
    %get3A_25 = arith.constant 0 : index
    %get3A_26 = arith.constant 0 : index
    %get3A_27 = vector.load %arg2[%get3A_25, %get3A_26] : memref<1024x128xf32, #tpu.memory_space<vmem>>, vector<1024x128xf32>
    %get3A_28 = arith.constant 0 : index
    %get3A_29 = arith.constant 0 : index
    %get3A_30 = vector.load %arg5[%get3A_28, %get3A_29] : memref<128x32xf32, #tpu.memory_space<vmem>>, vector<128x32xf32>
    %dot_general3A_31 = arith.constant dense<0.000000e+00> : vector<1024x32xf32>
    %dot_general3A_32 = tpu.matmul %get3A_27, %get3A_30, %dot_general3A_31 {dimension_numbers = #tpu.dot_dimension_numbers<[1], [0], [0], [1], [0, 0, 1, 1], [], []>, transpose_lhs_hint = false} : vector<1024x128xf32>, vector<128x32xf32>, vector<1024x32xf32> -> vector<1024x32xf32>
    %add3A_33 = arith.addf %dot_general3A_24, %dot_general3A_32 : vector<1024x32xf32>
    %get3A_34 = arith.constant 0 : index
    %get3A_35 = arith.constant 0 : index
    %get3A_36 = vector.load %arg6[%get3A_34, %get3A_35] : memref<128x32xf32, #tpu.memory_space<vmem>>, vector<128x32xf32>
    %dot_general3A_37 = arith.constant dense<0.000000e+00> : vector<1024x32xf32>
    %dot_general3A_38 = tpu.matmul %sqrt3A, %get3A_36, %dot_general3A_37 {dimension_numbers = #tpu.dot_dimension_numbers<[1], [0], [0], [1], [0, 0, 1, 1], [], []>, transpose_lhs_hint = false} : vector<1024x128xf32>, vector<128x32xf32>, vector<1024x32xf32> -> vector<1024x32xf32>
    %add3A_39 = arith.addf %add3A_33, %dot_general3A_38 : vector<1024x32xf32>
    %get3A_40 = arith.constant 0 : index
    %get3A_41 = arith.constant 0 : index
    %get3A_42 = vector.load %arg7[%get3A_40, %get3A_41] : memref<1x32xf32, #tpu.memory_space<vmem>>, vector<1x32xf32>
    %add3A_43 = vector.broadcast %get3A_42 : vector<1x32xf32> to vector<1024x32xf32>
    %add3A_44 = arith.addf %add3A_39, %add3A_43 : vector<1024x32xf32>
    %max3A_45 = arith.constant 0.000000e+00 : f32
    %max3A_46 = vector.broadcast %max3A_45 : f32 to vector<1024x32xf32>
    %max3A_47 = arith.maximumf %add3A_44, %max3A_46 : vector<1024x32xf32>
    %get3A_48 = arith.constant 0 : index
    %get3A_49 = arith.constant 0 : index
    %get3A_50 = vector.load %arg8[%get3A_48, %get3A_49] : memref<32x8xf32, #tpu.memory_space<vmem>>, vector<32x8xf32>
    %dot_general3A_51 = arith.constant dense<0.000000e+00> : vector<1024x8xf32>
    %dot_general3A_52 = tpu.matmul %max3A_47, %get3A_50, %dot_general3A_51 {dimension_numbers = #tpu.dot_dimension_numbers<[1], [0], [0], [1], [0, 0, 1, 1], [], []>, transpose_lhs_hint = false} : vector<1024x32xf32>, vector<32x8xf32>, vector<1024x8xf32> -> vector<1024x8xf32>
    %get3A_53 = arith.constant 0 : index
    %get3A_54 = arith.constant 0 : index
    %get3A_55 = vector.load %arg9[%get3A_53, %get3A_54] : memref<1x8xf32, #tpu.memory_space<vmem>>, vector<1x8xf32>
    %add3A_56 = vector.broadcast %get3A_55 : vector<1x8xf32> to vector<1024x8xf32>
    %add3A_57 = arith.addf %dot_general3A_52, %add3A_56 : vector<1024x8xf32>
    %tanh3A = math.tanh %add3A_57 : vector<1024x8xf32>
    %mul3A_58 = arith.constant 3.14159274 : f32
    %mul3A_59 = vector.broadcast %mul3A_58 : f32 to vector<1024x8xf32>
    %mul3A_60 = arith.mulf %tanh3A, %mul3A_59 : vector<1024x8xf32>
    %swap3A = arith.constant 0 : index
    %swap3A_61 = arith.constant 0 : index
    %swap3A_62 = vector.load %arg10[%swap3A, %swap3A_61] : memref<1024x8xf32, #tpu.memory_space<vmem>>, vector<1024x8xf32>
    tpu.vector_store %arg10[%swap3A, %swap3A_61], %mul3A_60 {strides = array<i32>} : memref<1024x8xf32, #tpu.memory_space<vmem>>, vector<1024x8xf32>,
    return
  }
}

</mosaic_0001>

<sc_bundles>
// kernel: kernel.4.cloned.1.call-start
scs
__scs_entry_jumppad:
0x0: {  	(pc) =	sbr.rel $0x88, $3  }
0x1: {  	(tag) =	ssettag $0x0;
	lr =	simm.s32 $0x1  }
0x2: {  	[smem:$0x3F9B] =	sst lr;
	_ =	strace $0xD0000000  }
0x3: {  	_ = 	snop  }
0x4: {  	_ = 	snop  }
0x5: {  	_ = 	snop  }
0x6: {  	_ = 	snop  }
0x7: {  	_ = 	snop  }
__scs_overlays_trampoline_lowered:
0x8: {  	[smem:$0x3FAA] =	sst s0  }
0x9: {  	[smem:$0x3FAB] =	sst s1  }
0xa: {  	[smem:$0x3FAC] =	sst s2  }
0xb: {  	[smem:$0x3FAD] =	sst s3  }
0xc: {  	[smem:$0x3FAE] =	sst s4  }
0xd: {  	[smem:$0x3FAF] =	sst s5  }
0xe: {  	[smem:$0x3FB0] =	sst s6  }
0xf: {  	[smem:$0x3FB1] =	sst s7  }
0x10: {  	[smem:$0x3FB2] =	sst s8  }
0x11: {  	[smem:$0x3FB3] =	sst s9;
	s0 =	simm.s32 @!p0 $0x0  }
0x12: {  	s1 =	sld [smem:$0x3F99];
	s0 =	simm.s32 @p0 $0x1  }
0x13: {  	[smem:$0x3FB4] =	sst s0;
	s0 =	simm.s32 @!p1 $0x0  }
0x14: {  	s2 =	sld [smem:$0x3F98];
	s0 =	simm.s32 @p1 $0x1  }
0x15: {  	[smem:$0x3FB5] =	sst s0;
	s0 =	simm.s32 @!p2 $0x0  }
0x16: {  	s3 =	sld [smem:$0x3FDB];
	s0 =	simm.s32 @p2 $0x1  }
0x17: {  	s4 =	simm.s32 $0x1BF5;
	[smem:$0x3FB7] =	sst s0  }
0x18: {  	s0 =	sld [smem:$0x3F9A];
	_ =	swait.ge [sflag:s4], $0x0  }
0x19: {  	s7 =	sld [smem:$0x3F9B]  }
0x1a: {  	s8 =	sadd.s32 $0xFFFFE003, lr  }
0x1b: {  	s9 =	sadd.s32 $0xFFFFFEF7, lr;
	s5 =	simm.s32 $0xFFFFFFFF;
	p2 =	slt.u32 s8, $0xFFFFF086  }
0x1c: {  	p1 =	slt.u32 s9, $0xF7A;
	s5 =	simm.s32 @!p2 $0x0  }
0x1d: {  	s5 =	simm.s32 @p1 $0x1;
	p0 =	seq.s32 s7, s2  }
0x1e: {  	s7 =	smul.u32 @!p0 $0xF7A, s2;
	p2 =	seq.s32 @!p0 s5, $0x0  }
0x1f: {  	s9 =	smul.u32 $0xF7A, s1;
	s8 =	simm.s32 @!p0 $0x1BF5;
	p2 =	por !p2, p0  }
0x20: {  	[sflag:s8] =	ssyncset.s32 @!p0 $0xFFFFF086;
	s6 =	sadd.s32 @!p0 s3, s7;
	s7 =	simm.s32 @!p0 $0x108  }
0x21: {  	s3 =	sadd.s32 s3, s9;
	s6 =	sadd.s32 @!p0 $0x88, s6;
	s7 =	simm.s32 @p2 $0x1082  }
0x22: {  	[simem:s7], [sflag:s8] =	dma.local @!p0 [hbm:s6], $0xF7A  }
0x23: {  	s9 =	sor.u32 $0xD0000000, s2;
	s6 =	simm.s32 $0x108;
	_ =	swait.ge @!p0 [sflag:s8], $0x0  }
0x24: {  	s3 =	sadd.s32 $0x88, s3;
	s6 =	simm.s32 @!p1 $0x1082;
	[sflag:s4] =	ssyncset.s32 $0xFFFFF086  }
0x25: {  	[simem:s6], [sflag:s4] =	dma.local [hbm:s3], $0xF7A  }
0x26: {  	[smem:$0x3F9B] =	sst s1;
	(tag) =	ssettag s2;
	_ =	strace s9  }
0x27: {  	s1 =	sld [smem:$0x3FAB]  }
0x28: {  	s2 =	sld [smem:$0x3FAC]  }
0x29: {  	s4 =	sld [smem:$0x3FAE]  }
0x2a: {  	p0 =	seq.s32 s5, $0x0;
	s5 =	sld [smem:$0x3FAF]  }
0x2b: {  	s6 =	sld [smem:$0x3FB0]  }
0x2c: {  	s7 =	sld [smem:$0x3FB1]  }
0x2d: {  	s3 =	simm.s32 $0x108;
	s8 =	sld [smem:$0x3FB2]  }
0x2e: {  	s3 =	simm.s32 @!p0 $0x1082;
	s9 =	sld [smem:$0x3FB3]  }
0x2f: {  	lr =	sadd.s32 s0, s3;
	s0 =	sld [smem:$0x3FAA]  }
0x30: {  	s3 =	sld [smem:$0x3FAD]  }
0x31: {  	[smem:$0x3FB6] =	sst s10  }
0x32: {  	s10 =	sld [smem:$0x3FB4];
	_ =	sdelay $0x3  }
0x33: {  	p0 =	seq.s32 s10, $0x1;
	s10 =	sld [smem:$0x3FB6];
	_ =	sdelay $0x3  }
0x34: {  	[smem:$0x3FB6] =	sst s10  }
0x35: {  	s10 =	sld [smem:$0x3FB5];
	_ =	sdelay $0x3  }
0x36: {  	p1 =	seq.s32 s10, $0x1;
	s10 =	sld [smem:$0x3FB6];
	_ =	sdelay $0x3  }
0x37: {  	[smem:$0x3FB6] =	sst s10  }
0x38: {  	s10 =	sld [smem:$0x3FB7]  }
0x39: {  	_ = 	snop;
	(pc) =	sbr.ind lr, $3  }
0x3a: {  	_ = 	snop  }
0x3b: {  	_ = 	snop  }
0x3c: {  	p2 =	seq.s32 s10, $0x1;
	s10 =	sld [smem:$0x3FB6]  }
0x3d: {  	_ =	shalt  }
0x3e: {  	_ =	shalt  }
0x3f: {  	_ =	shalt  }
0x40: {  	_ =	shalt  }
0x41: {  	_ =	shalt  }
0x42: {  	_ =	shalt  }
0x43: {  	_ =	shalt  }
0x44: {  	_ =	shalt  }
0x45: {  	_ =	shalt  }
0x46: {  	_ =	shalt  }
0x47: {  	_ =	shalt  }
0x48: {  	_ =	shalt  }
0x49: {  	_ =	shalt  }
0x4a: {  	_ =	shalt  }
0x4b: {  	_ =	shalt  }
0x4c: {  	_ =	shalt  }
0x4d: {  	_ =	shalt  }
0x4e: {  	_ =	shalt  }
0x4f: {  	_ =	shalt  }
0x50: {  	_ =	shalt  }
0x51: {  	_ =	shalt  }
0x52: {  	_ =	shalt  }
0x53: {  	_ =	shalt  }
0x54: {  	_ =	shalt  }
0x55: {  	_ =	shalt  }
0x56: {  	_ =	shalt  }
0x57: {  	_ =	shalt  }
0x58: {  	_ =	shalt  }
0x59: {  	_ =	shalt  }
0x5a: {  	_ =	shalt  }
0x5b: {  	_ =	shalt  }
0x5c: {  	_ =	shalt  }
0x5d: {  	_ =	shalt  }
0x5e: {  	_ =	shalt  }
0x5f: {  	_ =	shalt  }
0x60: {  	_ =	shalt  }
0x61: {  	_ =	shalt  }
0x62: {  	_ =	shalt  }
0x63: {  	_ =	shalt  }
0x64: {  	_ =	shalt  }
0x65: {  	_ =	shalt  }
0x66: {  	_ =	shalt  }
0x67: {  	_ =	shalt  }
0x68: {  	_ =	shalt  }
0x69: {  	_ =	shalt  }
0x6a: {  	_ =	shalt  }
0x6b: {  	_ =	shalt  }
0x6c: {  	_ =	shalt  }
0x6d: {  	_ =	shalt  }
0x6e: {  	_ =	shalt  }
0x6f: {  	_ =	shalt  }
0x70: {  	_ =	shalt  }
0x71: {  	_ =	shalt  }
0x72: {  	_ =	shalt  }
0x73: {  	_ =	shalt  }
0x74: {  	_ =	shalt  }
0x75: {  	_ =	shalt  }
0x76: {  	_ =	shalt  }
0x77: {  	_ =	shalt  }
0x78: {  	_ =	shalt  }
0x79: {  	_ =	shalt  }
0x7a: {  	_ =	shalt  }
0x7b: {  	_ =	shalt  }
0x7c: {  	_ =	shalt  }
0x7d: {  	_ =	shalt  }
0x7e: {  	_ =	shalt  }
0x7f: {  	_ =	shalt  }
0x80: {  	_ =	shalt  }
0x81: {  	_ =	shalt  }
0x82: {  	_ =	shalt  }
0x83: {  	_ =	shalt  }
0x84: {  	_ =	shalt  }
0x85: {  	_ =	shalt  }
0x86: {  	_ =	shalt  }
0x87: {  	_ =	shalt  }
.Lfunc_end0:
.L_simem_size_0:
called_computation.1_lowered:
.L_overlay_start_0:
0x88: {  	s2 =	sld [smem:$0x3FD9]  }
0x89: {  	s3 =	sld [smem:$0x3FFE];
	_ =	sdelay $0x1  }
0x8a: {  	s1 =	srdreg.scid  }
0x8b: {  	s0 =	sand.u32 $0x1, s1  }
0x8c: {  	s17 =	sshll.u32 s0, $0xA;
	s2 =	sadd.s32 s3, s2  }
0x8d: {  	s2 =	sadd.s32 s2, s17  }
0x8e: {  	[smem:$0x3FC2] =	sst s2  }
0x8f: {  	_ = 	snop  }
0x90: {  	s2 =	sld [smem:$0x3FC9]  }
0x91: {  	s18 =	sld [smem:$0x3FD0];
	(tm) =	ssettm $0x1  }
0x92: {  	s4 =	sld [smem:$0x3FFB];
	_ =	sdelay $0x3  }
0x93: {  	_ =	strace s4  }
0x94: {  	s4 =	sld [smem:$0x3FFC];
	_ =	sdelay $0x3  }
0x95: {  	_ =	strace s4  }
0x96: {  	s4 =	sld [smem:$0x3FFD];
	_ =	sdelay $0x3  }
0x97: {  	_ =	strace s4  }
0x98: {  	_ =	strace $0x8FFFFFFF  }
0x99: {  	s19 =	sld [smem:$0x3FDB];
	_ =	sdelay $0x1  }
0x9a: {  	s5 =	simm.s32 $_scs_section_size  }
0x9b: {  	s6 =	simm.s32 $_size__tile_overlayer_lowered;
	s7 =	simm.s32 $_tile_overlayer_lowered  }
0x9c: {  	s22 =	simm.s32 $0x1BFF;
	s21 =	sshll.u32 s7, $0x1;
	s4 =	sadd.s32 s5, s19  }
0x9d: {  	s8 =	simm.s32 $0x0;
	s20 =	sshll.u32 s6, $0x1;
	s6 =	sadd.s32 s21, s4  }
0x9e: {  	[timem:s8], [sflag:s22] =	dma.local [hbm:s6], s20  }
0x9f: {  	_ =	swait.ge [sflag:s22], s20  }
0xa0: {  	s5 =	ssub.s32 $0x0, s20;
	[sflag:s22] =	ssyncset.done $0x0  }
0xa1: {  	[sflag:s22] =	ssyncadd.s32 s5;
	_ =	sdelay $0x1  }
0xa2: {  	s23 =	simm.s32 $0x1B8B  }
0xa3: {  	_ =	swait.ge [sflag:s23], $0x1  }
0xa4: {  	[sflag:s23] =	ssyncset.done $0x0  }
0xa5: {  	s25 =	simm.s32 $0x1B8E;
	s24 =	sld [smem:$0x3FFE];
	[sflag:s23] =	ssyncadd.s32 $0xFFFFFFFF  }
0xa6: {  	s26 =	simm.s32 $execute0_lowered;
	[smem:$0x3FD2] =	sst s25  }
0xa7: {  	s6 =	sshll.u32 s26, $0x1;
	_ =	strace $0x80000049;
	[dreg:$0x1] =	wrdreg $0xFFFFFFFF  }
0xa8: {  	s28 =	simm.s32 $_size_execute0_lowered;
	s4 =	sadd.s32 s4, s6;
	[dreg:$0x0] =	wrdreg $0x0  }
0xa9: {  	s6 =	sshll.u32 s28, $0x1;
	[dreg:$0x2] =	wrdreg s4  }
0xaa: {  	[dreg:$0x3] =	wrdreg s6  }
0xab: {  	[dreg:$0x4] =	wrdreg $0xC0  }
0xac: {  	_ =	task [dreg:s8], $0x5FFFF  }
0xad: {  	[dreg:$0x1] =	wrdreg $0xFFFFFFFF  }
0xae: {  	[dreg:$0x0] =	wrdreg $0x60  }
0xaf: {  	[dreg:$0x2] =	wrdreg s2  }
0xb0: {  	[dreg:$0x3] =	wrdreg s18  }
0xb1: {  	[dreg:$0x4] =	wrdreg s24  }
0xb2: {  	[dreg:$0x5] =	wrdreg $0x9  }
0xb3: {  	_ =	task.clear_ibuf [dreg:s8], $0x6FFFF;
	_ =	strace $0x90000049  }
0xb4: {  	s29 =	simm.s32 $0x9;
	_ =	strace $0x8000004B  }
0xb5: {  	_ =	swait.ge [sflag:s29], $0x1  }
0xb6: {  	[sflag:s29] =	ssyncadd.s32 $0xFFFFFFFF  }
0xb7: {  	_ =	strace $0x9000004B  }
0xb8: {  	_ =	sfence  }
0xb9: {  	s30 =	sld [smem:$0x0];
	_ =	sdelay $0x2  }
0xba: {  	s31 =	sshll.u32 s1, $0xD;
	s1 =	sshrl.u32 s1, $0x2  }
0xbb: {  	s3 =	sand.u32 $0x4000, s31;
	s1 =	sadd.s32 s1, s30  }
0xbc: {  	s0 =	sor.u32 s3, s0;
	s1 =	sshll.u32 s1, $0x11  }
0xbd: {  	s0 =	sor.u32 s1, s0  }
0xbe: {  	s0 =	sadd.s32 $0x8F2B, s0  }
0xbf: {  	[sflag:s0] =	ssyncadd.remote.s32 $0x1  }
0xc0: {  	_ =	sfence.sel $0xFFFF  }
0xc1: {  	[dreg:$0x0] =	wrdreg $0xFFFFFFFF;
	(pc) =	sbr.abs _section_cstart, $3  }
0xc2: {  	[dreg:$0x1] =	wrdreg $0xFFFFFFFF  }
0xc3: {  	_ =	task.clear_ibuf [dreg:s8], $0x2FFFF;
	_ =	strace $0x9FFFFFFF  }
0xc4: {  	(tm) =	ssettm $0x7FFFFFFF  }
0xc5: {  	_ =	shalt  }
tec
execute0_lowered:
.L_overlay_start_1:
0x0: {  	(tag) =	ssettag $0x1  }
0x1: {  	s1 =	rddreg [dreg:$0x0]  }
0x2: {  	s0 =	rddreg [dreg:$0x1]  }
0x3: {  	s4 =	rddreg [dreg:$0x2];
	s5 =	srdreg.scid;
	s3 =	simm.s32 $0x0  }
0x4: {  	s2 =	stileid.u32;
	s11 =	simm.s32 $0x1;
	s12 =	simm.s32 $0x10080  }
0x5: {  	s13 =	simm.s32 $0x11080;
	s14 =	simm.s32 $0x12080;
	s15 =	simm.s32 $0x13080  }
0x6: {  	s16 =	simm.s32 $0x0;
	s5 =	sand.u32 $0x1, s5;
	[smem:$0x7FF] =	sst s3  }
0x7: {  	s6 =	sshll.u32 s2, $0x6;
	s7 =	sshll.u32 s5, $0x5;
	_ =	strace $0x8000004A  }
.Ltmp0:
0x8: {  	s5 =	ssub.s32 $0x2, s5;
	s6 =	sor.u32 s7, s6;
	(pc) =	sbr.rel .LBB2_1-.Ltmp0, $4  }
0x9: {  	s8 =	sshrl.u32 s5, $0x1;
	s7 =	sshll.u32 s6, $0x4;
	s6 =	sshrl.u32 s6, $0x3  }
0xa: {  	s10 =	ssub.s32 s5, s8;
	s9 =	sadd.s32 s7, s4;
	s4 =	sadd.s32 s0, s6  }
0xb: {  	s5 =	sadd.s32 $0x800, s9;
	s6 =	sadd.s32 $0x4800, s9;
	s7 =	sadd.s32 $0x8800, s9  }
0xc: {  	v0 =	vimm.f32 $0.0e+00;
	v1 =	vimm.f32 $-Inf;
	s8 =	sadd.s32 $0xC800, s9;
	s9 =	smax.u32 s10, $0x1;
	s10 =	simm.s32 $0x2  }
.LBB2_15:
0xd: {  	[hbm4b:s5+s3] =	stream.linear.scatter [tilespmem:s12], [sflag:$0x2], $0x1000, $0x38;
	[tilespmem:$0x14080] =	vst v63  }
0xe: {  	_ =	swait.ge [sflag:s10], $0x1000  }
0xf: {  	[sflag:s10] =	ssyncset.done $0x0  }
0x10: {  	[sflag:s10] =	ssyncadd.s32 $0xFFFFF000  }
0x11: {  	[hbm4b:s6+s3] =	stream.linear.scatter [tilespmem:s13], [sflag:$0x2], $0x1000, $0x38;
	[tilespmem:$0x14080] =	vst v63  }
0x12: {  	_ =	swait.ge [sflag:s10], $0x1000  }
0x13: {  	[sflag:s10] =	ssyncset.done $0x0  }
0x14: {  	[sflag:s10] =	ssyncadd.s32 $0xFFFFF000  }
0x15: {  	[hbm4b:s7+s3] =	stream.linear.scatter [tilespmem:s14], [sflag:$0x2], $0x1000, $0x38;
	[tilespmem:$0x14080] =	vst v63  }
0x16: {  	s16 =	sadd.s32 $0x1, s16;
	_ =	swait.ge [sflag:s10], $0x1000  }
0x17: {  	p0 =	sne.s32 s16, s9;
	[sflag:s10] =	ssyncset.done $0x0  }
.Ltmp1:
0x18: {  	[sflag:s10] =	ssyncadd.s32 $0xFFFFF000;
	(pc) =	sbr.rel @!p0 .LBB2_16-.Ltmp1, $4  }
0x19: {  	[hbm4b:s8+s3] =	stream.linear.scatter [tilespmem:s15], [sflag:$0x2], $0x1000, $0x38;
	[tilespmem:$0x14080] =	vst v63  }
0x1a: {  	_ =	swait.ge [sflag:s10], $0x1000  }
0x1b: {  	[sflag:s10] =	ssyncset.done $0x0  }
0x1c: {  	[sflag:s10] =	ssyncadd.s32 $0xFFFFF000  }
.LBB2_1:
0x1d: {  	[tilespmem:s3], [sflag:$0x2] =	stream.linear.gather [hbm4b:s4+s3], $0x40, $0x38;
	[tilespmem:$0x14080] =	vst v63  }
0x1e: {  	_ =	swait.ge [sflag:s10], $0x40  }
0x1f: {  	[sflag:s10] =	ssyncset.done $0x0  }
0x20: {  	[sflag:s10] =	ssyncadd.s32 $0xFFFFFFC0  }
0x21: {  	s0 =	simm.s32 $0x0;
	v2 =	vld [tilespmem:s11+$0x0]  }
0x22: {  	s17 =	simm.s32 $0x200;
	s18 =	simm.s32 $0x1;
	v3 =	vld [tilespmem:s11+$0xFFFFFFFF];
	[tilespmem:s0+$0x120F0] =	vst v1  }
.LBB2_2:
0x23: {  	p0 =	sne.s32 s17, $0x3E00;
	[tilespmem:s0+$0x110F0] =	vst v0  }
0x24: {  	[tilespmem:s0+$0x100F0] =	vst v0  }
0x25: {  	[tilespmem:s0+$0x120E0] =	vst v1  }
0x26: {  	[tilespmem:s0+$0x110E0] =	vst v0;
	(v2sf) =	vpush v2, $0x0  }
0x27: {  	[tilespmem:s0+$0x100E0] =	vst v0;
	(v2sf) =	vpush v3, $0x0  }
0x28: {  	[tilespmem:s0+$0x120D0] =	vst v1  }
0x29: {  	[tilespmem:s0+$0x110D0] =	vst v0  }
0x2a: {  	[tilespmem:s0+$0x100D0] =	vst v0  }
0x2b: {  	[tilespmem:s0+$0x120C0] =	vst v1  }
0x2c: {  	[tilespmem:s0+$0x110C0] =	vst v0  }
0x2d: {  	[tilespmem:s0+$0x100C0] =	vst v0  }
0x2e: {  	[tilespmem:s0+$0x120B0] =	vst v1  }
0x2f: {  	[tilespmem:s0+$0x110B0] =	vst v0  }
0x30: {  	[tilespmem:s0+$0x100B0] =	vst v0  }
0x31: {  	[tilespmem:s0+$0x120A0] =	vst v1  }
0x32: {  	[tilespmem:s0+$0x110A0] =	vst v0  }
0x33: {  	[tilespmem:s0+$0x100A0] =	vst v0  }
0x34: {  	[tilespmem:s0+$0x12090] =	vst v1  }
0x35: {  	[tilespmem:s0+$0x11090] =	vst v0;
	s19 =	spop (v2sf)  }
0x36: {  	[tilespmem:s0+$0x10090] =	vst v0;
	s20 =	spop (v2sf)  }
0x37: {  	s19 =	ssub.s32 s19, s20;
	[tilespmem:s0+$0x12080] =	vst v1  }
0x38: {  	s19 =	scvt.s32.f32 s19;
	[tilespmem:s0+$0x11080] =	vst v0  }
.Ltmp2:
0x39: {  	[tilespmem:s0+$0x10080] =	vst v0;
	(pc) =	sbr.rel @p0 .LBB2_2-.Ltmp2, $4  }
0x3a: {  	v2 =	vmov s19  }
0x3b: {  	s18 =	sadd.s32 $0x1, s18;
	[tilespmem:s0+$0x13080] =	vst v2  }
0x3c: {  	s0 =	sshra.s32 s17, $0x2;
	v2 =	vld [tilespmem:s18+$0x0]  }
0x3d: {  	s17 =	sadd.s32 $0x200, s17;
	v3 =	vld [tilespmem:s18+$0xFFFFFFFF];
	[tilespmem:s0+$0x120F0] =	vst v1  }
0x3e: {  	_ = 	snop  }
0x3f: {  	[tilespmem:s0+$0x110F0] =	vst v0  }
0x40: {  	[tilespmem:s0+$0x100F0] =	vst v0  }
0x41: {  	[tilespmem:s0+$0x120E0] =	vst v1;
	(v2sf) =	vpush v2, $0x0  }
0x42: {  	[tilespmem:s0+$0x110E0] =	vst v0;
	(v2sf) =	vpush v3, $0x0  }
0x43: {  	[tilespmem:s0+$0x100E0] =	vst v0  }
0x44: {  	[tilespmem:s0+$0x120D0] =	vst v1  }
0x45: {  	[tilespmem:s0+$0x110D0] =	vst v0  }
0x46: {  	[tilespmem:s0+$0x100D0] =	vst v0  }
0x47: {  	[tilespmem:s0+$0x120C0] =	vst v1  }
0x48: {  	[tilespmem:s0+$0x110C0] =	vst v0  }
0x49: {  	[tilespmem:s0+$0x100C0] =	vst v0  }
0x4a: {  	[tilespmem:s0+$0x120B0] =	vst v1  }
0x4b: {  	[tilespmem:s0+$0x110B0] =	vst v0  }
0x4c: {  	[tilespmem:s0+$0x100B0] =	vst v0  }
0x4d: {  	[tilespmem:s0+$0x120A0] =	vst v1  }
0x4e: {  	[tilespmem:s0+$0x110A0] =	vst v0  }
0x4f: {  	[tilespmem:s0+$0x100A0] =	vst v0  }
0x50: {  	[tilespmem:s0+$0x12090] =	vst v1;
	s17 =	spop (v2sf)  }
0x51: {  	[tilespmem:s0+$0x11090] =	vst v0;
	s18 =	spop (v2sf)  }
0x52: {  	[tilespmem:s0+$0x10090] =	vst v0;
	s17 =	ssub.s32 s17, s18  }
0x53: {  	[tilespmem:s0+$0x12080] =	vst v1;
	s17 =	scvt.s32.f32 s17  }
0x54: {  	[tilespmem:s0+$0x11080] =	vst v0  }
0x55: {  	[tilespmem:s0+$0x10080] =	vst v0;
	v2 =	vmov s17  }
0x56: {  	[tilespmem:s0+$0x13080] =	vst v2  }
0x57: {  	v2 =	vld [tilespmem:$0x0];
	_ =	sdelay $0x1  }
0x58: {  	v3 =	vld [tilespmem:$0x20];
	_ =	sdelay $0x2  }
0x59: {  	(v2sf) =	vpush v2, $0x0;
	_ =	sdelay $0x1  }
0x5a: {  	(v2sf) =	vpush v3, $0x0;
	_ =	sdelay $0xc  }
0x5b: {  	s26 =	spop (v2sf)  }
0x5c: {  	s18 =	simm.s32 $0x1;
	s29 =	sshra.s32 s26, $0x1F;
	s30 =	sand.u32 $0xFF, s26  }
0x5d: {  	p0 =	slt.s32 s26, $0x1;
	s17 =	spop (v2sf);
	s0 =	sshrl.u32 s29, $0x18  }
0x5e: {  	p1 =	sne.s32 s30, $0x0;
	s19 =	sadd.s32 $0xFFFFFFFF, s17;
	s0 =	sadd.s32 s0, s26  }
0x5f: {  	p0 =	por !p0, !p1;
	s20 =	sshra.s32 s19, $0x1F;
	s21 =	sand.u32 $0xFF, s19  }
0x60: {  	p5 =	slt.s32 s19, $0x1;
	p1 =	sle.s32 s17, s26;
	s0 =	sshra.s32 s0, $0x8  }
0x61: {  	p0 =	por !p0, !p0;
	s20 =	sshrl.u32 s20, $0x18;
	p6 =	sne.s32 s21, $0x0  }
0x62: {  	s18 =	simm.s32 @!p0 $0x0;
	s31 =	sadd.s32 s20, s19;
	p0 =	por !p5, !p6  }
0x63: {  	s19 =	simm.s32 $0x1;
	s18 =	ssub.s32 s0, s18;
	p0 =	por !p0, !p0  }
0x64: {  	s0 =	sshra.s32 s31, $0x8;
	s19 =	simm.s32 @!p0 $0x0;
	s20 =	sshll.u32 @!p1 s18, $0xC  }
0x65: {  	s21 =	simm.s32 @!p1 $0x80;
	s19 =	ssub.s32 s0, s19;
	s0 =	sand.u32 @!p1 $0x1FFFF000, s20  }
0x66: {  	s20 =	simm.s32 @!p1 $0x0;
	s0 =	sadd.s32 @!p1 s1, s0;
	p0 =	sle.s32 @!p1 s19, s18  }
0x67: {  	[tilespmem:s21], [sflag:$0x1] =	stream.linear.gather @!p1 [hbm4b:s0+s20], $0x8000, $0x38;
	[tilespmem:$0x14080] =	vst v63  }
0x68: {  	p0 =	por p0, p1  }
0x69: {  	s0 =	sshll.u32 @!p0 s18, $0xF  }
0x6a: {  	s0 =	sadd.s32 @!p0 $0x8000, s0  }
0x6b: {  	s0 =	sshrl.u32 @!p0 s0, $0x3  }
0x6c: {  	s20 =	simm.s32 @!p0 $0x0;
	s21 =	simm.s32 @!p0 $0x8080;
	s0 =	sadd.s32 @!p0 s1, s0  }
0x6d: {  	[tilespmem:s21], [sflag:$0x1] =	stream.linear.gather @!p0 [hbm4b:s0+s20], $0x8000, $0x38;
	[tilespmem:$0x14080] =	vst v63  }
0x6e: {  	s0 =	ssub.s32 s19, s18  }
0x6f: {  	p0 =	slt.s32 s0, $0xFFFFFFDF  }
.Ltmp3:
0x70: {  	_ = 	snop;
	(pc) =	sbr.rel @p0 .LBB2_15-.Ltmp3, $1  }
0x71: {  	_ =	sdelay $0x3  }
.Ltmp4:
0x72: {  	(pc) =	sbr.rel .LBB2_5-.Ltmp4, $3  }
0x73: {  	_ =	sdelay $0x1  }
0x74: {  	s20 =	sadd.s32 $0xFFFFFFFF, s18;
	s21 =	sadd.s32 $0x21, s0  }
0x75: {  	s23 =	simm.s32 $0x0;
	s24 =	simm.s32 $0x0;
	s22 =	smov.u32 s26  }
.LBB2_13:
0x76: {  	v16 =	vadd.f32 v27, v16;
	v32 =	vmul.f32 v28, v28  }
0x77: {  	v7 =	vadd.f32 v31, v7;
	v24 =	vadd.f32 v29, v24;
	v63 =	vmul.f32 v29, v29  }
0x78: {  	v11 =	vadd.f32 v30, v11;
	v22 =	vmax.f32 v22, v29;
	v19 =	vmax.f32 v19, v27  }
0x79: {  	v14 =	vadd.f32 v26, v14;
	v17 =	vmax.f32 v17, v26;
	v12 =	vadd.f32 v28, v12  }
0x7a: {  	v15 =	vmax.f32 v15, v28;
	v10 =	vadd.f32 v32, v10;
	v25 =	vadd.f32 v63, v25  }
.LBB2_14:
0x7b: {  	p0 =	slt.s32 s23, $0x1F;
	s0 =	smov.u32 s23  }
0x7c: {  	s0 =	simm.s32 @!p0 $0x1F  }
0x7d: {  	s0 =	sshll.u32 s0, $0x7  }
0x7e: {  	v26 =	vld [tilespmem:s0+$0x10080]  }
0x7f: {  	v28 =	vld [tilespmem:s0+$0x12080]  }
0x80: {  	v34 =	vld [tilespmem:s0+$0x12090]  }
0x81: {  	v37 =	vld [tilespmem:s0+$0x120A0]  }
0x82: {  	v41 =	vld [tilespmem:s0+$0x120B0]  }
0x83: {  	v46 =	vld [tilespmem:s0+$0x120C0]  }
0x84: {  	v51 =	vld [tilespmem:s0+$0x120D0];
	v22 =	vmax.f32 v28, v22  }
0x85: {  	v56 =	vld [tilespmem:s0+$0x120E0];
	v4 =	vmax.f32 v34, v4;
	[tilespmem:s0+$0x12080] =	vst v22  }
0x86: {  	v27 =	vld [tilespmem:s0+$0x11080];
	v45 =	vmax.f32 v37, v23;
	[tilespmem:s0+$0x12090] =	vst v4  }
0x87: {  	v29 =	vld [tilespmem:s0+$0x10090];
	v50 =	vmax.f32 v41, v21;
	[tilespmem:s0+$0x120A0] =	vst v45  }
0x88: {  	v30 =	vld [tilespmem:s0+$0x11090];
	v55 =	vmax.f32 v46, v19;
	[tilespmem:s0+$0x120B0] =	vst v50  }
0x89: {  	v35 =	vld [tilespmem:s0+$0x100A0];
	v60 =	vmax.f32 v51, v17;
	[tilespmem:s0+$0x120C0] =	vst v55  }
0x8a: {  	v36 =	vld [tilespmem:s0+$0x110A0];
	v24 =	vadd.f32 v26, v24;
	v63 =	vmax.f32 v56, v15;
	[tilespmem:s0+$0x120D0] =	vst v60  }
0x8b: {  	v38 =	vld [tilespmem:s0+$0x100B0];
	v25 =	vadd.f32 v27, v25;
	[tilespmem:s0+$0x120E0] =	vst v63  }
0x8c: {  	v39 =	vld [tilespmem:s0+$0x110B0];
	v5 =	vadd.f32 v29, v5;
	[tilespmem:s0+$0x10080] =	vst v24  }
0x8d: {  	v43 =	vld [tilespmem:s0+$0x100C0];
	v8 =	vadd.f32 v30, v8;
	[tilespmem:s0+$0x11080] =	vst v25  }
0x8e: {  	v44 =	vld [tilespmem:s0+$0x110C0];
	v40 =	vadd.f32 v35, v20;
	[tilespmem:s0+$0x10090] =	vst v5  }
0x8f: {  	v49 =	vld [tilespmem:s0+$0x110D0];
	v42 =	vadd.f32 v36, v9;
	[tilespmem:s0+$0x11090] =	vst v8  }
0x90: {  	v53 =	vld [tilespmem:s0+$0x100E0];
	v18 =	vadd.f32 v38, v18;
	[tilespmem:s0+$0x100A0] =	vst v40  }
0x91: {  	v54 =	vld [tilespmem:s0+$0x110E0];
	v47 =	vadd.f32 v39, v6;
	[tilespmem:s0+$0x110A0] =	vst v42  }
0x92: {  	v58 =	vld [tilespmem:s0+$0x100F0];
	v9 =	vadd.f32 v43, v16;
	[tilespmem:s0+$0x100B0] =	vst v18  }
0x93: {  	v59 =	vld [tilespmem:s0+$0x110F0];
	v52 =	vadd.f32 v44, v7;
	[tilespmem:s0+$0x110B0] =	vst v47  }
0x94: {  	v48 =	vld [tilespmem:s0+$0x100D0];
	v57 =	vadd.f32 v49, v11;
	[tilespmem:s0+$0x100C0] =	vst v9  }
0x95: {  	s28 =	sadd.s32 $0x1, s23;
	v62 =	vld [tilespmem:s0+$0x120F0];
	v7 =	vadd.f32 v53, v12;
	[tilespmem:s0+$0x110C0] =	vst v52  }
0x96: {  	p0 =	slt.s32 s28, $0x20;
	v61 =	vadd.f32 v54, v10;
	[tilespmem:s0+$0x110D0] =	vst v57  }
0x97: {  	s28 =	simm.s32 @!p0 $0x20;
	p0 =	slt.s32 s24, s21;
	v2 =	vadd.f32 v58, v2;
	[tilespmem:s0+$0x100E0] =	vst v7  }
.Ltmp5:
0x98: {  	v3 =	vadd.f32 v59, v3;
	[tilespmem:s0+$0x110E0] =	vst v61;
	(pc) =	sbr.rel @!p0 .LBB2_15-.Ltmp5, $4  }
0x99: {  	[tilespmem:s0+$0x100F0] =	vst v2  }
0x9a: {  	p1 =	slt.s32 s22, s25;
	v5 =	vadd.f32 v48, v14;
	[tilespmem:s0+$0x110F0] =	vst v3;
	v2 =	vmax.f32 v62, v13  }
0x9b: {  	s31 =	sadd.s32 $0x1, s24;
	s28 =	smov.u32 @p1 s23;
	[tilespmem:s0+$0x120F0] =	vst v2  }
0x9c: {  	s26 =	smov.u32 s22;
	s24 =	smov.u32 s31;
	s23 =	smov.u32 s28;
	[tilespmem:s0+$0x100D0] =	vst v5  }
.LBB2_5:
0x9d: {  	s25 =	sadd.s32 $0x1, s20  }
0x9e: {  	s28 =	sshll.u32 s25, $0x8  }
0x9f: {  	p1 =	slt.s32 s26, s17;
	p0 =	sge.s32 s26, s28  }
0xa0: {  	p0 =	por !p1, !p0  }
0xa1: {  	p0 =	por !p0, !p0  }
0xa2: {  	p1 =	sle.s32 @p0 s25, s18  }
0xa3: {  	s0 =	sadd.s32 @p0 $0x2, s20;
	p2 =	por p1, !p0  }
0xa4: {  	p2 =	sgt.s32 @!p2 s0, s19  }
0xa5: {  	p1 =	por @p0 p2, p1  }
0xa6: {  	p1 =	por p1, !p0  }
0xa7: {  	s28 =	ssub.s32 @!p1 s0, s18  }
0xa8: {  	s29 =	sshrl.u32 @!p1 s28, $0x1F  }
0xa9: {  	s29 =	sadd.s32 @!p1 s29, s28  }
0xaa: {  	s30 =	simm.s32 @p0 $0x1;
	s29 =	sand.u32 @!p1 $0x7FFE, s29  }
0xab: {  	_ =	swait.ge @p0 [sflag:s30], $0x8000;
	s28 =	ssub.s32 @!p1 s28, s29  }
0xac: {  	[sflag:s30] =	ssyncset.done @p0 $0x0;
	s0 =	sshll.u32 @!p1 s0, $0xC;
	s28 =	sshll.u32 @!p1 s28, $0x11  }
0xad: {  	[sflag:s30] =	ssyncadd.s32 @p0 $0xFFFF8000;
	s0 =	sand.u32 @!p1 $0x1FFFF000, s0;
	s28 =	sshra.s32 @!p1 s28, $0x2  }
0xae: {  	s0 =	sadd.s32 @!p1 s1, s0;
	s29 =	simm.s32 @!p1 $0x0;
	s28 =	sor.u32 @!p1 $0x80, s28  }
0xaf: {  	[tilespmem:s28], [sflag:$0x1] =	stream.linear.gather @!p1 [hbm4b:s0+s29], $0x8000, $0x38;
	[tilespmem:$0x14080] =	vst v63  }
0xb0: {  	v2 =	vld [tilespmem:s23+$0x1];
	_ =	sdelay $0x4  }
0xb1: {  	(v2sf) =	vpush v2, $0x0;
	_ =	sdelay $0xc  }
0xb2: {  	s20 =	smov.u32 @p0 s25  }
0xb3: {  	s28 =	sshll.u32 s20, $0x8  }
0xb4: {  	s0 =	sadd.s32 $0x100, s28;
	s25 =	spop (v2sf)  }
0xb5: {  	p0 =	slt.s32 s25, s0  }
0xb6: {  	s0 =	smov.u32 @p0 s25  }
0xb7: {  	s29 =	smov.u32 s17;
	p0 =	slt.s32 s0, s17  }
0xb8: {  	s29 =	smov.u32 @p0 s0  }
0xb9: {  	p0 =	sgt.s32 s29, s26  }
0xba: {  	s22 =	smov.u32 @p0 s29  }
0xbb: {  	p0 =	slt.s32 s26, s29;
	s29 =	simm.s32 $0x1;
	s31 =	ssub.s32 s22, s26  }
0xbc: {  	s29 =	simm.s32 @!p0 $0x0;
	s30 =	sshra.s32 s31, $0x1F  }
0xbd: {  	s29 =	sor.u32 s29, s30;
	s30 =	sand.u32 $0x1, s31  }
0xbe: {  	p5 =	sne.s32 s29, $0x1;
	p6 =	seq.s32 s30, $0x1  }
0xbf: {  	s30 =	sshrl.u32 s31, $0x1F;
	p0 =	por !p5, !p6  }
0xc0: {  	s0 =	sadd.s32 s30, s31;
	s30 =	simm.s32 $0x1;
	p0 =	por !p0, !p0  }
0xc1: {  	s0 =	sshra.s32 s0, $0x1;
	s30 =	simm.s32 @!p0 $0x0  }
0xc2: {  	s30 =	ssub.s32 s0, s30  }
0xc3: {  	p0 =	slt.s32 s30, $0x1  }
.Ltmp6:
0xc4: {  	s29 =	ssub.s32 s20, s18;
	(pc) =	sbr.rel @p0 .LBB2_6-.Ltmp6, $4  }
0xc5: {  	s31 =	sshrl.u32 s29, $0x1F  }
0xc6: {  	s31 =	sadd.s32 s31, s29  }
0xc7: {  	s31 =	sand.u32 $0xFFFFFFFE, s31  }
0xc8: {  	s29 =	ssub.s32 s29, s31  }
0xc9: {  	s0 =	ssub.s32 s20, s29  }
0xca: {  	s0 =	sshll.u32 s0, $0x8  }
0xcb: {  	s0 =	ssub.s32 s26, s0  }
0xcc: {  	s0 =	sshll.u32 s0, $0x9  }
0xcd: {  	s0 =	sshra.s32 s0, $0x2  }
0xce: {  	s0 =	sadd.s32 $0x100, s0  }
0xcf: {  	v2 =	vld [tilespmem:s0+$0xFFFFFFF0]  }
0xd0: {  	v3 =	vld [tilespmem:s0+$0x70]  }
0xd1: {  	v7 =	vld [tilespmem:s0+$0x0]  }
0xd2: {  	v4 =	vld [tilespmem:s0+$0xFFFFFF90]  }
0xd3: {  	v6 =	vld [tilespmem:s0+$0xFFFFFFA0]  }
0xd4: {  	v8 =	vld [tilespmem:s0+$0x20]  }
0xd5: {  	v16 =	vld [tilespmem:s0+$0xFFFFFFB0]  }
0xd6: {  	v18 =	vld [tilespmem:s0+$0x30]  }
0xd7: {  	v10 =	vimm.f32 $0.0e+00;
	v12 =	vimm.f32 $-Inf;
	v27 =	vimm.f32 $0.0e+00;
	v22 =	vld [tilespmem:s0+$0xFFFFFFD0]  }
0xd8: {  	v28 =	vimm.f32 $-Inf;
	v29 =	vimm.f32 $0.0e+00;
	v30 =	vimm.f32 $-Inf;
	v23 =	vld [tilespmem:s0+$0x50]  }
0xd9: {  	v31 =	vimm.f32 $0.0e+00;
	v32 =	vimm.f32 $-Inf;
	v33 =	vimm.f32 $-Inf;
	v5 =	vld [tilespmem:s0+$0x10]  }
0xda: {  	v9 =	vadd.f32 v3, v2;
	v14 =	vmul.f32 v2, v2;
	v15 =	vmul.f32 v3, v3  }
0xdb: {  	v11 =	vmul.f32 v7, v7;
	v13 =	vmax.f32 v2, v3;
	v17 =	vmul.f32 v4, v4  }
0xdc: {  	v24 =	vld [tilespmem:s0+$0xFFFFFF80];
	v20 =	vadd.f32 v8, v6;
	v21 =	vmax.f32 v6, v8;
	v34 =	vadd.f32 v18, v16  }
0xdd: {  	v19 =	vld [tilespmem:s0+$0x40];
	v35 =	vmax.f32 v16, v18;
	v38 =	vadd.f32 v23, v22;
	v2 =	vadd.f32 v9, v10  }
0xde: {  	v3 =	vadd.f32 v15, v14;
	v9 =	vmul.f32 v5, v5;
	v14 =	vmax.f32 v4, v5;
	v15 =	vld [tilespmem:s0+$0xFFFFFFC0]  }
0xdf: {  	v26 =	vld [tilespmem:s0+$0xFFFFFFE0];
	v5 =	vadd.f32 v5, v4;
	v4 =	vmax.f32 v12, v14;
	v14 =	vmul.f32 v6, v6  }
0xe0: {  	v6 =	vmul.f32 v16, v16;
	v16 =	vld [tilespmem:s0+$0x60];
	v9 =	vadd.f32 v9, v17;
	v17 =	vmul.f32 v8, v8  }
0xe1: {  	v39 =	vmax.f32 v22, v23;
	v42 =	vmul.f32 v24, v24;
	v3 =	vadd.f32 v3, v10  }
0xe2: {  	v5 =	vadd.f32 v5, v10;
	v14 =	vadd.f32 v17, v14;
	v17 =	vmul.f32 v18, v18  }
0xe3: {  	v8 =	vadd.f32 v9, v10;
	v18 =	vmul.f32 v15, v15;
	v36 =	vadd.f32 v19, v15  }
0xe4: {  	s31 =	ssub.s32 $0x0, s30;
	v37 =	vmax.f32 v15, v19;
	v6 =	vadd.f32 v17, v6;
	v17 =	vmul.f32 v19, v19  }
0xe5: {  	s31 =	sadd.s32 $0x1, s31;
	v9 =	vadd.f32 v14, v10;
	v14 =	vmul.f32 v22, v22;
	v40 =	vadd.f32 v16, v26  }
0xe6: {  	p0 =	seq.s32 s31, $0x0;
	v41 =	vmax.f32 v26, v16;
	v19 =	vimm.f32 $-Inf;
	v15 =	vadd.f32 v17, v18  }
.Ltmp7:
0xe7: {  	v17 =	vmul.f32 v23, v23;
	v6 =	vadd.f32 v6, v10;
	v18 =	vmul.f32 v26, v26;
	(pc) =	sbr.rel @p0 .LBB2_9-.Ltmp7, $4  }
0xe8: {  	v23 =	vadd.f32 v7, v24;
	v24 =	vmax.f32 v24, v7;
	v26 =	vimm.f32 $0.0e+00  }
0xe9: {  	v22 =	vadd.f32 v17, v14;
	v14 =	vmul.f32 v16, v16;
	v7 =	vadd.f32 v15, v10  }
0xea: {  	v15 =	vimm.f32 $0.0e+00;
	v16 =	vimm.f32 $0.0e+00;
	v17 =	vimm.f32 $0.0e+00  }
0xeb: {  	s0 =	sadd.s32 $0x100, s0;
	v25 =	vadd.f32 v14, v18;
	v14 =	vimm.f32 $-Inf;
	v18 =	vimm.f32 $0.0e+00  }
.LBB2_8:
0xec: {  	v43 =	vld [tilespmem:s0+$0xFFFFFFF0];
	v11 =	vadd.f32 v11, v42;
	v12 =	vmax.f32 v12, v24;
	v10 =	vadd.f32 v22, v10  }
0xed: {  	s31 =	sadd.s32 $0x1, s31;
	v15 =	vadd.f32 v23, v15;
	v14 =	vmax.f32 v14, v21;
	v22 =	vld [tilespmem:s0+$0x70];
	v18 =	vadd.f32 v25, v18  }
0xee: {  	v17 =	vadd.f32 v20, v17;
	v19 =	vmax.f32 v19, v35;
	p0 =	seq.s32 s31, $0x0;
	v24 =	vld [tilespmem:s0+$0x0];
	v16 =	vadd.f32 v11, v16  }
0xef: {  	v26 =	vadd.f32 v34, v26;
	v27 =	vadd.f32 v36, v27;
	v28 =	vmax.f32 v28, v37;
	v20 =	vld [tilespmem:s0+$0xFFFFFF90]  }
0xf0: {  	v29 =	vadd.f32 v38, v29;
	v30 =	vmax.f32 v30, v39;
	v31 =	vadd.f32 v40, v31;
	v21 =	vld [tilespmem:s0+$0x10]  }
0xf1: {  	v32 =	vmax.f32 v32, v41;
	v33 =	vmax.f32 v33, v13;
	v23 =	vld [tilespmem:s0+$0xFFFFFFA0]  }
0xf2: {  	v35 =	vmul.f32 v43, v43;
	v25 =	vld [tilespmem:s0+$0x20];
	v34 =	vadd.f32 v22, v43;
	v36 =	vmul.f32 v22, v22  }
0xf3: {  	v13 =	vmax.f32 v43, v22;
	v11 =	vmul.f32 v24, v24;
	v37 =	vld [tilespmem:s0+$0xFFFFFFB0]  }
0xf4: {  	v22 =	vmul.f32 v20, v20;
	v38 =	vld [tilespmem:s0+$0x30];
	v2 =	vadd.f32 v34, v2;
	v34 =	vadd.f32 v36, v35  }
0xf5: {  	v35 =	vadd.f32 v21, v20;
	v36 =	vmul.f32 v21, v21;
	v20 =	vmax.f32 v20, v21;
	v39 =	vld [tilespmem:s0+$0xFFFFFFC0]  }
0xf6: {  	v4 =	vmax.f32 v4, v20;
	v40 =	vmul.f32 v23, v23;
	v41 =	vld [tilespmem:s0+$0x40];
	v3 =	vadd.f32 v34, v3  }
0xf7: {  	v22 =	vadd.f32 v36, v22;
	v20 =	vadd.f32 v25, v23;
	v34 =	vmul.f32 v25, v25;
	v42 =	vld [tilespmem:s0+$0xFFFFFFD0]  }
0xf8: {  	v5 =	vadd.f32 v35, v5;
	v21 =	vmax.f32 v23, v25;
	v23 =	vmul.f32 v37, v37;
	v25 =	vld [tilespmem:s0+$0x50]  }
0xf9: {  	v40 =	vadd.f32 v34, v40;
	v34 =	vadd.f32 v38, v37;
	v36 =	vmul.f32 v38, v38;
	v43 =	vld [tilespmem:s0+$0xFFFFFFE0]  }
0xfa: {  	v8 =	vadd.f32 v22, v8;
	v35 =	vmax.f32 v37, v38;
	v22 =	vmul.f32 v39, v39;
	v44 =	vld [tilespmem:s0+$0x60]  }
0xfb: {  	v45 =	vld [tilespmem:s0+$0xFFFFFF80];
	v23 =	vadd.f32 v36, v23;
	v36 =	vadd.f32 v41, v39;
	v38 =	vmul.f32 v41, v41  }
0xfc: {  	v9 =	vadd.f32 v40, v9;
	v37 =	vmax.f32 v39, v41;
	v40 =	vmul.f32 v42, v42  }
.Ltmp8:
0xfd: {  	v41 =	vadd.f32 v38, v22;
	v38 =	vadd.f32 v25, v42;
	v22 =	vmul.f32 v25, v25;
	(pc) =	sbr.rel @!p0 .LBB2_8-.Ltmp8, $4  }
0xfe: {  	v6 =	vadd.f32 v23, v6;
	v39 =	vmax.f32 v42, v25;
	v25 =	vmul.f32 v43, v43  }
0xff: {  	v22 =	vadd.f32 v22, v40;
	v40 =	vadd.f32 v44, v43;
	v46 =	vmul.f32 v44, v44  }
0x100: {  	v23 =	vadd.f32 v24, v45;
	v42 =	vmul.f32 v45, v45;
	v24 =	vmax.f32 v45, v24  }
0x101: {  	s0 =	sadd.s32 $0x100, s0;
	v7 =	vadd.f32 v41, v7;
	v41 =	vmax.f32 v43, v44;
	v25 =	vadd.f32 v46, v25  }
.LBB2_9:
0x102: {  	v42 =	vadd.f32 v11, v42;
	v11 =	vadd.f32 v22, v10  }
.Ltmp9:
0x103: {  	v22 =	vmax.f32 v12, v24;
	v24 =	vadd.f32 v23, v15;
	v23 =	vmax.f32 v14, v21;
	(pc) =	sbr.rel .LBB2_10-.Ltmp9, $4  }
0x104: {  	v20 =	vadd.f32 v20, v17;
	v21 =	vmax.f32 v19, v35;
	v14 =	vadd.f32 v38, v29  }
0x105: {  	v19 =	vmax.f32 v28, v37;
	v12 =	vadd.f32 v40, v31;
	v10 =	vadd.f32 v25, v18  }
0x106: {  	v17 =	vmax.f32 v30, v39;
	v25 =	vadd.f32 v42, v16;
	v16 =	vadd.f32 v36, v27  }
0x107: {  	v15 =	vmax.f32 v32, v41;
	v13 =	vmax.f32 v33, v13;
	v18 =	vadd.f32 v34, v26  }
.LBB2_6:
0x108: {  	v22 =	vimm.f32 $-Inf;
	v24 =	vimm.f32 $0.0e+00;
	v5 =	vimm.f32 $0.0e+00  }
0x109: {  	v20 =	vimm.f32 $0.0e+00;
	v18 =	vimm.f32 $0.0e+00;
	v16 =	vimm.f32 $0.0e+00  }
0x10a: {  	v14 =	vimm.f32 $0.0e+00;
	v12 =	vimm.f32 $0.0e+00;
	v2 =	vimm.f32 $0.0e+00  }
0x10b: {  	v25 =	vimm.f32 $0.0e+00;
	v8 =	vimm.f32 $0.0e+00;
	v9 =	vimm.f32 $0.0e+00  }
0x10c: {  	v6 =	vimm.f32 $0.0e+00;
	v7 =	vimm.f32 $0.0e+00;
	v11 =	vimm.f32 $0.0e+00  }
0x10d: {  	v10 =	vimm.f32 $0.0e+00;
	v3 =	vimm.f32 $0.0e+00;
	v4 =	vimm.f32 $-Inf  }
0x10e: {  	v23 =	vimm.f32 $-Inf;
	v21 =	vimm.f32 $-Inf;
	v19 =	vimm.f32 $-Inf  }
0x10f: {  	v17 =	vimm.f32 $-Inf;
	v15 =	vimm.f32 $-Inf;
	v13 =	vimm.f32 $-Inf  }
.LBB2_10:
0x110: {  	s30 =	sshll.u32 s30, $0x1  }
0x111: {  	s0 =	sadd.s32 s26, s30  }
0x112: {  	p0 =	sge.s32 s0, s22  }
.Ltmp10:
0x113: {  	_ = 	snop;
	(pc) =	sbr.rel @p0 .LBB2_14-.Ltmp10, $1  }
0x114: {  	_ =	sdelay $0x3  }
0x115: {  	s29 =	sshll.u32 s29, $0x8  }
0x116: {  	s26 =	sadd.s32 s29, s26  }
0x117: {  	s26 =	sadd.s32 s30, s26  }
0x118: {  	s26 =	ssub.s32 s26, s28  }
0x119: {  	s26 =	sshll.u32 s26, $0x9  }
0x11a: {  	s26 =	sshra.s32 s26, $0x2  }
0x11b: {  	s26 =	sadd.s32 $0xC0, s26  }
0x11c: {  	v28 =	vld [tilespmem:s26+$0x30]  }
0x11d: {  	v29 =	vld [tilespmem:s26+$0xFFFFFFD0]  }
0x11e: {  	v30 =	vld [tilespmem:s26+$0xFFFFFFE0];
	_ =	sdelay $0x2  }
0x11f: {  	v32 =	vld [tilespmem:s26+$0xFFFFFFF0];
	v2 =	vadd.f32 v28, v2  }
0x120: {  	s0 =	sadd.s32 $0x1, s0;
	v27 =	vld [tilespmem:s26+$0x0];
	v31 =	vmul.f32 v28, v28;
	v13 =	vmax.f32 v13, v28;
	v28 =	vmul.f32 v29, v29  }
0x121: {  	p0 =	slt.s32 s0, s22;
	v26 =	vld [tilespmem:s26+$0x10];
	v5 =	vadd.f32 v29, v5;
	v4 =	vmax.f32 v4, v29;
	v29 =	vmul.f32 v30, v30  }
.Ltmp11:
0x122: {  	v8 =	vadd.f32 v28, v8;
	v28 =	vld [tilespmem:s26+$0x20];
	(pc) =	sbr.rel @!p0 .LBB2_13-.Ltmp11, $4  }
0x123: {  	v9 =	vadd.f32 v29, v9;
	v29 =	vld [tilespmem:s26+$0xFFFFFFC0]  }
0x124: {  	v20 =	vadd.f32 v30, v20;
	v23 =	vmax.f32 v23, v30;
	v30 =	vmul.f32 v32, v32  }
0x125: {  	v18 =	vadd.f32 v32, v18;
	v3 =	vadd.f32 v31, v3;
	v31 =	vmul.f32 v27, v27  }
0x126: {  	v21 =	vmax.f32 v21, v32;
	v6 =	vadd.f32 v30, v6;
	v30 =	vmul.f32 v26, v26;
	s26 =	sadd.s32 $0x80, s26  }
.LBB2_12:
0x127: {  	v32 =	vld [tilespmem:s26+$0x30];
	s0 =	sadd.s32 $0x1, s0;
	v16 =	vadd.f32 v27, v16;
	v7 =	vadd.f32 v31, v7;
	v31 =	vmul.f32 v28, v28  }
0x128: {  	v24 =	vadd.f32 v29, v24;
	v34 =	vmul.f32 v29, v29;
	v11 =	vadd.f32 v30, v11;
	p0 =	slt.s32 s0, s22;
	v33 =	vld [tilespmem:s26+$0xFFFFFFD0]  }
0x129: {  	v22 =	vmax.f32 v22, v29;
	v19 =	vmax.f32 v19, v27;
	v30 =	vld [tilespmem:s26+$0xFFFFFFE0];
	v10 =	vadd.f32 v31, v10  }
0x12a: {  	v14 =	vadd.f32 v26, v14;
	v17 =	vmax.f32 v17, v26;
	v25 =	vadd.f32 v34, v25;
	v35 =	vld [tilespmem:s26+$0xFFFFFFF0]  }
0x12b: {  	v12 =	vadd.f32 v28, v12;
	v15 =	vmax.f32 v15, v28;
	v27 =	vld [tilespmem:s26+$0x0]  }
0x12c: {  	v2 =	vadd.f32 v32, v2;
	v31 =	vmul.f32 v32, v32;
	v13 =	vmax.f32 v13, v32;
	v26 =	vld [tilespmem:s26+$0x10]  }
.Ltmp12:
0x12d: {  	v5 =	vadd.f32 v33, v5;
	v32 =	vmul.f32 v33, v33;
	v4 =	vmax.f32 v4, v33;
	v28 =	vld [tilespmem:s26+$0x20];
	(pc) =	sbr.rel @p0 .LBB2_12-.Ltmp12, $4  }
0x12e: {  	v3 =	vadd.f32 v31, v3;
	v29 =	vld [tilespmem:s26+$0xFFFFFFC0];
	v20 =	vadd.f32 v30, v20;
	v33 =	vmul.f32 v30, v30  }
0x12f: {  	v23 =	vmax.f32 v23, v30;
	v8 =	vadd.f32 v32, v8;
	v30 =	vmul.f32 v35, v35  }
0x130: {  	v18 =	vadd.f32 v35, v18;
	v9 =	vadd.f32 v33, v9;
	v31 =	vmul.f32 v27, v27  }
0x131: {  	s26 =	sadd.s32 $0x80, s26;
	v21 =	vmax.f32 v21, v35;
	v6 =	vadd.f32 v30, v6;
	v30 =	vmul.f32 v26, v26  }
.Ltmp13:
0x132: {  	_ = 	snop;
	(pc) =	sbr.rel .LBB2_13-.Ltmp13, $1  }
0x133: {  	_ =	sdelay $0x3  }
.LBB2_16:
0x134: {  	_ =	sfence.sel $0x180000  }
0x135: {  	[bflag:$0x0] =	sbarrier.arrive $0xFFFF  }
0x136: {  	_ =	strace $0x9000004A  }
0x137: {  	[bflag:$0x2] =	sbarrier.arrive $0xFFFF  }
0x138: {  	p0 =	sne.s32 s2, $0x0;
	s0 =	rddreg [dreg:$0x3]  }
0x139: {  	s0 =	sadd.s32 @!p0 $0x100000, s0  }
0x13a: {  	[sflag:s0] =	ssyncadd.tile.s32 @!p0 $0x1;
	_ =	shalt  }
.Lfunc_end2:
_tile_overlayer_lowered:
.L_overlay_start_2:
0x13b: {  	(tag) =	ssettag $0x2  }
0x13c: {  	s0 =	rddreg [dreg:$0x0];
	s2 =	stileid.u32  }
0x13d: {  	s1 =	rddreg [dreg:$0x1];
	p0 =	sne.s32 s2, $0x0  }
0x13e: {  	s3 =	rddreg [dreg:$0x2];
	[bflag:$0x3] =	sbarrier.arrive $0xFFFF;
	s2 =	simm.s32 @!p0 $0x1C02  }
0x13f: {  	[timem:s3], [sflag:s2] =	dma.local @!p0 [hbm:s0], s1  }
0x140: {  	s0 =	simm.s32 @!p0 $0x2  }
0x141: {  	_ =	swait.ge @!p0 [sflag:s0], s1  }
0x142: {  	s1 =	ssub.s32 @!p0 $0x0, s1;
	[sflag:s0] =	ssyncset.done @!p0 $0x0  }
0x143: {  	[sflag:s0] =	ssyncadd.s32 @!p0 s1  }
0x144: {  	[bflag:$0x3] =	sbarrier.arrive $0xFFFF  }
0x145: {  	_ =	shalt  }

// kernel: scatter_offload_async_start
scs
__scs_entry_jumppad:
0x0: {  	(pc) =	sbr.rel $0x88, $3  }
0x1: {  	(tag) =	ssettag $0x0;
	lr =	simm.s32 $0x1  }
0x2: {  	[smem:$0x3F9B] =	sst lr;
	_ =	strace $0xD0000000  }
0x3: {  	_ = 	snop  }
0x4: {  	_ = 	snop  }
0x5: {  	_ = 	snop  }
0x6: {  	_ = 	snop  }
0x7: {  	_ = 	snop  }
__scs_overlays_trampoline_lowered:
0x8: {  	[smem:$0x3FAA] =	sst s0  }
0x9: {  	[smem:$0x3FAB] =	sst s1  }
0xa: {  	[smem:$0x3FAC] =	sst s2  }
0xb: {  	[smem:$0x3FAD] =	sst s3  }
0xc: {  	[smem:$0x3FAE] =	sst s4  }
0xd: {  	[smem:$0x3FAF] =	sst s5  }
0xe: {  	[smem:$0x3FB0] =	sst s6  }
0xf: {  	[smem:$0x3FB1] =	sst s7  }
0x10: {  	[smem:$0x3FB2] =	sst s8  }
0x11: {  	[smem:$0x3FB3] =	sst s9;
	s0 =	simm.s32 @!p0 $0x0  }
0x12: {  	s1 =	sld [smem:$0x3F99];
	s0 =	simm.s32 @p0 $0x1  }
0x13: {  	[smem:$0x3FB4] =	sst s0;
	s0 =	simm.s32 @!p1 $0x0  }
0x14: {  	s2 =	sld [smem:$0x3F98];
	s0 =	simm.s32 @p1 $0x1  }
0x15: {  	[smem:$0x3FB5] =	sst s0;
	s0 =	simm.s32 @!p2 $0x0  }
0x16: {  	s3 =	sld [smem:$0x3FDB];
	s0 =	simm.s32 @p2 $0x1  }
0x17: {  	s4 =	simm.s32 $0x1BF5;
	[smem:$0x3FB7] =	sst s0  }
0x18: {  	s0 =	sld [smem:$0x3F9A];
	_ =	swait.ge [sflag:s4], $0x0  }
0x19: {  	s7 =	sld [smem:$0x3F9B]  }
0x1a: {  	s8 =	sadd.s32 $0xFFFFE003, lr  }
0x1b: {  	s9 =	sadd.s32 $0xFFFFFEF7, lr;
	s5 =	simm.s32 $0xFFFFFFFF;
	p2 =	slt.u32 s8, $0xFFFFF086  }
0x1c: {  	p1 =	slt.u32 s9, $0xF7A;
	s5 =	simm.s32 @!p2 $0x0  }
0x1d: {  	s5 =	simm.s32 @p1 $0x1;
	p0 =	seq.s32 s7, s2  }
0x1e: {  	s7 =	smul.u32 @!p0 $0xF7A, s2;
	p2 =	seq.s32 @!p0 s5, $0x0  }
0x1f: {  	s9 =	smul.u32 $0xF7A, s1;
	s8 =	simm.s32 @!p0 $0x1BF5;
	p2 =	por !p2, p0  }
0x20: {  	[sflag:s8] =	ssyncset.s32 @!p0 $0xFFFFF086;
	s6 =	sadd.s32 @!p0 s3, s7;
	s7 =	simm.s32 @!p0 $0x108  }
0x21: {  	s3 =	sadd.s32 s3, s9;
	s6 =	sadd.s32 @!p0 $0x88, s6;
	s7 =	simm.s32 @p2 $0x1082  }
0x22: {  	[simem:s7], [sflag:s8] =	dma.local @!p0 [hbm:s6], $0xF7A  }
0x23: {  	s9 =	sor.u32 $0xD0000000, s2;
	s6 =	simm.s32 $0x108;
	_ =	swait.ge @!p0 [sflag:s8], $0x0  }
0x24: {  	s3 =	sadd.s32 $0x88, s3;
	s6 =	simm.s32 @!p1 $0x1082;
	[sflag:s4] =	ssyncset.s32 $0xFFFFF086  }
0x25: {  	[simem:s6], [sflag:s4] =	dma.local [hbm:s3], $0xF7A  }
0x26: {  	[smem:$0x3F9B] =	sst s1;
	(tag) =	ssettag s2;
	_ =	strace s9  }
0x27: {  	s1 =	sld [smem:$0x3FAB]  }
0x28: {  	s2 =	sld [smem:$0x3FAC]  }
0x29: {  	s4 =	sld [smem:$0x3FAE]  }
0x2a: {  	p0 =	seq.s32 s5, $0x0;
	s5 =	sld [smem:$0x3FAF]  }
0x2b: {  	s6 =	sld [smem:$0x3FB0]  }
0x2c: {  	s7 =	sld [smem:$0x3FB1]  }
0x2d: {  	s3 =	simm.s32 $0x108;
	s8 =	sld [smem:$0x3FB2]  }
0x2e: {  	s3 =	simm.s32 @!p0 $0x1082;
	s9 =	sld [smem:$0x3FB3]  }
0x2f: {  	lr =	sadd.s32 s0, s3;
	s0 =	sld [smem:$0x3FAA]  }
0x30: {  	s3 =	sld [smem:$0x3FAD]  }
0x31: {  	[smem:$0x3FB6] =	sst s10  }
0x32: {  	s10 =	sld [smem:$0x3FB4];
	_ =	sdelay $0x3  }
0x33: {  	p0 =	seq.s32 s10, $0x1;
	s10 =	sld [smem:$0x3FB6];
	_ =	sdelay $0x3  }
0x34: {  	[smem:$0x3FB6] =	sst s10  }
0x35: {  	s10 =	sld [smem:$0x3FB5];
	_ =	sdelay $0x3  }
0x36: {  	p1 =	seq.s32 s10, $0x1;
	s10 =	sld [smem:$0x3FB6];
	_ =	sdelay $0x3  }
0x37: {  	[smem:$0x3FB6] =	sst s10  }
0x38: {  	s10 =	sld [smem:$0x3FB7]  }
0x39: {  	_ = 	snop;
	(pc) =	sbr.ind lr, $3  }
0x3a: {  	_ = 	snop  }
0x3b: {  	_ = 	snop  }
0x3c: {  	p2 =	seq.s32 s10, $0x1;
	s10 =	sld [smem:$0x3FB6]  }
0x3d: {  	_ =	shalt  }
0x3e: {  	_ =	shalt  }
0x3f: {  	_ =	shalt  }
0x40: {  	_ =	shalt  }
0x41: {  	_ =	shalt  }
0x42: {  	_ =	shalt  }
0x43: {  	_ =	shalt  }
0x44: {  	_ =	shalt  }
0x45: {  	_ =	shalt  }
0x46: {  	_ =	shalt  }
0x47: {  	_ =	shalt  }
0x48: {  	_ =	shalt  }
0x49: {  	_ =	shalt  }
0x4a: {  	_ =	shalt  }
0x4b: {  	_ =	shalt  }
0x4c: {  	_ =	shalt  }
0x4d: {  	_ =	shalt  }
0x4e: {  	_ =	shalt  }
0x4f: {  	_ =	shalt  }
0x50: {  	_ =	shalt  }
0x51: {  	_ =	shalt  }
0x52: {  	_ =	shalt  }
0x53: {  	_ =	shalt  }
0x54: {  	_ =	shalt  }
0x55: {  	_ =	shalt  }
0x56: {  	_ =	shalt  }
0x57: {  	_ =	shalt  }
0x58: {  	_ =	shalt  }
0x59: {  	_ =	shalt  }
0x5a: {  	_ =	shalt  }
0x5b: {  	_ =	shalt  }
0x5c: {  	_ =	shalt  }
0x5d: {  	_ =	shalt  }
0x5e: {  	_ =	shalt  }
0x5f: {  	_ =	shalt  }
0x60: {  	_ =	shalt  }
0x61: {  	_ =	shalt  }
0x62: {  	_ =	shalt  }
0x63: {  	_ =	shalt  }
0x64: {  	_ =	shalt  }
0x65: {  	_ =	shalt  }
0x66: {  	_ =	shalt  }
0x67: {  	_ =	shalt  }
0x68: {  	_ =	shalt  }
0x69: {  	_ =	shalt  }
0x6a: {  	_ =	shalt  }
0x6b: {  	_ =	shalt  }
0x6c: {  	_ =	shalt  }
0x6d: {  	_ =	shalt  }
0x6e: {  	_ =	shalt  }
0x6f: {  	_ =	shalt  }
0x70: {  	_ =	shalt  }
0x71: {  	_ =	shalt  }
0x72: {  	_ =	shalt  }
0x73: {  	_ =	shalt  }
0x74: {  	_ =	shalt  }
0x75: {  	_ =	shalt  }
0x76: {  	_ =	shalt  }
0x77: {  	_ =	shalt  }
0x78: {  	_ =	shalt  }
0x79: {  	_ =	shalt  }
0x7a: {  	_ =	shalt  }
0x7b: {  	_ =	shalt  }
0x7c: {  	_ =	shalt  }
0x7d: {  	_ =	shalt  }
0x7e: {  	_ =	shalt  }
0x7f: {  	_ =	shalt  }
0x80: {  	_ =	shalt  }
0x81: {  	_ =	shalt  }
0x82: {  	_ =	shalt  }
0x83: {  	_ =	shalt  }
0x84: {  	_ =	shalt  }
0x85: {  	_ =	shalt  }
0x86: {  	_ =	shalt  }
0x87: {  	_ =	shalt  }
.Lfunc_end0:
.L_simem_size_0:
called_computation_lowered:
.L_overlay_start_0:
0x88: {  	s0 =	sld [smem:$0x3FD9]  }
0x89: {  	s1 =	sld [smem:$0x3FFE];
	_ =	sdelay $0x3  }
0x8a: {  	s0 =	sadd.s32 s1, s0  }
0x8b: {  	[smem:$0x3FC2] =	sst s0  }
0x8c: {  	_ = 	snop  }
0x8d: {  	s0 =	sld [smem:$0x3FD0];
	(tm) =	ssettm $0x1  }
0x8e: {  	s16 =	sld [smem:$0x3FFB];
	_ =	sdelay $0x3  }
0x8f: {  	_ =	strace s16  }
0x90: {  	s1 =	sld [smem:$0x3FFC];
	_ =	sdelay $0x3  }
0x91: {  	_ =	strace s1  }
0x92: {  	s1 =	sld [smem:$0x3FFD];
	_ =	sdelay $0x3  }
0x93: {  	_ =	strace s1  }
0x94: {  	_ =	strace $0x8FFFFFFF  }
0x95: {  	s17 =	sld [smem:$0x3FDB];
	_ =	sdelay $0x1  }
0x96: {  	s2 =	simm.s32 $_scs_section_size  }
0x97: {  	s3 =	simm.s32 $_size__tile_overlayer_lowered;
	s4 =	simm.s32 $_tile_overlayer_lowered  }
0x98: {  	s20 =	simm.s32 $0x1BFF;
	s19 =	sshll.u32 s4, $0x1;
	s1 =	sadd.s32 s2, s17  }
0x99: {  	s5 =	simm.s32 $0x0;
	s18 =	sshll.u32 s3, $0x1;
	s3 =	sadd.s32 s19, s1  }
0x9a: {  	[timem:s5], [sflag:s20] =	dma.local [hbm:s3], s18  }
0x9b: {  	_ =	swait.ge [sflag:s20], s18  }
0x9c: {  	s2 =	ssub.s32 $0x0, s18;
	[sflag:s20] =	ssyncset.done $0x0  }
0x9d: {  	[sflag:s20] =	ssyncadd.s32 s2;
	_ =	sdelay $0x1  }
0x9e: {  	s21 =	simm.s32 $0x1B8B  }
0x9f: {  	_ =	swait.ge [sflag:s21], $0x1  }
0xa0: {  	[sflag:s21] =	ssyncset.done $0x0  }
0xa1: {  	s23 =	simm.s32 $0x1B8E;
	s22 =	sld [smem:$0x3FFE];
	[sflag:s21] =	ssyncadd.s32 $0xFFFFFFFF  }
0xa2: {  	s24 =	simm.s32 $execute0_lowered;
	[smem:$0x3FD2] =	sst s23  }
0xa3: {  	s3 =	sshll.u32 s24, $0x1;
	_ =	strace $0x80000046;
	[dreg:$0x1] =	wrdreg $0xFFFFFFFF  }
0xa4: {  	s25 =	simm.s32 $_size_execute0_lowered;
	s1 =	sadd.s32 s1, s3;
	[dreg:$0x0] =	wrdreg $0x0  }
0xa5: {  	s3 =	sshll.u32 s25, $0x1;
	[dreg:$0x2] =	wrdreg s1  }
0xa6: {  	[dreg:$0x3] =	wrdreg s3  }
0xa7: {  	[dreg:$0x4] =	wrdreg $0xC0  }
0xa8: {  	_ =	task [dreg:s5], $0x5FFFF  }
0xa9: {  	[dreg:$0x1] =	wrdreg $0xFFFFFFFF  }
0xaa: {  	[dreg:$0x0] =	wrdreg $0x60  }
0xab: {  	[dreg:$0x2] =	wrdreg s0  }
0xac: {  	[dreg:$0x3] =	wrdreg s22  }
0xad: {  	[dreg:$0x4] =	wrdreg $0x9  }
0xae: {  	_ =	task.clear_ibuf [dreg:s5], $0x5FFFF;
	_ =	strace $0x90000046  }
0xaf: {  	s26 =	simm.s32 $0x9;
	_ =	strace $0x80000048  }
0xb0: {  	_ =	swait.ge [sflag:s26], $0x1  }
0xb1: {  	[sflag:s26] =	ssyncadd.s32 $0xFFFFFFFF  }
0xb2: {  	_ =	strace $0x90000048  }
0xb3: {  	_ =	sfence  }
0xb4: {  	s28 =	sld [smem:$0x0];
	_ =	sdelay $0x1  }
0xb5: {  	s29 =	srdreg.scid  }
0xb6: {  	s30 =	sshll.u32 s29, $0xD;
	s31 =	sshrl.u32 s29, $0x2  }
0xb7: {  	s2 =	sand.u32 $0x4000, s30;
	s1 =	sand.u32 $0x1, s29;
	s0 =	sadd.s32 s31, s28  }
0xb8: {  	s1 =	sor.u32 s2, s1;
	s0 =	sshll.u32 s0, $0x11  }
0xb9: {  	s0 =	sor.u32 s0, s1  }
0xba: {  	s0 =	sadd.s32 $0x8F2B, s0  }
0xbb: {  	[sflag:s0] =	ssyncadd.remote.s32 $0x1  }
0xbc: {  	_ =	sfence.sel $0xFFFF  }
0xbd: {  	[dreg:$0x0] =	wrdreg $0xFFFFFFFF;
	(pc) =	sbr.abs _section_cstart, $3  }
0xbe: {  	[dreg:$0x1] =	wrdreg $0xFFFFFFFF  }
0xbf: {  	_ =	task.clear_ibuf [dreg:s5], $0x2FFFF;
	_ =	strace $0x9FFFFFFF  }
0xc0: {  	(tm) =	ssettm $0x7FFFFFFF  }
0xc1: {  	_ =	shalt  }
tec
execute0_lowered:
.L_overlay_start_1:
0x0: {  	(tag) =	ssettag $0x1  }
0x1: {  	s1 =	rddreg [dreg:$0x0]  }
0x2: {  	s7 =	rddreg [dreg:$0x1]  }
0x3: {  	s0 =	rddreg [dreg:$0x2]  }
0x4: {  	s3 =	stileid.u32;
	_ =	strace $0x80000047;
	s4 =	simm.s32 $0x3E  }
0x5: {  	p0 =	sne.s32 s3, $0x0;
	[sflag:s4] =	ssyncpa.u1 $0x0;
	s29 =	smin.u32 s3, $0x8  }
0x6: {  	s30 =	sshll.u32 s3, $0x1;
	s2 =	simm.s32 @!p0 $0x1C3E;
	s5 =	simm.s32 @!p0 $0x0  }
0x7: {  	[spmem:s5], [sflag:s2] =	dma.local @!p0 [hbm:s1], $0x80  }
0x8: {  	s2 =	sadd.s32 s29, s30  }
0x9: {  	p1 =	slt.u32 s3, $0x8;
	s3 =	simm.s32 $0x5DC0;
	s2 =	smul.u32 $0x1F40, s2  }
0xa: {  	s3 =	simm.s32 @!p1 $0x3E80  }
0xb: {  	s3 =	sadd.s32 s3, s2  }
0xc: {  	s3 =	smin.u32 s3, $0x4E200  }
0xd: {  	s8 =	ssub.s32 s3, s2  }
0xe: {  	p1 =	sgt.s32 s8, $0x0  }
0xf: {  	s8 =	simm.s32 @!p1 $0x0  }
0x10: {  	s5 =	simm.s32 @!p0 $0x3E;
	s31 =	smulhi.u32 $0x10624DD3, s8  }
0x11: {  	_ =	swait.ge @!p0 [sflag:s5], $0x80  }
0x12: {  	s6 =	simm.s32 $0x2;
	[sflag:s5] =	ssyncset.done @!p0 $0x0;
	s9 =	sshrl.u32 s31, $0x9  }
0x13: {  	s11 =	simm.s32 $0x0;
	[sflag:s5] =	ssyncadd.s32 @!p0 $0xFFFFFF80;
	s10 =	smul.u32 $0x1F40, s9  }
.Ltmp0:
0x14: {  	s5 =	sadd.s32 $0x800, s7;
	[bflag:$0x0] =	sbarrier.arrive $0xFFFF;
	(pc) =	sbr.rel .LBB2_1-.Ltmp0, $4  }
0x15: {  	s7 =	sadd.s32 $0xA600, s7;
	[sflag:s4] =	ssyncpa.u1 $0x1;
	s4 =	simm.s32 $0x1  }
0x16: {  	[sflag:s4] =	ssyncpa.u1 $0x0;
	p1 =	sne.s32 s8, s10;
	s8 =	simm.s32 $0x1  }
0x17: {  	(ifvalue) =	ssetifvalue $0x400;
	[sflag:s6] =	ssyncpa.u1 $0x0;
	s8 =	simm.s32 @!p1 $0x0  }
0x18: {  	vm0 =	vmmov $0xffff;
	s10 =	smov.u32 s2;
	s8 =	sadd.s32 s8, s9;
	s9 =	simm.s32 $0x0  }
.LBB2_5:
0x19: {  	p2 =	sne.s32 s11, s8  }
.Ltmp1:
0x1a: {  	_ = 	snop;
	(pc) =	sbr.rel @!p2 .LBB2_6-.Ltmp1, $4  }
0x1b: {  	_ = 	snop  }
0x1c: {  	s12 =	sadd.s32 $0x1F40, s10  }
0x1d: {  	s10 =	smov.u32 s2;
	s13 =	sadd.s32 $0x1, s11;
	p1 =	slt.s32 s12, s3  }
0x1e: {  	s11 =	smov.u32 s13;
	s10 =	smov.u32 @p1 s12  }
.LBB2_1:
0x1f: {  	p1 =	sge.u32 s11, s8  }
0x20: {  	s12 =	sxor.u32 @!p1 $0xFFFFFFFF, s11  }
0x21: {  	s12 =	sand.u32 @!p1 $0x1, s12  }
0x22: {  	s12 =	smul.u32 @!p1 $0x1F40, s12  }
0x23: {  	s13 =	sshrl.u32 @!p1 s10, $0x3  }
0x24: {  	s16 =	sand.u32 @!p1 $0x7, s10;
	s14 =	sadd.s32 @!p1 s5, s13;
	s15 =	sadd.s32 @!p1 $0x40, s12  }
0x25: {  	[tilespmem:s15], [sflag:$0x2] =	stream.linear.gather @!p1 [hbm4b:s14+s16], $0x1F40, $0x38;
	[tilespmem:$0x7D40] =	vst v63  }
0x26: {  	s13 =	sadd.s32 @!p1 s7, s13;
	s12 =	sadd.s32 @!p1 $0x3EC0, s12  }
0x27: {  	[tilespmem:s12], [sflag:$0x2] =	stream.linear.gather @!p1 [hbm4b:s13+s16], $0x1F40, $0x38;
	[tilespmem:$0x7D40] =	vst v63  }
0x28: {  	p1 =	seq.s32 s11, $0x0  }
.Ltmp2:
0x29: {  	_ = 	snop;
	(pc) =	sbr.rel @p1 .LBB2_5-.Ltmp2, $1  }
0x2a: {  	_ =	sdelay $0x3  }
0x2b: {  	s12 =	sand.u32 $0x1, s11  }
0x2c: {  	_ =	swait.ge [sflag:s6], $0x3E80;
	p1 =	seq.s32 s12, $0x1;
	s12 =	simm.s32 $0x1F40  }
0x2d: {  	[sflag:s6] =	ssyncset.done $0x0;
	s12 =	simm.s32 @!p1 $0x0  }
0x2e: {  	[sflag:s6] =	ssyncadd.s32 $0xFFFFC180;
	s14 =	sadd.s32 $0x40, s12  }
0x2f: {  	v0 =	vld.msk [tilespmem:s14+$0x0 ss:$0x1], $0xffff;
	_ =	sdelay $0x4  }
0x30: {  	v0 =	vmin.u32 v0, $0x400;
	_ =	sdelay $0x3  }
0x31: {  	s13 =	simm.s32 $0x0;
	s12 =	sadd.s32 $0x3EC0, s12;
	s14 =	sadd.s32 $0x10, s14  }
0x32: {  	[spmem:s9] =	stream.indirect_vreg.scatter.add.s32 [tilespmem:s12], [sflag:$0x1], $0x1, v0, vm0, $0x4038;
	[tilespmem:$0x7D40] =	vst v63  }
.LBB2_3:
0x33: {  	v0 =	vld.msk [tilespmem:s14+$0x0 ss:$0x1], $0xffff;
	s13 =	sadd.s32 $0x10, s13  }
0x34: {  	p1 =	slt.u32 s13, $0x1F30;
	_ =	sdelay $0x4  }
0x35: {  	v0 =	vmin.u32 v0, $0x400  }
.Ltmp3:
0x36: {  	(pc) =	sbr.rel @p1 .LBB2_3-.Ltmp3, $3  }
0x37: {  	_ =	sdelay $0x1  }
0x38: {  	s14 =	sadd.s32 $0x10, s14;
	s12 =	sadd.s32 $0x10, s12  }
0x39: {  	[spmem:s9] =	stream.indirect_vreg.scatter.add.s32 [tilespmem:s12], [sflag:$0x1], $0x1, v0, vm0, $0x4038;
	[tilespmem:$0x7D40] =	vst v63  }
.Ltmp4:
0x3a: {  	(pc) =	sbr.rel .LBB2_5-.Ltmp4, $4  }
0x3b: {  	_ = 	snop  }
0x3c: {  	_ =	swait.ge [sflag:s4], $0x1F40  }
0x3d: {  	[sflag:s4] =	ssyncset.done $0x0  }
0x3e: {  	[sflag:s4] =	ssyncadd.s32 $0xFFFFE0C0  }
.LBB2_6:
0x3f: {  	_ =	sfence.sel $0x180000  }
0x40: {  	s2 =	simm.s32 $0x2;
	[bflag:$0x0] =	sbarrier.arrive $0xFFFF  }
0x41: {  	s30 =	simm.s32 $0x1;
	[sflag:s2] =	ssyncpa.u1 $0x1  }
0x42: {  	[sflag:s30] =	ssyncpa.u1 $0x1  }
0x43: {  	_ =	sfence.stream.spmem  }
0x44: {  	s31 =	simm.s32 $0x3D;
	[bflag:$0x0] =	sbarrier.arrive $0xFFFF  }
0x45: {  	s2 =	simm.s32 @p0 $0x3D;
	[sflag:s31] =	ssyncpa.u1 $0x0  }
0x46: {  	[sflag:s2] =	ssyncpa.u1 @p0 $0x1  }
0x47: {  	[bflag:$0x0] =	sbarrier.arrive @p0 $0xFFFF  }
0x48: {  	_ =	strace @p0 $0x90000047  }
0x49: {  	s3 =	simm.s32 @!p0 $0x1C3D;
	s2 =	simm.s32 @!p0 $0x0;
	[bflag:$0x2] =	sbarrier.arrive @p0 $0xFFFF  }
0x4a: {  	[hbm:s1], [sflag:s3] =	dma.local @!p0 [spmem:s2], $0x80  }
0x4b: {  	s1 =	simm.s32 @!p0 $0x3D  }
0x4c: {  	_ =	swait.ge @!p0 [sflag:s1], $0x80  }
0x4d: {  	[sflag:s1] =	ssyncset.done @!p0 $0x0  }
0x4e: {  	[sflag:s1] =	ssyncadd.s32 @!p0 $0xFFFFFF80  }
0x4f: {  	[sflag:s1] =	ssyncpa.u1 @!p0 $0x1  }
0x50: {  	[bflag:$0x0] =	sbarrier.arrive @!p0 $0xFFFF  }
0x51: {  	_ =	strace @!p0 $0x90000047  }
0x52: {  	s0 =	sadd.s32 @!p0 $0x100000, s0;
	[bflag:$0x2] =	sbarrier.arrive @!p0 $0xFFFF  }
0x53: {  	[sflag:s0] =	ssyncadd.tile.s32 @!p0 $0x1;
	_ =	shalt  }
.Lfunc_end2:
_tile_overlayer_lowered:
.L_overlay_start_2:
0x54: {  	(tag) =	ssettag $0x2  }
0x55: {  	s0 =	rddreg [dreg:$0x0];
	s2 =	stileid.u32  }
0x56: {  	s1 =	rddreg [dreg:$0x1];
	p0 =	sne.s32 s2, $0x0  }
0x57: {  	s3 =	rddreg [dreg:$0x2];
	[bflag:$0x3] =	sbarrier.arrive $0xFFFF;
	s2 =	simm.s32 @!p0 $0x1C01  }
0x58: {  	[timem:s3], [sflag:s2] =	dma.local @!p0 [hbm:s0], s1  }
0x59: {  	s0 =	simm.s32 @!p0 $0x1  }
0x5a: {  	_ =	swait.ge @!p0 [sflag:s0], s1  }
0x5b: {  	s1 =	ssub.s32 @!p0 $0x0, s1;
	[sflag:s0] =	ssyncset.done @!p0 $0x0  }
0x5c: {  	[sflag:s0] =	ssyncadd.s32 @!p0 s1  }
0x5d: {  	[bflag:$0x3] =	sbarrier.arrive $0xFFFF  }
0x5e: {  	_ =	shalt  }

</sc_bundles>
